<compile_context>
chip_gen: v7x
topology: tpu7x:2x2x1
jax: 0.10.2.dev20260603
libtpu: 0.0.44.dev20260713+nightly
codegen_flags: <defaults>
</compile_context>

<pallas_src>
import functools

import jax
import jax.numpy as jnp
from jax import lax
from jax.experimental import pallas as pl
from jax.experimental.pallas import tpu as pltpu
from jax.experimental.pallas import tpu_sc as plsc

N = 10000
E = 320000
D = 128

NC = 2
NS = 16
NW = NC * NS
EPW = E // NW
K = 80
NCHUNK = EPW // K
NP = 10240
DSEG = NP // NS
RPS = NP // NS

_MESH = plsc.VectorSubcoreMesh(core_axis_name="c", subcore_axis_name="s")


DEG_RING = 8


@functools.partial(
    pl.kernel,
    out_type=jax.ShapeDtypeStruct((NC, NP), jnp.float32),
    mesh=_MESH,
    scratch_types=[
        pltpu.VMEM((NCHUNK, K), jnp.int32),
        pltpu.VMEM((K,), jnp.float32),
        pltpu.VMEM((DSEG,), jnp.float32),
        pltpu.VMEM_SHARED((NP,), jnp.float32),
        pltpu.SemaphoreType.DMA,
        pltpu.SemaphoreType.DMA,
    ],
)
def _deg_kernel(ei_hbm, out_hbm, didx2, ones_v, zbuf, dacc, isem, ssem):
    cid = lax.axis_index("c")
    sid = lax.axis_index("s")
    wid = sid * NC + cid
    zero16 = jnp.zeros((16,), jnp.float32)
    ones16 = jnp.ones((16,), jnp.float32)

    cidx = pltpu.async_copy(ei_hbm.at[1, wid], didx2, isem)

    def zfill(i, _):
        zbuf[pl.ds(i * 16, 16)] = zero16
        return 0

    lax.fori_loop(0, DSEG // 16, zfill, 0)

    def ofill(i, _):
        ones_v[pl.ds(i * 16, 16)] = ones16
        return 0

    lax.fori_loop(0, K // 16, ofill, 0)

    pltpu.sync_copy(zbuf, dacc.at[pl.ds(sid * DSEG, DSEG)])
    cidx.wait()
    plsc.subcore_barrier()

    def sc(j, _):
        pltpu.async_copy(ones_v, dacc.at[didx2.at[j]], ssem, add=True)

        @pl.when(j >= DEG_RING)
        def _():
            pltpu.make_async_copy(ones_v, dacc.at[didx2.at[0]], ssem).wait()

        return 0

    lax.fori_loop(0, NCHUNK, sc, 0)

    def drain(i, _):
        pltpu.make_async_copy(ones_v, dacc.at[didx2.at[0]], ssem).wait()
        return 0

    lax.fori_loop(0, DEG_RING, drain, 0)
    plsc.subcore_barrier()
    pltpu.sync_copy(dacc.at[pl.ds(sid * DSEG, DSEG)],
                    out_hbm.at[cid, pl.ds(sid * DSEG, DSEG)])


@functools.partial(
    pl.kernel,
    out_type=jax.ShapeDtypeStruct((NC, NP, D), jnp.float32),
    mesh=_MESH,
    scratch_types=[
        pltpu.VMEM((NCHUNK, K), jnp.int32),
        pltpu.VMEM((6, K), jnp.int32),
        pltpu.VMEM((K, D), jnp.float32),
        pltpu.VMEM((K, D), jnp.float32),
        pltpu.VMEM((K, D), jnp.float32),
        pltpu.VMEM_SHARED((NP, D), jnp.float32),
        pltpu.SemaphoreType.DMA,
        pltpu.SemaphoreType.DMA,
        pltpu.SemaphoreType.DMA,
        pltpu.SemaphoreType.DMA,
        pltpu.SemaphoreType.DMA,
        pltpu.SemaphoreType.DMA,
        pltpu.SemaphoreType.DMA,
        pltpu.SemaphoreType.DMA,
        pltpu.SemaphoreType.DMA,
        pltpu.SemaphoreType.DMA,
        pltpu.SemaphoreType.DMA,
        pltpu.SemaphoreType.DMA,
    ],
)
def _agg_kernel(h_hbm, ei_hbm, out_hbm,
                sidx, dring, buf0, buf1, buf2, acc,
                gsem0, gsem1, gsem2, ssem0, ssem1, ssem2,
                isem0, isem1, isem2, isem3, isem4, isem5):
    cid = lax.axis_index("c")
    sid = lax.axis_index("s")
    wid = sid * NC + cid
    zero16 = jnp.zeros((16,), jnp.float32)
    isems = (isem0, isem1, isem2, isem3, isem4, isem5)
    ssems = (ssem0, ssem1, ssem2)
    bufs = (buf0, buf1, buf2)

    cs = pltpu.async_copy(ei_hbm.at[0, wid], sidx, gsem0)
    for s in range(3):
        pltpu.async_copy(ei_hbm.at[1, wid, s], dring.at[s], isems[s])

    def zfill(i, _):
        buf0[i // (D // 16), pl.ds((i % (D // 16)) * 16, 16)] = zero16
        return 0

    lax.fori_loop(0, K * (D // 16), zfill, 0)

    def zcopy(j, _):
        pltpu.async_copy(buf0, acc.at[pl.ds(sid * RPS + j * K, K)], ssem0)
        return 0

    lax.fori_loop(0, RPS // K, zcopy, 0)

    def zdrain(j, _):
        pltpu.make_async_copy(buf0, acc.at[pl.ds(sid * RPS, K)], ssem0).wait()
        return 0

    lax.fori_loop(0, RPS // K, zdrain, 0)
    cs.wait()
    plsc.subcore_barrier()

    def gather(j, buf, sem):
        jj = jnp.where(j < NCHUNK, j, 0)
        return pltpu.async_copy(h_hbm.at[sidx.at[jj]], buf, sem)

    def gwait(buf, sem):
        pltpu.make_async_copy(h_hbm.at[pl.ds(0, K)], buf, sem).wait()

    gather(0, buf0, gsem0)
    gather(1, buf1, gsem1)

    def step(j, slot):
        b = slot % 3
        nb = (slot + 2) % 3

        @pl.when(j + 2 <= NCHUNK)
        def _():
            @pl.when(j >= 1)
            def _():
                pltpu.make_async_copy(bufs[nb], acc.at[dring.at[nb]],
                                      ssems[nb]).wait()

            gather(j + 2, bufs[nb], (gsem0, gsem1, gsem2)[nb])

        gwait(bufs[b], (gsem0, gsem1, gsem2)[b])

        @pl.when(j < NCHUNK)
        def _():
            pltpu.make_async_copy(ei_hbm.at[1, wid, 0], dring.at[slot],
                                  isems[slot]).wait()
            pltpu.async_copy(bufs[b], acc.at[dring.at[slot]], ssems[b],
                             add=True)

        @pl.when(j + 3 < NCHUNK)
        def _():
            pltpu.async_copy(ei_hbm.at[1, wid, j + 3],
                             dring.at[(slot + 3) % 6], isems[(slot + 3) % 6])

    def hexa(t, _):
        j0 = 6 * t
        for s in range(6):
            step(j0 + s, s)
        return 0

    lax.fori_loop(0, (NCHUNK + 1) // 6, hexa, 0)
    pltpu.make_async_copy(buf0, acc.at[dring.at[0]], ssem0).wait()
    pltpu.make_async_copy(buf1, acc.at[dring.at[1]], ssem1).wait()

    plsc.subcore_barrier()
    pltpu.sync_copy(acc.at[pl.ds(sid * RPS, RPS)],
                    out_hbm.at[cid, pl.ds(sid * RPS, RPS)])


BN = 2000


def _scale_mm(x, w, degp):

    def body(x_ref, w_ref, dp_ref, h_ref, dinv_ref):
        deg = dp_ref[:, 0] + dp_ref[:, 1] + 1.0
        dinv = lax.rsqrt(deg)
        h = jnp.dot(x_ref[...], w_ref[...], preferred_element_type=jnp.float32)
        h_ref[...] = h * dinv[:, None]
        dinv_ref[...] = dinv[:, None]

    return pl.pallas_call(
        body,
        grid=(N // BN,),
        in_specs=[
            pl.BlockSpec((BN, D), lambda i: (i, 0)),
            pl.BlockSpec((D, D), lambda i: (0, 0)),
            pl.BlockSpec((BN, NC), lambda i: (i, 0)),
        ],
        out_specs=[
            pl.BlockSpec((BN, D), lambda i: (i, 0)),
            pl.BlockSpec((BN, 1), lambda i: (i, 0)),
        ],
        out_shape=[
            jax.ShapeDtypeStruct((N, D), jnp.float32),
            jax.ShapeDtypeStruct((N, 1), jnp.float32),
        ],
    )(x, w, degp)


def _combine_mm(acc, hp, dinv, b, w):

    def body(a_ref, hp_ref, dinv_ref, b_ref, w_ref, out_ref):
        dv = dinv_ref[...]
        u = dv * (a_ref[0] + a_ref[1] + hp_ref[...]) + b_ref[...]
        u = jnp.maximum(u, 0.0)
        out_ref[...] = jnp.dot(u, w_ref[...],
                               preferred_element_type=jnp.float32) * dv

    return pl.pallas_call(
        body,
        grid=(N // BN,),
        in_specs=[
            pl.BlockSpec((NC, BN, D), lambda i: (0, i, 0)),
            pl.BlockSpec((BN, D), lambda i: (i, 0)),
            pl.BlockSpec((BN, 1), lambda i: (i, 0)),
            pl.BlockSpec((1, D), lambda i: (0, 0)),
            pl.BlockSpec((D, D), lambda i: (0, 0)),
        ],
        out_specs=pl.BlockSpec((BN, D), lambda i: (i, 0)),
        out_shape=jax.ShapeDtypeStruct((N, D), jnp.float32),
    )(acc, hp, dinv, b, w)


def _final_mm(acc, hp, dinv, b, wo, bo):

    def body(a_ref, hp_ref, dinv_ref, b_ref, wo_ref, bo_ref, out_ref):
        dv = dinv_ref[...]
        v = dv * (a_ref[0] + a_ref[1] + hp_ref[...]) + b_ref[...]
        v = jnp.maximum(v, 0.0)
        out_ref[...] = lax.dot_general(
            wo_ref[...], v, (((0,), (1,)), ((), ())),
            preferred_element_type=jnp.float32) + bo_ref[...]

    return pl.pallas_call(
        body,
        grid=(1,),
        in_specs=[
            pl.BlockSpec((NC, N, D), lambda i: (0, 0, 0)),
            pl.BlockSpec((N, D), lambda i: (0, 0)),
            pl.BlockSpec((N, 1), lambda i: (0, 0)),
            pl.BlockSpec((1, D), lambda i: (0, 0)),
            pl.BlockSpec((D, 1), lambda i: (0, 0)),
            pl.BlockSpec((1, 1), lambda i: (0, 0)),
        ],
        out_specs=pl.BlockSpec((1, N), lambda i: (0, 0)),
        out_shape=jax.ShapeDtypeStruct((1, N), jnp.float32),
    )(acc, hp, dinv, b, wo, bo)


def kernel(x, edge_index, W1, b1, W2, b2, Wo, bo):
    ei = edge_index.astype(jnp.int32).reshape(2, NW, NCHUNK, K)

    degp = _deg_kernel(ei)
    h1, dinv = _scale_mm(x, W1, degp.T)
    acc1 = _agg_kernel(h1, ei)
    h2 = _combine_mm(acc1, h1, dinv, b1.reshape(1, D), W2)
    acc2 = _agg_kernel(h2, ei)
    out = _final_mm(acc2, h2, dinv, b2.reshape(1, D), Wo, bo.reshape(1, 1))
    return out.reshape(-1)

# --- scband reference (transcript-rebuilt; emitter-appended) ---
"""Pipeline reference for scband-scale-gcn-67680094650541 (READ-ONLY COPY).

The authoritative reference and input builder live on the scoring server;
editing this copy changes nothing except your own understanding.
"""

import jax, jax.numpy as jnp
import numpy as np

N_NODES = 10000
N_EDGES = 320000
IN_DIM = 128
HIDDEN_DIM = 128


def gcn_conv(x, edge_index, W, b):
    # Faithful PyG GCNConv: add self-loops, symmetric deg^{-1/2} normalization,
    # linear transform, scatter-add aggregation at dst, then bias.
    n = x.shape[0]
    src = edge_index[0]
    dst = edge_index[1]
    loop = jnp.arange(n, dtype=edge_index.dtype)
    src = jnp.concatenate([src, loop])
    dst = jnp.concatenate([dst, loop])
    ew = jnp.ones(src.shape[0], dtype=x.dtype)
    deg = jnp.zeros(n, dtype=x.dtype).at[dst].add(ew)
    dinv = jnp.where(deg > 0, jax.lax.rsqrt(deg), 0.0)
    norm = dinv[src] * dinv[dst]
    h = x @ W
    msg = h[src] * norm[:, None]
    out = jnp.zeros((n, W.shape[1]), dtype=x.dtype).at[dst].add(msg)
    return out + b


def setup_inputs(seed: int = 0) -> dict:
    key = jax.random.key(seed)
    k1, k2, k3, k4, k5 = jax.random.split(key, 5)
    x = jax.random.normal(k1, (N_NODES, IN_DIM), dtype=jnp.float32)
    edge_index = jax.random.randint(k2, (2, N_EDGES), 0, N_NODES, dtype=jnp.int64)
    W1 = jax.random.normal(k3, (IN_DIM, HIDDEN_DIM), dtype=jnp.float32) * 0.05
    b1 = jnp.zeros((HIDDEN_DIM,), dtype=jnp.float32)
    W2 = jax.random.normal(k4, (HIDDEN_DIM, HIDDEN_DIM), dtype=jnp.float32) * 0.05
    b2 = jnp.zeros((HIDDEN_DIM,), dtype=jnp.float32)
    Wo = jax.random.normal(k5, (HIDDEN_DIM, 1), dtype=jnp.float32) * 0.05
    bo = jnp.zeros((1,), dtype=jnp.float32)
    return {"x": x, "edge_index": edge_index, "W1": W1, "b1": b1, "W2": W2, "b2": b2, "Wo": Wo, "bo": bo}


def reference(x, edge_index, W1, b1, W2, b2, Wo, bo):
    # eval mode: dropout is identity
    h = gcn_conv(x, edge_index, W1, b1)
    h = jax.nn.relu(h)
    h = gcn_conv(h, edge_index, W2, b2)
    h = jax.nn.relu(h)
    logits = (h @ Wo + bo).reshape(-1)
    return logits

if __name__ == "__main__":
    import jax
    _d = setup_inputs()
    print(jax.jit(kernel)(*tuple(_d.values())))

</pallas_src>

<mosaic_0001>
#map = affine_map<(d0, d1) -> (0, 0, 0, 0)>
#map1 = affine_map<(d0, d1) -> (0, 0)>
module attributes {stable_mosaic.version = 14 : i64} {
  func.func @_deg_kernel(%arg0: i32, %arg1: i32, %arg2: memref<2x32x125x80xi32, #tpu.memory_space<hbm>>, %arg3: memref<2x10240xf32, #tpu.memory_space<hbm>>, %arg4: memref<125x80xi32, #tpu.memory_space<vmem>>, %arg5: memref<80xf32, #tpu.memory_space<vmem>>, %arg6: memref<640xf32, #tpu.memory_space<vmem>>, %arg7: memref<10240xf32, #tpu.memory_space<vmem_shared>>, %arg8: memref<!tpu.dma_semaphore, #tpu.memory_space<semaphore_mem>>, %arg9: memref<!tpu.dma_semaphore, #tpu.memory_space<semaphore_mem>>) attributes {dimension_semantics = [#tpu.dimension_semantics<core_parallel>, #tpu.dimension_semantics<subcore_parallel>], iteration_bounds = array<i64: 2, 16>, scalar_prefetch = 0 : i64, scratch_operands = 6 : i64, tpu.core_type = #tpu.core_type<sc_vector_subcore>, window_params = [{transform_indices = #map}, {transform_indices = #map1}]} {
    %mul3A = arith.constant 2 : i32
    %mul3A_0 = arith.muli %arg1, %mul3A : i32
    %add3A = arith.addi %mul3A_0, %arg0 : i32
    %broadcast_in_dim3A = arith.constant 0.000000e+00 : f32
    %broadcast_in_dim3A_1 = vector.broadcast %broadcast_in_dim3A : f32 to vector<16xf32>
    %broadcast_in_dim3A_2 = arith.constant 1.000000e+00 : f32
    %broadcast_in_dim3A_3 = vector.broadcast %broadcast_in_dim3A_2 : f32 to vector<16xf32>
    %dma_start3A = arith.constant 1 : i32
    %dma_start3A_4 = arith.constant 0 : i32
    %dma_start3A_5 = arith.constant 0 : i32
    %dma_start3A_6 = tpu.memref_slice %arg2[%dma_start3A, %add3A, %dma_start3A_4, %dma_start3A_5] : memref<2x32x125x80xi32, #tpu.memory_space<hbm>> -> memref<1x1x125x80xi32, #tpu.memory_space<hbm>>
    %dma_start3A_7 = tpu.memref_squeeze %dma_start3A_6 : memref<1x1x125x80xi32, #tpu.memory_space<hbm>> -> memref<125x80xi32, #tpu.memory_space<hbm>>
    %dma_start3A_8 = arith.constant 0 : i32
    %dma_start3A_9 = arith.constant 0 : i32
    %dma_start3A_10 = tpu.memref_slice %arg2[%dma_start3A, %add3A, %dma_start3A_8, %dma_start3A_9] : memref<2x32x125x80xi32, #tpu.memory_space<hbm>> -> memref<1x1x125x80xi32, #tpu.memory_space<hbm>>
    %dma_start3A_11 = tpu.memref_squeeze %dma_start3A_10 : memref<1x1x125x80xi32, #tpu.memory_space<hbm>> -> memref<125x80xi32, #tpu.memory_space<hbm>>
    tpu.enqueue_dma source(%dma_start3A_11 : memref<125x80xi32, #tpu.memory_space<hbm>>) target(%arg4 : memref<125x80xi32, #tpu.memory_space<vmem>>) target_semaphore(%arg8 : memref<!tpu.dma_semaphore, #tpu.memory_space<semaphore_mem>>)
    %scan3A = arith.constant 0 : i32
    %scan3A_12 = arith.constant 0 : i32
    %scan3A_13 = arith.constant 40 : i32
    %scan3A_14 = arith.addi %scan3A_12, %scan3A_13 : i32
    %scan3A_15 = arith.constant 1 : i32
    %scan3A_16 = scf.for %scan3A_54 = %scan3A_12 to %scan3A_14 step %scan3A_15 iter_args(%scan3A_55 = %scan3A) -> (i32)  : i32 {
      %mul3A_56 = arith.constant 16 : i32
      %mul3A_57 = arith.muli %scan3A_54, %mul3A_56 : i32
      %swap3A = arith.index_cast %mul3A_57 : i32 to index
      %swap3A_58 = tpu.vector_load %arg6[%swap3A] {strides = array<i32>} : memref<640xf32, #tpu.memory_space<vmem>>, vector<16xf32>,
      %swap3A_59 = vector.shape_cast %swap3A_58 : vector<16xf32> to vector<16xf32>
      %swap3A_60 = vector.shape_cast %broadcast_in_dim3A_1 : vector<16xf32> to vector<16xf32>
      tpu.vector_store %arg6[%swap3A], %swap3A_60 {strides = array<i32>} : memref<640xf32, #tpu.memory_space<vmem>>, vector<16xf32>,
      %scan3A_61 = arith.constant 0 : i32
      scf.yield %scan3A_61 : i32
    }
    %scan3A_17 = arith.constant 40 : i32
    %scan3A_18 = arith.constant 0 : i32
    %scan3A_19 = arith.constant 0 : i32
    %scan3A_20 = arith.constant 5 : i32
    %scan3A_21 = arith.addi %scan3A_19, %scan3A_20 : i32
    %scan3A_22 = arith.constant 1 : i32
    %scan3A_23 = scf.for %scan3A_54 = %scan3A_19 to %scan3A_21 step %scan3A_22 iter_args(%scan3A_55 = %scan3A_18) -> (i32)  : i32 {
      %mul3A_56 = arith.constant 16 : i32
      %mul3A_57 = arith.muli %scan3A_54, %mul3A_56 : i32
      %swap3A = arith.index_cast %mul3A_57 : i32 to index
      %swap3A_58 = tpu.vector_load %arg5[%swap3A] {strides = array<i32>} : memref<80xf32, #tpu.memory_space<vmem>>, vector<16xf32>,
      %swap3A_59 = vector.shape_cast %swap3A_58 : vector<16xf32> to vector<16xf32>
      %swap3A_60 = vector.shape_cast %broadcast_in_dim3A_3 : vector<16xf32> to vector<16xf32>
      tpu.vector_store %arg5[%swap3A], %swap3A_60 {strides = array<i32>} : memref<80xf32, #tpu.memory_space<vmem>>, vector<16xf32>,
      %scan3A_61 = arith.constant 0 : i32
      scf.yield %scan3A_61 : i32
    }
    %scan3A_24 = arith.constant 5 : i32
    %mul3A_25 = arith.constant 640 : i32
    %mul3A_26 = arith.muli %arg1, %mul3A_25 : i32
    "tpu.region"() ({
      %run_scoped3A = tpu.sem_alloc : memref<!tpu.dma_semaphore, #tpu.memory_space<semaphore_mem>>
      %dma_start3A_54 = tpu.memref_slice %arg7[%mul3A_26] : memref<10240xf32, #tpu.memory_space<vmem_shared>> -> memref<640xf32, #tpu.memory_space<vmem_shared>>
      %dma_start3A_55 = tpu.memref_slice %arg7[%mul3A_26] : memref<10240xf32, #tpu.memory_space<vmem_shared>> -> memref<640xf32, #tpu.memory_space<vmem_shared>>
      tpu.enqueue_dma source(%arg6 : memref<640xf32, #tpu.memory_space<vmem>>) target(%dma_start3A_55 : memref<640xf32, #tpu.memory_space<vmem_shared>>) target_semaphore(%run_scoped3A : memref<!tpu.dma_semaphore, #tpu.memory_space<semaphore_mem>>)
      %dma_wait3A_56 = tpu.memref_slice %arg7[%mul3A_26] : memref<10240xf32, #tpu.memory_space<vmem_shared>> -> memref<640xf32, #tpu.memory_space<vmem_shared>>
      %dma_wait3A_57 = tpu.memref_slice %arg7[%mul3A_26] : memref<10240xf32, #tpu.memory_space<vmem_shared>> -> memref<640xf32, #tpu.memory_space<vmem_shared>>
      tpu.wait_dma2 semaphore(%run_scoped3A : memref<!tpu.dma_semaphore, #tpu.memory_space<semaphore_mem>>) src(%arg6 : memref<640xf32, #tpu.memory_space<vmem>>) dst(%dma_wait3A_57 : memref<640xf32, #tpu.memory_space<vmem_shared>>)
      tpu.yield
    }) : () -> ()
    %dma_wait3A = arith.constant 1 : i32
    %dma_wait3A_27 = arith.constant 0 : i32
    %dma_wait3A_28 = arith.constant 0 : i32
    %dma_wait3A_29 = tpu.memref_slice %arg2[%dma_wait3A, %add3A, %dma_wait3A_27, %dma_wait3A_28] : memref<2x32x125x80xi32, #tpu.memory_space<hbm>> -> memref<1x1x125x80xi32, #tpu.memory_space<hbm>>
    %dma_wait3A_30 = tpu.memref_squeeze %dma_wait3A_29 : memref<1x1x125x80xi32, #tpu.memory_space<hbm>> -> memref<125x80xi32, #tpu.memory_space<hbm>>
    %dma_wait3A_31 = arith.constant 0 : i32
    %dma_wait3A_32 = arith.constant 0 : i32
    %dma_wait3A_33 = tpu.memref_slice %arg2[%dma_wait3A, %add3A, %dma_wait3A_31, %dma_wait3A_32] : memref<2x32x125x80xi32, #tpu.memory_space<hbm>> -> memref<1x1x125x80xi32, #tpu.memory_space<hbm>>
    %dma_wait3A_34 = tpu.memref_squeeze %dma_wait3A_33 : memref<1x1x125x80xi32, #tpu.memory_space<hbm>> -> memref<125x80xi32, #tpu.memory_space<hbm>>
    tpu.wait_dma2 semaphore(%arg8 : memref<!tpu.dma_semaphore, #tpu.memory_space<semaphore_mem>>) src(%dma_wait3A_34 : memref<125x80xi32, #tpu.memory_space<hbm>>) dst(%arg4 : memref<125x80xi32, #tpu.memory_space<vmem>>)
    %barrier3A = arith.constant 0 : index
    tpu.barrier barrier_id(%barrier3A)
    %scan3A_35 = arith.constant 0 : i32
    %scan3A_36 = arith.constant 0 : i32
    %scan3A_37 = arith.constant 125 : i32
    %scan3A_38 = arith.addi %scan3A_36, %scan3A_37 : i32
    %scan3A_39 = arith.constant 1 : i32
    %scan3A_40 = scf.for %scan3A_54 = %scan3A_36 to %scan3A_38 step %scan3A_39 iter_args(%scan3A_55 = %scan3A_35) -> (i32)  : i32 {
      %dma_start3A_56 = arith.constant 0 : i32
      %dma_start3A_57 = tpu.memref_slice %arg4[%scan3A_54, %dma_start3A_56] : memref<125x80xi32, #tpu.memory_space<vmem>> -> memref<1x80xi32, #tpu.memory_space<vmem>>
      %dma_start3A_58 = tpu.memref_squeeze %dma_start3A_57 : memref<1x80xi32, #tpu.memory_space<vmem>> -> memref<80xi32, #tpu.memory_space<vmem>>
      %dma_start3A_59 = arith.constant 0 : i32
      %dma_start3A_60 = tpu.memref_slice %arg7[%dma_start3A_59] : memref<10240xf32, #tpu.memory_space<vmem_shared>> -> memref<10240xf32, #tpu.memory_space<vmem_shared>>
      tpu.enqueue_indirect_dma source(%arg5 : memref<80xf32, #tpu.memory_space<vmem>>) target(%dma_start3A_60 : memref<10240xf32, #tpu.memory_space<vmem_shared>>) offsets(%dma_start3A_58 : memref<80xi32, #tpu.memory_space<vmem>>) semaphore(%arg9 : memref<!tpu.dma_semaphore, #tpu.memory_space<semaphore_mem>>) {add = true}
      %ge3A = arith.constant 8 : i32
      %ge3A_61 = arith.cmpi sge, %scan3A_54, %ge3A : i32
      %convert_element_type3A = arith.extui %ge3A_61 : i1 to i32
      %cond3A = arith.constant 0 : i32
      %cond3A_62 = arith.cmpi ne, %convert_element_type3A, %cond3A : i32
      scf.if %cond3A_62 {
        %dma_wait3A_64 = arith.constant 0 : i32
        %dma_wait3A_65 = arith.constant 0 : i32
        %dma_wait3A_66 = tpu.memref_slice %arg4[%dma_wait3A_64, %dma_wait3A_65] : memref<125x80xi32, #tpu.memory_space<vmem>> -> memref<1x80xi32, #tpu.memory_space<vmem>>
        %dma_wait3A_67 = tpu.memref_squeeze %dma_wait3A_66 : memref<1x80xi32, #tpu.memory_space<vmem>> -> memref<80xi32, #tpu.memory_space<vmem>>
        %dma_wait3A_68 = arith.constant 0 : i32
        %dma_wait3A_69 = tpu.memref_slice %arg7[%dma_wait3A_68] : memref<10240xf32, #tpu.memory_space<vmem_shared>> -> memref<10240xf32, #tpu.memory_space<vmem_shared>>
        tpu.wait_indirect_dma semaphore(%arg9 : memref<!tpu.dma_semaphore, #tpu.memory_space<semaphore_mem>>) src(%arg5 : memref<80xf32, #tpu.memory_space<vmem>>) dst(%dma_wait3A_69 : memref<10240xf32, #tpu.memory_space<vmem_shared>>)
      } else {
      }
      %scan3A_63 = arith.constant 0 : i32
      scf.yield %scan3A_63 : i32
    }
    %scan3A_41 = arith.constant 125 : i32
    %scan3A_42 = arith.constant 0 : i32
    %scan3A_43 = arith.constant 0 : i32
    %scan3A_44 = arith.constant 8 : i32
    %scan3A_45 = arith.addi %scan3A_43, %scan3A_44 : i32
    %scan3A_46 = arith.constant 1 : i32
    %scan3A_47 = scf.for %scan3A_54 = %scan3A_43 to %scan3A_45 step %scan3A_46 iter_args(%scan3A_55 = %scan3A_42) -> (i32)  : i32 {
      %dma_wait3A_56 = arith.constant 0 : i32
      %dma_wait3A_57 = arith.constant 0 : i32
      %dma_wait3A_58 = tpu.memref_slice %arg4[%dma_wait3A_56, %dma_wait3A_57] : memref<125x80xi32, #tpu.memory_space<vmem>> -> memref<1x80xi32, #tpu.memory_space<vmem>>
      %dma_wait3A_59 = tpu.memref_squeeze %dma_wait3A_58 : memref<1x80xi32, #tpu.memory_space<vmem>> -> memref<80xi32, #tpu.memory_space<vmem>>
      %dma_wait3A_60 = arith.constant 0 : i32
      %dma_wait3A_61 = tpu.memref_slice %arg7[%dma_wait3A_60] : memref<10240xf32, #tpu.memory_space<vmem_shared>> -> memref<10240xf32, #tpu.memory_space<vmem_shared>>
      tpu.wait_indirect_dma semaphore(%arg9 : memref<!tpu.dma_semaphore, #tpu.memory_space<semaphore_mem>>) src(%arg5 : memref<80xf32, #tpu.memory_space<vmem>>) dst(%dma_wait3A_61 : memref<10240xf32, #tpu.memory_space<vmem_shared>>)
      %scan3A_62 = arith.constant 0 : i32
      scf.yield %scan3A_62 : i32
    }
    %scan3A_48 = arith.constant 8 : i32
    %barrier3A_49 = arith.constant 0 : index
    tpu.barrier barrier_id(%barrier3A_49)
    %mul3A_50 = arith.constant 640 : i32
    %mul3A_51 = arith.muli %arg1, %mul3A_50 : i32
    %mul3A_52 = arith.constant 640 : i32
    %mul3A_53 = arith.muli %arg1, %mul3A_52 : i32
    "tpu.region"() ({
      %run_scoped3A = tpu.sem_alloc : memref<!tpu.dma_semaphore, #tpu.memory_space<semaphore_mem>>
      %dma_start3A_54 = tpu.memref_slice %arg3[%arg0, %mul3A_53] : memref<2x10240xf32, #tpu.memory_space<hbm>> -> memref<1x640xf32, #tpu.memory_space<hbm>>
      %dma_start3A_55 = tpu.memref_squeeze %dma_start3A_54 : memref<1x640xf32, #tpu.memory_space<hbm>> -> memref<640xf32, #tpu.memory_space<hbm>>
      %dma_start3A_56 = tpu.memref_slice %arg7[%mul3A_51] : memref<10240xf32, #tpu.memory_space<vmem_shared>> -> memref<640xf32, #tpu.memory_space<vmem_shared>>
      tpu.enqueue_dma source(%dma_start3A_56 : memref<640xf32, #tpu.memory_space<vmem_shared>>) target(%dma_start3A_55 : memref<640xf32, #tpu.memory_space<hbm>>) target_semaphore(%run_scoped3A : memref<!tpu.dma_semaphore, #tpu.memory_space<semaphore_mem>>)
      %dma_wait3A_57 = tpu.memref_slice %arg3[%arg0, %mul3A_53] : memref<2x10240xf32, #tpu.memory_space<hbm>> -> memref<1x640xf32, #tpu.memory_space<hbm>>
      %dma_wait3A_58 = tpu.memref_squeeze %dma_wait3A_57 : memref<1x640xf32, #tpu.memory_space<hbm>> -> memref<640xf32, #tpu.memory_space<hbm>>
      %dma_wait3A_59 = tpu.memref_slice %arg7[%mul3A_51] : memref<10240xf32, #tpu.memory_space<vmem_shared>> -> memref<640xf32, #tpu.memory_space<vmem_shared>>
      tpu.wait_dma2 semaphore(%run_scoped3A : memref<!tpu.dma_semaphore, #tpu.memory_space<semaphore_mem>>) src(%dma_wait3A_59 : memref<640xf32, #tpu.memory_space<vmem_shared>>) dst(%dma_wait3A_58 : memref<640xf32, #tpu.memory_space<hbm>>)
      tpu.yield
    }) : () -> ()
    return
  }
}

#map = affine_map<(d0, d1) -> (0, 0)>
#map1 = affine_map<(d0, d1) -> (0, 0, 0, 0)>
#map2 = affine_map<(d0, d1) -> (0, 0, 0)>
module attributes {stable_mosaic.version = 14 : i64} {
  func.func @_agg_kernel(%arg0: i32, %arg1: i32, %arg2: memref<10000x128xf32, #tpu.memory_space<hbm>>, %arg3: memref<2x32x125x80xi32, #tpu.memory_space<hbm>>, %arg4: memref<2x10240x128xf32, #tpu.memory_space<hbm>>, %arg5: memref<125x80xi32, #tpu.memory_space<vmem>>, %arg6: memref<6x80xi32, #tpu.memory_space<vmem>>, %arg7: memref<80x128xf32, #tpu.memory_space<vmem>>, %arg8: memref<80x128xf32, #tpu.memory_space<vmem>>, %arg9: memref<80x128xf32, #tpu.memory_space<vmem>>, %arg10: memref<10240x128xf32, #tpu.memory_space<vmem_shared>>, %arg11: memref<!tpu.dma_semaphore, #tpu.memory_space<semaphore_mem>>, %arg12: memref<!tpu.dma_semaphore, #tpu.memory_space<semaphore_mem>>, %arg13: memref<!tpu.dma_semaphore, #tpu.memory_space<semaphore_mem>>, %arg14: memref<!tpu.dma_semaphore, #tpu.memory_space<semaphore_mem>>, %arg15: memref<!tpu.dma_semaphore, #tpu.memory_space<semaphore_mem>>, %arg16: memref<!tpu.dma_semaphore, #tpu.memory_space<semaphore_mem>>, %arg17: memref<!tpu.dma_semaphore, #tpu.memory_space<semaphore_mem>>, %arg18: memref<!tpu.dma_semaphore, #tpu.memory_space<semaphore_mem>>, %arg19: memref<!tpu.dma_semaphore, #tpu.memory_space<semaphore_mem>>, %arg20: memref<!tpu.dma_semaphore, #tpu.memory_space<semaphore_mem>>, %arg21: memref<!tpu.dma_semaphore, #tpu.memory_space<semaphore_mem>>, %arg22: memref<!tpu.dma_semaphore, #tpu.memory_space<semaphore_mem>>) attributes {dimension_semantics = [#tpu.dimension_semantics<core_parallel>, #tpu.dimension_semantics<subcore_parallel>], iteration_bounds = array<i64: 2, 16>, scalar_prefetch = 0 : i64, scratch_operands = 18 : i64, tpu.core_type = #tpu.core_type<sc_vector_subcore>, window_params = [{transform_indices = #map}, {transform_indices = #map1}, {transform_indices = #map2}]} {
    %mul3A = arith.constant 2 : i32
    %mul3A_0 = arith.muli %arg1, %mul3A : i32
    %add3A = arith.addi %mul3A_0, %arg0 : i32
    %broadcast_in_dim3A = arith.constant 0.000000e+00 : f32
    %broadcast_in_dim3A_1 = vector.broadcast %broadcast_in_dim3A : f32 to vector<16xf32>
    %dma_start3A = arith.constant 0 : i32
    %dma_start3A_2 = arith.constant 0 : i32
    %dma_start3A_3 = arith.constant 0 : i32
    %dma_start3A_4 = tpu.memref_slice %arg3[%dma_start3A, %add3A, %dma_start3A_2, %dma_start3A_3] : memref<2x32x125x80xi32, #tpu.memory_space<hbm>> -> memref<1x1x125x80xi32, #tpu.memory_space<hbm>>
    %dma_start3A_5 = tpu.memref_squeeze %dma_start3A_4 : memref<1x1x125x80xi32, #tpu.memory_space<hbm>> -> memref<125x80xi32, #tpu.memory_space<hbm>>
    %dma_start3A_6 = arith.constant 0 : i32
    %dma_start3A_7 = arith.constant 0 : i32
    %dma_start3A_8 = tpu.memref_slice %arg3[%dma_start3A, %add3A, %dma_start3A_6, %dma_start3A_7] : memref<2x32x125x80xi32, #tpu.memory_space<hbm>> -> memref<1x1x125x80xi32, #tpu.memory_space<hbm>>
    %dma_start3A_9 = tpu.memref_squeeze %dma_start3A_8 : memref<1x1x125x80xi32, #tpu.memory_space<hbm>> -> memref<125x80xi32, #tpu.memory_space<hbm>>
    tpu.enqueue_dma source(%dma_start3A_9 : memref<125x80xi32, #tpu.memory_space<hbm>>) target(%arg5 : memref<125x80xi32, #tpu.memory_space<vmem>>) target_semaphore(%arg11 : memref<!tpu.dma_semaphore, #tpu.memory_space<semaphore_mem>>)
    %dma_start3A_10 = arith.constant 1 : i32
    %dma_start3A_11 = arith.constant 0 : i32
    %dma_start3A_12 = arith.constant 0 : i32
    %dma_start3A_13 = arith.constant 0 : i32
    %dma_start3A_14 = tpu.memref_slice %arg6[%dma_start3A_12, %dma_start3A_13] : memref<6x80xi32, #tpu.memory_space<vmem>> -> memref<1x80xi32, #tpu.memory_space<vmem>>
    %dma_start3A_15 = tpu.memref_squeeze %dma_start3A_14 : memref<1x80xi32, #tpu.memory_space<vmem>> -> memref<80xi32, #tpu.memory_space<vmem>>
    %dma_start3A_16 = arith.constant 0 : i32
    %dma_start3A_17 = tpu.memref_slice %arg3[%dma_start3A_10, %add3A, %dma_start3A_11, %dma_start3A_16] : memref<2x32x125x80xi32, #tpu.memory_space<hbm>> -> memref<1x1x1x80xi32, #tpu.memory_space<hbm>>
    %dma_start3A_18 = tpu.memref_squeeze %dma_start3A_17 : memref<1x1x1x80xi32, #tpu.memory_space<hbm>> -> memref<80xi32, #tpu.memory_space<hbm>>
    %dma_start3A_19 = arith.constant 0 : i32
    %dma_start3A_20 = tpu.memref_slice %arg6[%dma_start3A_12, %dma_start3A_19] : memref<6x80xi32, #tpu.memory_space<vmem>> -> memref<1x80xi32, #tpu.memory_space<vmem>>
    %dma_start3A_21 = tpu.memref_squeeze %dma_start3A_20 : memref<1x80xi32, #tpu.memory_space<vmem>> -> memref<80xi32, #tpu.memory_space<vmem>>
    %dma_start3A_22 = arith.constant 0 : i32
    %dma_start3A_23 = tpu.memref_slice %arg3[%dma_start3A_10, %add3A, %dma_start3A_11, %dma_start3A_22] : memref<2x32x125x80xi32, #tpu.memory_space<hbm>> -> memref<1x1x1x80xi32, #tpu.memory_space<hbm>>
    %dma_start3A_24 = tpu.memref_squeeze %dma_start3A_23 : memref<1x1x1x80xi32, #tpu.memory_space<hbm>> -> memref<80xi32, #tpu.memory_space<hbm>>
    tpu.enqueue_dma source(%dma_start3A_24 : memref<80xi32, #tpu.memory_space<hbm>>) target(%dma_start3A_21 : memref<80xi32, #tpu.memory_space<vmem>>) target_semaphore(%arg17 : memref<!tpu.dma_semaphore, #tpu.memory_space<semaphore_mem>>)
    %dma_start3A_25 = arith.constant 1 : i32
    %dma_start3A_26 = arith.constant 1 : i32
    %dma_start3A_27 = arith.constant 1 : i32
    %dma_start3A_28 = arith.constant 0 : i32
    %dma_start3A_29 = tpu.memref_slice %arg6[%dma_start3A_27, %dma_start3A_28] : memref<6x80xi32, #tpu.memory_space<vmem>> -> memref<1x80xi32, #tpu.memory_space<vmem>>
    %dma_start3A_30 = tpu.memref_squeeze %dma_start3A_29 : memref<1x80xi32, #tpu.memory_space<vmem>> -> memref<80xi32, #tpu.memory_space<vmem>>
    %dma_start3A_31 = arith.constant 0 : i32
    %dma_start3A_32 = tpu.memref_slice %arg3[%dma_start3A_25, %add3A, %dma_start3A_26, %dma_start3A_31] : memref<2x32x125x80xi32, #tpu.memory_space<hbm>> -> memref<1x1x1x80xi32, #tpu.memory_space<hbm>>
    %dma_start3A_33 = tpu.memref_squeeze %dma_start3A_32 : memref<1x1x1x80xi32, #tpu.memory_space<hbm>> -> memref<80xi32, #tpu.memory_space<hbm>>
    %dma_start3A_34 = arith.constant 0 : i32
    %dma_start3A_35 = tpu.memref_slice %arg6[%dma_start3A_27, %dma_start3A_34] : memref<6x80xi32, #tpu.memory_space<vmem>> -> memref<1x80xi32, #tpu.memory_space<vmem>>
    %dma_start3A_36 = tpu.memref_squeeze %dma_start3A_35 : memref<1x80xi32, #tpu.memory_space<vmem>> -> memref<80xi32, #tpu.memory_space<vmem>>
    %dma_start3A_37 = arith.constant 0 : i32
    %dma_start3A_38 = tpu.memref_slice %arg3[%dma_start3A_25, %add3A, %dma_start3A_26, %dma_start3A_37] : memref<2x32x125x80xi32, #tpu.memory_space<hbm>> -> memref<1x1x1x80xi32, #tpu.memory_space<hbm>>
    %dma_start3A_39 = tpu.memref_squeeze %dma_start3A_38 : memref<1x1x1x80xi32, #tpu.memory_space<hbm>> -> memref<80xi32, #tpu.memory_space<hbm>>
    tpu.enqueue_dma source(%dma_start3A_39 : memref<80xi32, #tpu.memory_space<hbm>>) target(%dma_start3A_36 : memref<80xi32, #tpu.memory_space<vmem>>) target_semaphore(%arg18 : memref<!tpu.dma_semaphore, #tpu.memory_space<semaphore_mem>>)
    %dma_start3A_40 = arith.constant 1 : i32
    %dma_start3A_41 = arith.constant 2 : i32
    %dma_start3A_42 = arith.constant 2 : i32
    %dma_start3A_43 = arith.constant 0 : i32
    %dma_start3A_44 = tpu.memref_slice %arg6[%dma_start3A_42, %dma_start3A_43] : memref<6x80xi32, #tpu.memory_space<vmem>> -> memref<1x80xi32, #tpu.memory_space<vmem>>
    %dma_start3A_45 = tpu.memref_squeeze %dma_start3A_44 : memref<1x80xi32, #tpu.memory_space<vmem>> -> memref<80xi32, #tpu.memory_space<vmem>>
    %dma_start3A_46 = arith.constant 0 : i32
    %dma_start3A_47 = tpu.memref_slice %arg3[%dma_start3A_40, %add3A, %dma_start3A_41, %dma_start3A_46] : memref<2x32x125x80xi32, #tpu.memory_space<hbm>> -> memref<1x1x1x80xi32, #tpu.memory_space<hbm>>
    %dma_start3A_48 = tpu.memref_squeeze %dma_start3A_47 : memref<1x1x1x80xi32, #tpu.memory_space<hbm>> -> memref<80xi32, #tpu.memory_space<hbm>>
    %dma_start3A_49 = arith.constant 0 : i32
    %dma_start3A_50 = tpu.memref_slice %arg6[%dma_start3A_42, %dma_start3A_49] : memref<6x80xi32, #tpu.memory_space<vmem>> -> memref<1x80xi32, #tpu.memory_space<vmem>>
    %dma_start3A_51 = tpu.memref_squeeze %dma_start3A_50 : memref<1x80xi32, #tpu.memory_space<vmem>> -> memref<80xi32, #tpu.memory_space<vmem>>
    %dma_start3A_52 = arith.constant 0 : i32
    %dma_start3A_53 = tpu.memref_slice %arg3[%dma_start3A_40, %add3A, %dma_start3A_41, %dma_start3A_52] : memref<2x32x125x80xi32, #tpu.memory_space<hbm>> -> memref<1x1x1x80xi32, #tpu.memory_space<hbm>>
    %dma_start3A_54 = tpu.memref_squeeze %dma_start3A_53 : memref<1x1x1x80xi32, #tpu.memory_space<hbm>> -> memref<80xi32, #tpu.memory_space<hbm>>
    tpu.enqueue_dma source(%dma_start3A_54 : memref<80xi32, #tpu.memory_space<hbm>>) target(%dma_start3A_51 : memref<80xi32, #tpu.memory_space<vmem>>) target_semaphore(%arg19 : memref<!tpu.dma_semaphore, #tpu.memory_space<semaphore_mem>>)
    %scan3A = arith.constant 0 : i32
    %scan3A_55 = arith.constant 0 : i32
    %scan3A_56 = arith.constant 640 : i32
    %scan3A_57 = arith.addi %scan3A_55, %scan3A_56 : i32
    %scan3A_58 = arith.constant 1 : i32
    %scan3A_59 = scf.for %scan3A_127 = %scan3A_55 to %scan3A_57 step %scan3A_58 iter_args(%scan3A_128 = %scan3A) -> (i32)  : i32 {
      %jit3A_129 = arith.constant 8 : i32
      %div3A = arith.divsi %scan3A_127, %jit3A_129 : i32
      %sign3A = arith.constant 0 : i32
      %sign3A_130 = arith.cmpi sgt, %scan3A_127, %sign3A : i32
      %sign3A_131 = arith.extui %sign3A_130 : i1 to i32
      %sign3A_132 = arith.constant 0 : i32
      %sign3A_133 = arith.cmpi slt, %scan3A_127, %sign3A_132 : i32
      %sign3A_134 = arith.extui %sign3A_133 : i1 to i32
      %sign3A_135 = arith.subi %sign3A_131, %sign3A_134 : i32
      %sign3A_136 = arith.constant 0 : i32
      %sign3A_137 = arith.cmpi sgt, %jit3A_129, %sign3A_136 : i32
      %sign3A_138 = arith.extui %sign3A_137 : i1 to i32
      %sign3A_139 = arith.constant 0 : i32
      %sign3A_140 = arith.cmpi slt, %jit3A_129, %sign3A_139 : i32
      %sign3A_141 = arith.extui %sign3A_140 : i1 to i32
      %sign3A_142 = arith.subi %sign3A_138, %sign3A_141 : i32
      %ne3A = arith.cmpi ne, %sign3A_135, %sign3A_142 : i32
      %rem3A = arith.remsi %scan3A_127, %jit3A_129 : i32
      %ne3A_143 = arith.constant 0 : i32
      %ne3A_144 = arith.cmpi ne, %rem3A, %ne3A_143 : i32
      %and3A = arith.andi %ne3A, %ne3A_144 : i1
      %sub3A = arith.constant 1 : i32
      %sub3A_145 = arith.subi %div3A, %sub3A : i32
      %select_n3A_146 = arith.select %and3A, %sub3A_145, %div3A : i32
      %jit3A_147 = arith.constant 8 : i32
      %eq3A = arith.constant 0 : i32
      %eq3A_148 = arith.cmpi eq, %jit3A_147, %eq3A : i32
      %jit3A_149 = arith.constant 1 : i32
      %select_n3A_150 = arith.select %eq3A_148, %jit3A_149, %jit3A_147 : i32
      %rem3A_151 = arith.remsi %scan3A_127, %select_n3A_150 : i32
      %ne3A_152 = arith.constant 0 : i32
      %ne3A_153 = arith.cmpi ne, %rem3A_151, %ne3A_152 : i32
      %lt3A = arith.constant 0 : i32
      %lt3A_154 = arith.cmpi slt, %rem3A_151, %lt3A : i32
      %lt3A_155 = arith.constant 0 : i32
      %lt3A_156 = arith.cmpi slt, %select_n3A_150, %lt3A_155 : i32
      %ne3A_157 = arith.xori %lt3A_154, %lt3A_156 : i1
      %and3A_158 = arith.andi %ne3A_157, %ne3A_153 : i1
      %add3A_159 = arith.addi %rem3A_151, %select_n3A_150 : i32
      %select_n3A_160 = arith.select %and3A_158, %add3A_159, %rem3A_151 : i32
      %mul3A_161 = arith.constant 16 : i32
      %mul3A_162 = arith.muli %select_n3A_160, %mul3A_161 : i32
      %swap3A = arith.index_cast %select_n3A_146 : i32 to index
      %swap3A_163 = arith.index_cast %mul3A_162 : i32 to index
      %swap3A_164 = tpu.vector_load %arg7[%swap3A, %swap3A_163] {strides = array<i32>} : memref<80x128xf32, #tpu.memory_space<vmem>>, vector<1x16xf32>,
      %swap3A_165 = vector.shape_cast %swap3A_164 : vector<1x16xf32> to vector<16xf32>
      %swap3A_166 = vector.shape_cast %broadcast_in_dim3A_1 : vector<16xf32> to vector<1x16xf32>
      tpu.vector_store %arg7[%swap3A, %swap3A_163], %swap3A_166 {strides = array<i32>} : memref<80x128xf32, #tpu.memory_space<vmem>>, vector<1x16xf32>,
      %scan3A_167 = arith.constant 0 : i32
      scf.yield %scan3A_167 : i32
    }
    %scan3A_60 = arith.constant 640 : i32
    %scan3A_61 = arith.constant 0 : i32
    %scan3A_62 = arith.constant 0 : i32
    %scan3A_63 = arith.constant 8 : i32
    %scan3A_64 = arith.addi %scan3A_62, %scan3A_63 : i32
    %scan3A_65 = arith.constant 1 : i32
    %scan3A_66 = scf.for %scan3A_127 = %scan3A_62 to %scan3A_64 step %scan3A_65 iter_args(%scan3A_128 = %scan3A_61) -> (i32)  : i32 {
      %mul3A_129 = arith.constant 640 : i32
      %mul3A_130 = arith.muli %arg1, %mul3A_129 : i32
      %mul3A_131 = arith.constant 80 : i32
      %mul3A_132 = arith.muli %scan3A_127, %mul3A_131 : i32
      %add3A_133 = arith.addi %mul3A_130, %mul3A_132 : i32
      %dma_start3A_134 = arith.constant 0 : i32
      %dma_start3A_135 = tpu.memref_slice %arg10[%add3A_133, %dma_start3A_134] : memref<10240x128xf32, #tpu.memory_space<vmem_shared>> -> memref<80x128xf32, #tpu.memory_space<vmem_shared>>
      %dma_start3A_136 = arith.constant 0 : i32
      %dma_start3A_137 = tpu.memref_slice %arg10[%add3A_133, %dma_start3A_136] : memref<10240x128xf32, #tpu.memory_space<vmem_shared>> -> memref<80x128xf32, #tpu.memory_space<vmem_shared>>
      tpu.enqueue_dma source(%arg7 : memref<80x128xf32, #tpu.memory_space<vmem>>) target(%dma_start3A_137 : memref<80x128xf32, #tpu.memory_space<vmem_shared>>) target_semaphore(%arg14 : memref<!tpu.dma_semaphore, #tpu.memory_space<semaphore_mem>>)
      %scan3A_138 = arith.constant 0 : i32
      scf.yield %scan3A_138 : i32
    }
    %scan3A_67 = arith.constant 8 : i32
    %scan3A_68 = arith.constant 0 : i32
    %scan3A_69 = arith.constant 0 : i32
    %scan3A_70 = arith.constant 8 : i32
    %scan3A_71 = arith.addi %scan3A_69, %scan3A_70 : i32
    %scan3A_72 = arith.constant 1 : i32
    %scan3A_73 = scf.for %scan3A_127 = %scan3A_69 to %scan3A_71 step %scan3A_72 iter_args(%scan3A_128 = %scan3A_68) -> (i32)  : i32 {
      %mul3A_129 = arith.constant 640 : i32
      %mul3A_130 = arith.muli %arg1, %mul3A_129 : i32
      %dma_wait3A_131 = arith.constant 0 : i32
      %dma_wait3A_132 = tpu.memref_slice %arg10[%mul3A_130, %dma_wait3A_131] : memref<10240x128xf32, #tpu.memory_space<vmem_shared>> -> memref<80x128xf32, #tpu.memory_space<vmem_shared>>
      %dma_wait3A_133 = arith.constant 0 : i32
      %dma_wait3A_134 = tpu.memref_slice %arg10[%mul3A_130, %dma_wait3A_133] : memref<10240x128xf32, #tpu.memory_space<vmem_shared>> -> memref<80x128xf32, #tpu.memory_space<vmem_shared>>
      tpu.wait_dma2 semaphore(%arg14 : memref<!tpu.dma_semaphore, #tpu.memory_space<semaphore_mem>>) src(%arg7 : memref<80x128xf32, #tpu.memory_space<vmem>>) dst(%dma_wait3A_134 : memref<80x128xf32, #tpu.memory_space<vmem_shared>>)
      %scan3A_135 = arith.constant 0 : i32
      scf.yield %scan3A_135 : i32
    }
    %scan3A_74 = arith.constant 8 : i32
    %dma_wait3A = arith.constant 0 : i32
    %dma_wait3A_75 = arith.constant 0 : i32
    %dma_wait3A_76 = arith.constant 0 : i32
    %dma_wait3A_77 = tpu.memref_slice %arg3[%dma_wait3A, %add3A, %dma_wait3A_75, %dma_wait3A_76] : memref<2x32x125x80xi32, #tpu.memory_space<hbm>> -> memref<1x1x125x80xi32, #tpu.memory_space<hbm>>
    %dma_wait3A_78 = tpu.memref_squeeze %dma_wait3A_77 : memref<1x1x125x80xi32, #tpu.memory_space<hbm>> -> memref<125x80xi32, #tpu.memory_space<hbm>>
    %dma_wait3A_79 = arith.constant 0 : i32
    %dma_wait3A_80 = arith.constant 0 : i32
    %dma_wait3A_81 = tpu.memref_slice %arg3[%dma_wait3A, %add3A, %dma_wait3A_79, %dma_wait3A_80] : memref<2x32x125x80xi32, #tpu.memory_space<hbm>> -> memref<1x1x125x80xi32, #tpu.memory_space<hbm>>
    %dma_wait3A_82 = tpu.memref_squeeze %dma_wait3A_81 : memref<1x1x125x80xi32, #tpu.memory_space<hbm>> -> memref<125x80xi32, #tpu.memory_space<hbm>>
    tpu.wait_dma2 semaphore(%arg11 : memref<!tpu.dma_semaphore, #tpu.memory_space<semaphore_mem>>) src(%dma_wait3A_82 : memref<125x80xi32, #tpu.memory_space<hbm>>) dst(%arg5 : memref<125x80xi32, #tpu.memory_space<vmem>>)
    %barrier3A = arith.constant 0 : index
    tpu.barrier barrier_id(%barrier3A)
    %jit3A = arith.constant true
    %jit3A_83 = arith.constant 0 : i32
    %jit3A_84 = arith.constant 0 : i32
    %select_n3A = arith.select %jit3A, %jit3A_83, %jit3A_84 : i32
    %dma_start3A_85 = arith.constant 0 : i32
    %dma_start3A_86 = tpu.memref_slice %arg5[%select_n3A, %dma_start3A_85] : memref<125x80xi32, #tpu.memory_space<vmem>> -> memref<1x80xi32, #tpu.memory_space<vmem>>
    %dma_start3A_87 = tpu.memref_squeeze %dma_start3A_86 : memref<1x80xi32, #tpu.memory_space<vmem>> -> memref<80xi32, #tpu.memory_space<vmem>>
    %dma_start3A_88 = arith.constant 0 : i32
    %dma_start3A_89 = arith.constant 0 : i32
    %dma_start3A_90 = tpu.memref_slice %arg2[%dma_start3A_88, %dma_start3A_89] : memref<10000x128xf32, #tpu.memory_space<hbm>> -> memref<10000x128xf32, #tpu.memory_space<hbm>>
    tpu.enqueue_indirect_dma source(%dma_start3A_90 : memref<10000x128xf32, #tpu.memory_space<hbm>>) target(%arg7 : memref<80x128xf32, #tpu.memory_space<vmem>>) offsets(%dma_start3A_87 : memref<80xi32, #tpu.memory_space<vmem>>) semaphore(%arg11 : memref<!tpu.dma_semaphore, #tpu.memory_space<semaphore_mem>>)
    %jit3A_91 = arith.constant true
    %jit3A_92 = arith.constant 1 : i32
    %jit3A_93 = arith.constant 0 : i32
    %select_n3A_94 = arith.select %jit3A_91, %jit3A_92, %jit3A_93 : i32
    %dma_start3A_95 = arith.constant 0 : i32
    %dma_start3A_96 = tpu.memref_slice %arg5[%select_n3A_94, %dma_start3A_95] : memref<125x80xi32, #tpu.memory_space<vmem>> -> memref<1x80xi32, #tpu.memory_space<vmem>>
    %dma_start3A_97 = tpu.memref_squeeze %dma_start3A_96 : memref<1x80xi32, #tpu.memory_space<vmem>> -> memref<80xi32, #tpu.memory_space<vmem>>
    %dma_start3A_98 = arith.constant 0 : i32
    %dma_start3A_99 = arith.constant 0 : i32
    %dma_start3A_100 = tpu.memref_slice %arg2[%dma_start3A_98, %dma_start3A_99] : memref<10000x128xf32, #tpu.memory_space<hbm>> -> memref<10000x128xf32, #tpu.memory_space<hbm>>
    tpu.enqueue_indirect_dma source(%dma_start3A_100 : memref<10000x128xf32, #tpu.memory_space<hbm>>) target(%arg8 : memref<80x128xf32, #tpu.memory_space<vmem>>) offsets(%dma_start3A_97 : memref<80xi32, #tpu.memory_space<vmem>>) semaphore(%arg12 : memref<!tpu.dma_semaphore, #tpu.memory_space<semaphore_mem>>)
    %scan3A_101 = arith.constant 0 : i32
    %scan3A_102 = arith.constant 0 : i32
    %scan3A_103 = arith.constant 21 : i32
    %scan3A_104 = arith.addi %scan3A_102, %scan3A_103 : i32
    %scan3A_105 = arith.constant 1 : i32
    %scan3A_106 = scf.for %scan3A_127 = %scan3A_102 to %scan3A_104 step %scan3A_105 iter_args(%scan3A_128 = %scan3A_101) -> (i32)  : i32 {
      %mul3A_129 = arith.constant 6 : i32
      %mul3A_130 = arith.muli %mul3A_129, %scan3A_127 : i32
      %add3A_131 = arith.constant 0 : i32
      %add3A_132 = arith.addi %mul3A_130, %add3A_131 : i32
      %add3A_133 = arith.constant 2 : i32
      %add3A_134 = arith.addi %add3A_132, %add3A_133 : i32
      %le3A = arith.constant 125 : i32
      %le3A_135 = arith.cmpi sle, %add3A_134, %le3A : i32
      %convert_element_type3A = arith.extui %le3A_135 : i1 to i32
      %cond3A = arith.constant 0 : i32
      %cond3A_136 = arith.cmpi ne, %convert_element_type3A, %cond3A : i32
      scf.if %cond3A_136 {
        %ge3A = arith.constant 1 : i32
        %ge3A_290 = arith.cmpi sge, %add3A_132, %ge3A : i32
        %convert_element_type3A_291 = arith.extui %ge3A_290 : i1 to i32
        %cond3A_292 = arith.constant 0 : i32
        %cond3A_293 = arith.cmpi ne, %convert_element_type3A_291, %cond3A_292 : i32
        scf.if %cond3A_293 {
          %dma_wait3A_306 = arith.constant 2 : i32
          %dma_wait3A_307 = arith.constant 0 : i32
          %dma_wait3A_308 = tpu.memref_slice %arg6[%dma_wait3A_306, %dma_wait3A_307] : memref<6x80xi32, #tpu.memory_space<vmem>> -> memref<1x80xi32, #tpu.memory_space<vmem>>
          %dma_wait3A_309 = tpu.memref_squeeze %dma_wait3A_308 : memref<1x80xi32, #tpu.memory_space<vmem>> -> memref<80xi32, #tpu.memory_space<vmem>>
          %dma_wait3A_310 = arith.constant 0 : i32
          %dma_wait3A_311 = arith.constant 0 : i32
          %dma_wait3A_312 = tpu.memref_slice %arg10[%dma_wait3A_310, %dma_wait3A_311] : memref<10240x128xf32, #tpu.memory_space<vmem_shared>> -> memref<10240x128xf32, #tpu.memory_space<vmem_shared>>
          tpu.wait_indirect_dma semaphore(%arg16 : memref<!tpu.dma_semaphore, #tpu.memory_space<semaphore_mem>>) src(%arg9 : memref<80x128xf32, #tpu.memory_space<vmem>>) dst(%dma_wait3A_312 : memref<10240x128xf32, #tpu.memory_space<vmem_shared>>)
        } else {
        }
        %add3A_294 = arith.constant 2 : i32
        %add3A_295 = arith.addi %add3A_132, %add3A_294 : i32
        %lt3A_296 = arith.constant 125 : i32
        %lt3A_297 = arith.cmpi slt, %add3A_295, %lt3A_296 : i32
        %jit3A_298 = arith.constant 0 : i32
        %select_n3A_299 = arith.select %lt3A_297, %add3A_295, %jit3A_298 : i32
        %dma_start3A_300 = arith.constant 0 : i32
        %dma_start3A_301 = tpu.memref_slice %arg5[%select_n3A_299, %dma_start3A_300] : memref<125x80xi32, #tpu.memory_space<vmem>> -> memref<1x80xi32, #tpu.memory_space<vmem>>
        %dma_start3A_302 = tpu.memref_squeeze %dma_start3A_301 : memref<1x80xi32, #tpu.memory_space<vmem>> -> memref<80xi32, #tpu.memory_space<vmem>>
        %dma_start3A_303 = arith.constant 0 : i32
        %dma_start3A_304 = arith.constant 0 : i32
        %dma_start3A_305 = tpu.memref_slice %arg2[%dma_start3A_303, %dma_start3A_304] : memref<10000x128xf32, #tpu.memory_space<hbm>> -> memref<10000x128xf32, #tpu.memory_space<hbm>>
        tpu.enqueue_indirect_dma source(%dma_start3A_305 : memref<10000x128xf32, #tpu.memory_space<hbm>>) target(%arg9 : memref<80x128xf32, #tpu.memory_space<vmem>>) offsets(%dma_start3A_302 : memref<80xi32, #tpu.memory_space<vmem>>) semaphore(%arg13 : memref<!tpu.dma_semaphore, #tpu.memory_space<semaphore_mem>>)
      } else {
      }
      %dma_wait3A_137 = arith.constant 0 : i32
      %dma_wait3A_138 = arith.constant 0 : i32
      %dma_wait3A_139 = tpu.memref_slice %arg2[%dma_wait3A_137, %dma_wait3A_138] : memref<10000x128xf32, #tpu.memory_space<hbm>> -> memref<80x128xf32, #tpu.memory_space<hbm>>
      %dma_wait3A_140 = arith.constant 0 : i32
      %dma_wait3A_141 = arith.constant 0 : i32
      %dma_wait3A_142 = tpu.memref_slice %arg2[%dma_wait3A_140, %dma_wait3A_141] : memref<10000x128xf32, #tpu.memory_space<hbm>> -> memref<80x128xf32, #tpu.memory_space<hbm>>
      tpu.wait_dma2 semaphore(%arg11 : memref<!tpu.dma_semaphore, #tpu.memory_space<semaphore_mem>>) src(%dma_wait3A_142 : memref<80x128xf32, #tpu.memory_space<hbm>>) dst(%arg7 : memref<80x128xf32, #tpu.memory_space<vmem>>)
      %lt3A = arith.constant 125 : i32
      %lt3A_143 = arith.cmpi slt, %add3A_132, %lt3A : i32
      %convert_element_type3A_144 = arith.extui %lt3A_143 : i1 to i32
      %cond3A_145 = arith.constant 0 : i32
      %cond3A_146 = arith.cmpi ne, %convert_element_type3A_144, %cond3A_145 : i32
      scf.if %cond3A_146 {
        %dma_wait3A_290 = arith.constant 1 : i32
        %dma_wait3A_291 = arith.constant 0 : i32
        %dma_wait3A_292 = arith.constant 0 : i32
        %dma_wait3A_293 = arith.constant 0 : i32
        %dma_wait3A_294 = tpu.memref_slice %arg6[%dma_wait3A_292, %dma_wait3A_293] : memref<6x80xi32, #tpu.memory_space<vmem>> -> memref<1x80xi32, #tpu.memory_space<vmem>>
        %dma_wait3A_295 = tpu.memref_squeeze %dma_wait3A_294 : memref<1x80xi32, #tpu.memory_space<vmem>> -> memref<80xi32, #tpu.memory_space<vmem>>
        %dma_wait3A_296 = arith.constant 0 : i32
        %dma_wait3A_297 = tpu.memref_slice %arg3[%dma_wait3A_290, %add3A, %dma_wait3A_291, %dma_wait3A_296] : memref<2x32x125x80xi32, #tpu.memory_space<hbm>> -> memref<1x1x1x80xi32, #tpu.memory_space<hbm>>
        %dma_wait3A_298 = tpu.memref_squeeze %dma_wait3A_297 : memref<1x1x1x80xi32, #tpu.memory_space<hbm>> -> memref<80xi32, #tpu.memory_space<hbm>>
        %dma_wait3A_299 = arith.constant 0 : i32
        %dma_wait3A_300 = tpu.memref_slice %arg6[%dma_wait3A_292, %dma_wait3A_299] : memref<6x80xi32, #tpu.memory_space<vmem>> -> memref<1x80xi32, #tpu.memory_space<vmem>>
        %dma_wait3A_301 = tpu.memref_squeeze %dma_wait3A_300 : memref<1x80xi32, #tpu.memory_space<vmem>> -> memref<80xi32, #tpu.memory_space<vmem>>
        %dma_wait3A_302 = arith.constant 0 : i32
        %dma_wait3A_303 = tpu.memref_slice %arg3[%dma_wait3A_290, %add3A, %dma_wait3A_291, %dma_wait3A_302] : memref<2x32x125x80xi32, #tpu.memory_space<hbm>> -> memref<1x1x1x80xi32, #tpu.memory_space<hbm>>
        %dma_wait3A_304 = tpu.memref_squeeze %dma_wait3A_303 : memref<1x1x1x80xi32, #tpu.memory_space<hbm>> -> memref<80xi32, #tpu.memory_space<hbm>>
        tpu.wait_dma2 semaphore(%arg17 : memref<!tpu.dma_semaphore, #tpu.memory_space<semaphore_mem>>) src(%dma_wait3A_304 : memref<80xi32, #tpu.memory_space<hbm>>) dst(%dma_wait3A_301 : memref<80xi32, #tpu.memory_space<vmem>>)
        %dma_start3A_305 = arith.constant 0 : i32
        %dma_start3A_306 = arith.constant 0 : i32
        %dma_start3A_307 = tpu.memref_slice %arg6[%dma_start3A_305, %dma_start3A_306] : memref<6x80xi32, #tpu.memory_space<vmem>> -> memref<1x80xi32, #tpu.memory_space<vmem>>
        %dma_start3A_308 = tpu.memref_squeeze %dma_start3A_307 : memref<1x80xi32, #tpu.memory_space<vmem>> -> memref<80xi32, #tpu.memory_space<vmem>>
        %dma_start3A_309 = arith.constant 0 : i32
        %dma_start3A_310 = arith.constant 0 : i32
        %dma_start3A_311 = tpu.memref_slice %arg10[%dma_start3A_309, %dma_start3A_310] : memref<10240x128xf32, #tpu.memory_space<vmem_shared>> -> memref<10240x128xf32, #tpu.memory_space<vmem_shared>>
        tpu.enqueue_indirect_dma source(%arg7 : memref<80x128xf32, #tpu.memory_space<vmem>>) target(%dma_start3A_311 : memref<10240x128xf32, #tpu.memory_space<vmem_shared>>) offsets(%dma_start3A_308 : memref<80xi32, #tpu.memory_space<vmem>>) semaphore(%arg14 : memref<!tpu.dma_semaphore, #tpu.memory_space<semaphore_mem>>) {add = true}
      } else {
      }
      %add3A_147 = arith.constant 3 : i32
      %add3A_148 = arith.addi %add3A_132, %add3A_147 : i32
      %lt3A_149 = arith.constant 125 : i32
      %lt3A_150 = arith.cmpi slt, %add3A_148, %lt3A_149 : i32
      %convert_element_type3A_151 = arith.extui %lt3A_150 : i1 to i32
      %cond3A_152 = arith.constant 0 : i32
      %cond3A_153 = arith.cmpi ne, %convert_element_type3A_151, %cond3A_152 : i32
      scf.if %cond3A_153 {
        %add3A_290 = arith.constant 3 : i32
        %add3A_291 = arith.addi %add3A_132, %add3A_290 : i32
        %dma_start3A_292 = arith.constant 1 : i32
        %dma_start3A_293 = arith.constant 3 : i32
        %dma_start3A_294 = arith.constant 0 : i32
        %dma_start3A_295 = tpu.memref_slice %arg6[%dma_start3A_293, %dma_start3A_294] : memref<6x80xi32, #tpu.memory_space<vmem>> -> memref<1x80xi32, #tpu.memory_space<vmem>>
        %dma_start3A_296 = tpu.memref_squeeze %dma_start3A_295 : memref<1x80xi32, #tpu.memory_space<vmem>> -> memref<80xi32, #tpu.memory_space<vmem>>
        %dma_start3A_297 = arith.constant 0 : i32
        %dma_start3A_298 = tpu.memref_slice %arg3[%dma_start3A_292, %add3A, %add3A_291, %dma_start3A_297] : memref<2x32x125x80xi32, #tpu.memory_space<hbm>> -> memref<1x1x1x80xi32, #tpu.memory_space<hbm>>
        %dma_start3A_299 = tpu.memref_squeeze %dma_start3A_298 : memref<1x1x1x80xi32, #tpu.memory_space<hbm>> -> memref<80xi32, #tpu.memory_space<hbm>>
        %dma_start3A_300 = arith.constant 0 : i32
        %dma_start3A_301 = tpu.memref_slice %arg6[%dma_start3A_293, %dma_start3A_300] : memref<6x80xi32, #tpu.memory_space<vmem>> -> memref<1x80xi32, #tpu.memory_space<vmem>>
        %dma_start3A_302 = tpu.memref_squeeze %dma_start3A_301 : memref<1x80xi32, #tpu.memory_space<vmem>> -> memref<80xi32, #tpu.memory_space<vmem>>
        %dma_start3A_303 = arith.constant 0 : i32
        %dma_start3A_304 = tpu.memref_slice %arg3[%dma_start3A_292, %add3A, %add3A_291, %dma_start3A_303] : memref<2x32x125x80xi32, #tpu.memory_space<hbm>> -> memref<1x1x1x80xi32, #tpu.memory_space<hbm>>
        %dma_start3A_305 = tpu.memref_squeeze %dma_start3A_304 : memref<1x1x1x80xi32, #tpu.memory_space<hbm>> -> memref<80xi32, #tpu.memory_space<hbm>>
        tpu.enqueue_dma source(%dma_start3A_305 : memref<80xi32, #tpu.memory_space<hbm>>) target(%dma_start3A_302 : memref<80xi32, #tpu.memory_space<vmem>>) target_semaphore(%arg20 : memref<!tpu.dma_semaphore, #tpu.memory_space<semaphore_mem>>)
      } else {
      }
      %add3A_154 = arith.constant 1 : i32
      %add3A_155 = arith.addi %mul3A_130, %add3A_154 : i32
      %add3A_156 = arith.constant 2 : i32
      %add3A_157 = arith.addi %add3A_155, %add3A_156 : i32
      %le3A_158 = arith.constant 125 : i32
      %le3A_159 = arith.cmpi sle, %add3A_157, %le3A_158 : i32
      %convert_element_type3A_160 = arith.extui %le3A_159 : i1 to i32
      %cond3A_161 = arith.constant 0 : i32
      %cond3A_162 = arith.cmpi ne, %convert_element_type3A_160, %cond3A_161 : i32
      scf.if %cond3A_162 {
        %ge3A = arith.constant 1 : i32
        %ge3A_290 = arith.cmpi sge, %add3A_155, %ge3A : i32
        %convert_element_type3A_291 = arith.extui %ge3A_290 : i1 to i32
        %cond3A_292 = arith.constant 0 : i32
        %cond3A_293 = arith.cmpi ne, %convert_element_type3A_291, %cond3A_292 : i32
        scf.if %cond3A_293 {
          %dma_wait3A_306 = arith.constant 0 : i32
          %dma_wait3A_307 = arith.constant 0 : i32
          %dma_wait3A_308 = tpu.memref_slice %arg6[%dma_wait3A_306, %dma_wait3A_307] : memref<6x80xi32, #tpu.memory_space<vmem>> -> memref<1x80xi32, #tpu.memory_space<vmem>>
          %dma_wait3A_309 = tpu.memref_squeeze %dma_wait3A_308 : memref<1x80xi32, #tpu.memory_space<vmem>> -> memref<80xi32, #tpu.memory_space<vmem>>
          %dma_wait3A_310 = arith.constant 0 : i32
          %dma_wait3A_311 = arith.constant 0 : i32
          %dma_wait3A_312 = tpu.memref_slice %arg10[%dma_wait3A_310, %dma_wait3A_311] : memref<10240x128xf32, #tpu.memory_space<vmem_shared>> -> memref<10240x128xf32, #tpu.memory_space<vmem_shared>>
          tpu.wait_indirect_dma semaphore(%arg14 : memref<!tpu.dma_semaphore, #tpu.memory_space<semaphore_mem>>) src(%arg7 : memref<80x128xf32, #tpu.memory_space<vmem>>) dst(%dma_wait3A_312 : memref<10240x128xf32, #tpu.memory_space<vmem_shared>>)
        } else {
        }
        %add3A_294 = arith.constant 2 : i32
        %add3A_295 = arith.addi %add3A_155, %add3A_294 : i32
        %lt3A_296 = arith.constant 125 : i32
        %lt3A_297 = arith.cmpi slt, %add3A_295, %lt3A_296 : i32
        %jit3A_298 = arith.constant 0 : i32
        %select_n3A_299 = arith.select %lt3A_297, %add3A_295, %jit3A_298 : i32
        %dma_start3A_300 = arith.constant 0 : i32
        %dma_start3A_301 = tpu.memref_slice %arg5[%select_n3A_299, %dma_start3A_300] : memref<125x80xi32, #tpu.memory_space<vmem>> -> memref<1x80xi32, #tpu.memory_space<vmem>>
        %dma_start3A_302 = tpu.memref_squeeze %dma_start3A_301 : memref<1x80xi32, #tpu.memory_space<vmem>> -> memref<80xi32, #tpu.memory_space<vmem>>
        %dma_start3A_303 = arith.constant 0 : i32
        %dma_start3A_304 = arith.constant 0 : i32
        %dma_start3A_305 = tpu.memref_slice %arg2[%dma_start3A_303, %dma_start3A_304] : memref<10000x128xf32, #tpu.memory_space<hbm>> -> memref<10000x128xf32, #tpu.memory_space<hbm>>
        tpu.enqueue_indirect_dma source(%dma_start3A_305 : memref<10000x128xf32, #tpu.memory_space<hbm>>) target(%arg7 : memref<80x128xf32, #tpu.memory_space<vmem>>) offsets(%dma_start3A_302 : memref<80xi32, #tpu.memory_space<vmem>>) semaphore(%arg11 : memref<!tpu.dma_semaphore, #tpu.memory_space<semaphore_mem>>)
      } else {
      }
      %dma_wait3A_163 = arith.constant 0 : i32
      %dma_wait3A_164 = arith.constant 0 : i32
      %dma_wait3A_165 = tpu.memref_slice %arg2[%dma_wait3A_163, %dma_wait3A_164] : memref<10000x128xf32, #tpu.memory_space<hbm>> -> memref<80x128xf32, #tpu.memory_space<hbm>>
      %dma_wait3A_166 = arith.constant 0 : i32
      %dma_wait3A_167 = arith.constant 0 : i32
      %dma_wait3A_168 = tpu.memref_slice %arg2[%dma_wait3A_166, %dma_wait3A_167] : memref<10000x128xf32, #tpu.memory_space<hbm>> -> memref<80x128xf32, #tpu.memory_space<hbm>>
      tpu.wait_dma2 semaphore(%arg12 : memref<!tpu.dma_semaphore, #tpu.memory_space<semaphore_mem>>) src(%dma_wait3A_168 : memref<80x128xf32, #tpu.memory_space<hbm>>) dst(%arg8 : memref<80x128xf32, #tpu.memory_space<vmem>>)
      %lt3A_169 = arith.constant 125 : i32
      %lt3A_170 = arith.cmpi slt, %add3A_155, %lt3A_169 : i32
      %convert_element_type3A_171 = arith.extui %lt3A_170 : i1 to i32
      %cond3A_172 = arith.constant 0 : i32
      %cond3A_173 = arith.cmpi ne, %convert_element_type3A_171, %cond3A_172 : i32
      scf.if %cond3A_173 {
        %dma_wait3A_290 = arith.constant 1 : i32
        %dma_wait3A_291 = arith.constant 0 : i32
        %dma_wait3A_292 = arith.constant 1 : i32
        %dma_wait3A_293 = arith.constant 0 : i32
        %dma_wait3A_294 = tpu.memref_slice %arg6[%dma_wait3A_292, %dma_wait3A_293] : memref<6x80xi32, #tpu.memory_space<vmem>> -> memref<1x80xi32, #tpu.memory_space<vmem>>
        %dma_wait3A_295 = tpu.memref_squeeze %dma_wait3A_294 : memref<1x80xi32, #tpu.memory_space<vmem>> -> memref<80xi32, #tpu.memory_space<vmem>>
        %dma_wait3A_296 = arith.constant 0 : i32
        %dma_wait3A_297 = tpu.memref_slice %arg3[%dma_wait3A_290, %add3A, %dma_wait3A_291, %dma_wait3A_296] : memref<2x32x125x80xi32, #tpu.memory_space<hbm>> -> memref<1x1x1x80xi32, #tpu.memory_space<hbm>>
        %dma_wait3A_298 = tpu.memref_squeeze %dma_wait3A_297 : memref<1x1x1x80xi32, #tpu.memory_space<hbm>> -> memref<80xi32, #tpu.memory_space<hbm>>
        %dma_wait3A_299 = arith.constant 0 : i32
        %dma_wait3A_300 = tpu.memref_slice %arg6[%dma_wait3A_292, %dma_wait3A_299] : memref<6x80xi32, #tpu.memory_space<vmem>> -> memref<1x80xi32, #tpu.memory_space<vmem>>
        %dma_wait3A_301 = tpu.memref_squeeze %dma_wait3A_300 : memref<1x80xi32, #tpu.memory_space<vmem>> -> memref<80xi32, #tpu.memory_space<vmem>>
        %dma_wait3A_302 = arith.constant 0 : i32
        %dma_wait3A_303 = tpu.memref_slice %arg3[%dma_wait3A_290, %add3A, %dma_wait3A_291, %dma_wait3A_302] : memref<2x32x125x80xi32, #tpu.memory_space<hbm>> -> memref<1x1x1x80xi32, #tpu.memory_space<hbm>>
        %dma_wait3A_304 = tpu.memref_squeeze %dma_wait3A_303 : memref<1x1x1x80xi32, #tpu.memory_space<hbm>> -> memref<80xi32, #tpu.memory_space<hbm>>
        tpu.wait_dma2 semaphore(%arg18 : memref<!tpu.dma_semaphore, #tpu.memory_space<semaphore_mem>>) src(%dma_wait3A_304 : memref<80xi32, #tpu.memory_space<hbm>>) dst(%dma_wait3A_301 : memref<80xi32, #tpu.memory_space<vmem>>)
        %dma_start3A_305 = arith.constant 1 : i32
        %dma_start3A_306 = arith.constant 0 : i32
        %dma_start3A_307 = tpu.memref_slice %arg6[%dma_start3A_305, %dma_start3A_306] : memref<6x80xi32, #tpu.memory_space<vmem>> -> memref<1x80xi32, #tpu.memory_space<vmem>>
        %dma_start3A_308 = tpu.memref_squeeze %dma_start3A_307 : memref<1x80xi32, #tpu.memory_space<vmem>> -> memref<80xi32, #tpu.memory_space<vmem>>
        %dma_start3A_309 = arith.constant 0 : i32
        %dma_start3A_310 = arith.constant 0 : i32
        %dma_start3A_311 = tpu.memref_slice %arg10[%dma_start3A_309, %dma_start3A_310] : memref<10240x128xf32, #tpu.memory_space<vmem_shared>> -> memref<10240x128xf32, #tpu.memory_space<vmem_shared>>
        tpu.enqueue_indirect_dma source(%arg8 : memref<80x128xf32, #tpu.memory_space<vmem>>) target(%dma_start3A_311 : memref<10240x128xf32, #tpu.memory_space<vmem_shared>>) offsets(%dma_start3A_308 : memref<80xi32, #tpu.memory_space<vmem>>) semaphore(%arg15 : memref<!tpu.dma_semaphore, #tpu.memory_space<semaphore_mem>>) {add = true}
      } else {
      }
      %add3A_174 = arith.constant 3 : i32
      %add3A_175 = arith.addi %add3A_155, %add3A_174 : i32
      %lt3A_176 = arith.constant 125 : i32
      %lt3A_177 = arith.cmpi slt, %add3A_175, %lt3A_176 : i32
      %convert_element_type3A_178 = arith.extui %lt3A_177 : i1 to i32
      %cond3A_179 = arith.constant 0 : i32
      %cond3A_180 = arith.cmpi ne, %convert_element_type3A_178, %cond3A_179 : i32
      scf.if %cond3A_180 {
        %add3A_290 = arith.constant 3 : i32
        %add3A_291 = arith.addi %add3A_155, %add3A_290 : i32
        %dma_start3A_292 = arith.constant 1 : i32
        %dma_start3A_293 = arith.constant 4 : i32
        %dma_start3A_294 = arith.constant 0 : i32
        %dma_start3A_295 = tpu.memref_slice %arg6[%dma_start3A_293, %dma_start3A_294] : memref<6x80xi32, #tpu.memory_space<vmem>> -> memref<1x80xi32, #tpu.memory_space<vmem>>
        %dma_start3A_296 = tpu.memref_squeeze %dma_start3A_295 : memref<1x80xi32, #tpu.memory_space<vmem>> -> memref<80xi32, #tpu.memory_space<vmem>>
        %dma_start3A_297 = arith.constant 0 : i32
        %dma_start3A_298 = tpu.memref_slice %arg3[%dma_start3A_292, %add3A, %add3A_291, %dma_start3A_297] : memref<2x32x125x80xi32, #tpu.memory_space<hbm>> -> memref<1x1x1x80xi32, #tpu.memory_space<hbm>>
        %dma_start3A_299 = tpu.memref_squeeze %dma_start3A_298 : memref<1x1x1x80xi32, #tpu.memory_space<hbm>> -> memref<80xi32, #tpu.memory_space<hbm>>
        %dma_start3A_300 = arith.constant 0 : i32
        %dma_start3A_301 = tpu.memref_slice %arg6[%dma_start3A_293, %dma_start3A_300] : memref<6x80xi32, #tpu.memory_space<vmem>> -> memref<1x80xi32, #tpu.memory_space<vmem>>
        %dma_start3A_302 = tpu.memref_squeeze %dma_start3A_301 : memref<1x80xi32, #tpu.memory_space<vmem>> -> memref<80xi32, #tpu.memory_space<vmem>>
        %dma_start3A_303 = arith.constant 0 : i32
        %dma_start3A_304 = tpu.memref_slice %arg3[%dma_start3A_292, %add3A, %add3A_291, %dma_start3A_303] : memref<2x32x125x80xi32, #tpu.memory_space<hbm>> -> memref<1x1x1x80xi32, #tpu.memory_space<hbm>>
        %dma_start3A_305 = tpu.memref_squeeze %dma_start3A_304 : memref<1x1x1x80xi32, #tpu.memory_space<hbm>> -> memref<80xi32, #tpu.memory_space<hbm>>
        tpu.enqueue_dma source(%dma_start3A_305 : memref<80xi32, #tpu.memory_space<hbm>>) target(%dma_start3A_302 : memref<80xi32, #tpu.memory_space<vmem>>) target_semaphore(%arg21 : memref<!tpu.dma_semaphore, #tpu.memory_space<semaphore_mem>>)
      } else {
      }
      %add3A_181 = arith.constant 2 : i32
      %add3A_182 = arith.addi %mul3A_130, %add3A_181 : i32
      %add3A_183 = arith.constant 2 : i32
      %add3A_184 = arith.addi %add3A_182, %add3A_183 : i32
      %le3A_185 = arith.constant 125 : i32
      %le3A_186 = arith.cmpi sle, %add3A_184, %le3A_185 : i32
      %convert_element_type3A_187 = arith.extui %le3A_186 : i1 to i32
      %cond3A_188 = arith.constant 0 : i32
      %cond3A_189 = arith.cmpi ne, %convert_element_type3A_187, %cond3A_188 : i32
      scf.if %cond3A_189 {
        %ge3A = arith.constant 1 : i32
        %ge3A_290 = arith.cmpi sge, %add3A_182, %ge3A : i32
        %convert_element_type3A_291 = arith.extui %ge3A_290 : i1 to i32
        %cond3A_292 = arith.constant 0 : i32
        %cond3A_293 = arith.cmpi ne, %convert_element_type3A_291, %cond3A_292 : i32
        scf.if %cond3A_293 {
          %dma_wait3A_306 = arith.constant 1 : i32
          %dma_wait3A_307 = arith.constant 0 : i32
          %dma_wait3A_308 = tpu.memref_slice %arg6[%dma_wait3A_306, %dma_wait3A_307] : memref<6x80xi32, #tpu.memory_space<vmem>> -> memref<1x80xi32, #tpu.memory_space<vmem>>
          %dma_wait3A_309 = tpu.memref_squeeze %dma_wait3A_308 : memref<1x80xi32, #tpu.memory_space<vmem>> -> memref<80xi32, #tpu.memory_space<vmem>>
          %dma_wait3A_310 = arith.constant 0 : i32
          %dma_wait3A_311 = arith.constant 0 : i32
          %dma_wait3A_312 = tpu.memref_slice %arg10[%dma_wait3A_310, %dma_wait3A_311] : memref<10240x128xf32, #tpu.memory_space<vmem_shared>> -> memref<10240x128xf32, #tpu.memory_space<vmem_shared>>
          tpu.wait_indirect_dma semaphore(%arg15 : memref<!tpu.dma_semaphore, #tpu.memory_space<semaphore_mem>>) src(%arg8 : memref<80x128xf32, #tpu.memory_space<vmem>>) dst(%dma_wait3A_312 : memref<10240x128xf32, #tpu.memory_space<vmem_shared>>)
        } else {
        }
        %add3A_294 = arith.constant 2 : i32
        %add3A_295 = arith.addi %add3A_182, %add3A_294 : i32
        %lt3A_296 = arith.constant 125 : i32
        %lt3A_297 = arith.cmpi slt, %add3A_295, %lt3A_296 : i32
        %jit3A_298 = arith.constant 0 : i32
        %select_n3A_299 = arith.select %lt3A_297, %add3A_295, %jit3A_298 : i32
        %dma_start3A_300 = arith.constant 0 : i32
        %dma_start3A_301 = tpu.memref_slice %arg5[%select_n3A_299, %dma_start3A_300] : memref<125x80xi32, #tpu.memory_space<vmem>> -> memref<1x80xi32, #tpu.memory_space<vmem>>
        %dma_start3A_302 = tpu.memref_squeeze %dma_start3A_301 : memref<1x80xi32, #tpu.memory_space<vmem>> -> memref<80xi32, #tpu.memory_space<vmem>>
        %dma_start3A_303 = arith.constant 0 : i32
        %dma_start3A_304 = arith.constant 0 : i32
        %dma_start3A_305 = tpu.memref_slice %arg2[%dma_start3A_303, %dma_start3A_304] : memref<10000x128xf32, #tpu.memory_space<hbm>> -> memref<10000x128xf32, #tpu.memory_space<hbm>>
        tpu.enqueue_indirect_dma source(%dma_start3A_305 : memref<10000x128xf32, #tpu.memory_space<hbm>>) target(%arg8 : memref<80x128xf32, #tpu.memory_space<vmem>>) offsets(%dma_start3A_302 : memref<80xi32, #tpu.memory_space<vmem>>) semaphore(%arg12 : memref<!tpu.dma_semaphore, #tpu.memory_space<semaphore_mem>>)
      } else {
      }
      %dma_wait3A_190 = arith.constant 0 : i32
      %dma_wait3A_191 = arith.constant 0 : i32
      %dma_wait3A_192 = tpu.memref_slice %arg2[%dma_wait3A_190, %dma_wait3A_191] : memref<10000x128xf32, #tpu.memory_space<hbm>> -> memref<80x128xf32, #tpu.memory_space<hbm>>
      %dma_wait3A_193 = arith.constant 0 : i32
      %dma_wait3A_194 = arith.constant 0 : i32
      %dma_wait3A_195 = tpu.memref_slice %arg2[%dma_wait3A_193, %dma_wait3A_194] : memref<10000x128xf32, #tpu.memory_space<hbm>> -> memref<80x128xf32, #tpu.memory_space<hbm>>
      tpu.wait_dma2 semaphore(%arg13 : memref<!tpu.dma_semaphore, #tpu.memory_space<semaphore_mem>>) src(%dma_wait3A_195 : memref<80x128xf32, #tpu.memory_space<hbm>>) dst(%arg9 : memref<80x128xf32, #tpu.memory_space<vmem>>)
      %lt3A_196 = arith.constant 125 : i32
      %lt3A_197 = arith.cmpi slt, %add3A_182, %lt3A_196 : i32
      %convert_element_type3A_198 = arith.extui %lt3A_197 : i1 to i32
      %cond3A_199 = arith.constant 0 : i32
      %cond3A_200 = arith.cmpi ne, %convert_element_type3A_198, %cond3A_199 : i32
      scf.if %cond3A_200 {
        %dma_wait3A_290 = arith.constant 1 : i32
        %dma_wait3A_291 = arith.constant 0 : i32
        %dma_wait3A_292 = arith.constant 2 : i32
        %dma_wait3A_293 = arith.constant 0 : i32
        %dma_wait3A_294 = tpu.memref_slice %arg6[%dma_wait3A_292, %dma_wait3A_293] : memref<6x80xi32, #tpu.memory_space<vmem>> -> memref<1x80xi32, #tpu.memory_space<vmem>>
        %dma_wait3A_295 = tpu.memref_squeeze %dma_wait3A_294 : memref<1x80xi32, #tpu.memory_space<vmem>> -> memref<80xi32, #tpu.memory_space<vmem>>
        %dma_wait3A_296 = arith.constant 0 : i32
        %dma_wait3A_297 = tpu.memref_slice %arg3[%dma_wait3A_290, %add3A, %dma_wait3A_291, %dma_wait3A_296] : memref<2x32x125x80xi32, #tpu.memory_space<hbm>> -> memref<1x1x1x80xi32, #tpu.memory_space<hbm>>
        %dma_wait3A_298 = tpu.memref_squeeze %dma_wait3A_297 : memref<1x1x1x80xi32, #tpu.memory_space<hbm>> -> memref<80xi32, #tpu.memory_space<hbm>>
        %dma_wait3A_299 = arith.constant 0 : i32
        %dma_wait3A_300 = tpu.memref_slice %arg6[%dma_wait3A_292, %dma_wait3A_299] : memref<6x80xi32, #tpu.memory_space<vmem>> -> memref<1x80xi32, #tpu.memory_space<vmem>>
        %dma_wait3A_301 = tpu.memref_squeeze %dma_wait3A_300 : memref<1x80xi32, #tpu.memory_space<vmem>> -> memref<80xi32, #tpu.memory_space<vmem>>
        %dma_wait3A_302 = arith.constant 0 : i32
        %dma_wait3A_303 = tpu.memref_slice %arg3[%dma_wait3A_290, %add3A, %dma_wait3A_291, %dma_wait3A_302] : memref<2x32x125x80xi32, #tpu.memory_space<hbm>> -> memref<1x1x1x80xi32, #tpu.memory_space<hbm>>
        %dma_wait3A_304 = tpu.memref_squeeze %dma_wait3A_303 : memref<1x1x1x80xi32, #tpu.memory_space<hbm>> -> memref<80xi32, #tpu.memory_space<hbm>>
        tpu.wait_dma2 semaphore(%arg19 : memref<!tpu.dma_semaphore, #tpu.memory_space<semaphore_mem>>) src(%dma_wait3A_304 : memref<80xi32, #tpu.memory_space<hbm>>) dst(%dma_wait3A_301 : memref<80xi32, #tpu.memory_space<vmem>>)
        %dma_start3A_305 = arith.constant 2 : i32
        %dma_start3A_306 = arith.constant 0 : i32
        %dma_start3A_307 = tpu.memref_slice %arg6[%dma_start3A_305, %dma_start3A_306] : memref<6x80xi32, #tpu.memory_space<vmem>> -> memref<1x80xi32, #tpu.memory_space<vmem>>
        %dma_start3A_308 = tpu.memref_squeeze %dma_start3A_307 : memref<1x80xi32, #tpu.memory_space<vmem>> -> memref<80xi32, #tpu.memory_space<vmem>>
        %dma_start3A_309 = arith.constant 0 : i32
        %dma_start3A_310 = arith.constant 0 : i32
        %dma_start3A_311 = tpu.memref_slice %arg10[%dma_start3A_309, %dma_start3A_310] : memref<10240x128xf32, #tpu.memory_space<vmem_shared>> -> memref<10240x128xf32, #tpu.memory_space<vmem_shared>>
        tpu.enqueue_indirect_dma source(%arg9 : memref<80x128xf32, #tpu.memory_space<vmem>>) target(%dma_start3A_311 : memref<10240x128xf32, #tpu.memory_space<vmem_shared>>) offsets(%dma_start3A_308 : memref<80xi32, #tpu.memory_space<vmem>>) semaphore(%arg16 : memref<!tpu.dma_semaphore, #tpu.memory_space<semaphore_mem>>) {add = true}
      } else {
      }
      %add3A_201 = arith.constant 3 : i32
      %add3A_202 = arith.addi %add3A_182, %add3A_201 : i32
      %lt3A_203 = arith.constant 125 : i32
      %lt3A_204 = arith.cmpi slt, %add3A_202, %lt3A_203 : i32
      %convert_element_type3A_205 = arith.extui %lt3A_204 : i1 to i32
      %cond3A_206 = arith.constant 0 : i32
      %cond3A_207 = arith.cmpi ne, %convert_element_type3A_205, %cond3A_206 : i32
      scf.if %cond3A_207 {
        %add3A_290 = arith.constant 3 : i32
        %add3A_291 = arith.addi %add3A_182, %add3A_290 : i32
        %dma_start3A_292 = arith.constant 1 : i32
        %dma_start3A_293 = arith.constant 5 : i32
        %dma_start3A_294 = arith.constant 0 : i32
        %dma_start3A_295 = tpu.memref_slice %arg6[%dma_start3A_293, %dma_start3A_294] : memref<6x80xi32, #tpu.memory_space<vmem>> -> memref<1x80xi32, #tpu.memory_space<vmem>>
        %dma_start3A_296 = tpu.memref_squeeze %dma_start3A_295 : memref<1x80xi32, #tpu.memory_space<vmem>> -> memref<80xi32, #tpu.memory_space<vmem>>
        %dma_start3A_297 = arith.constant 0 : i32
        %dma_start3A_298 = tpu.memref_slice %arg3[%dma_start3A_292, %add3A, %add3A_291, %dma_start3A_297] : memref<2x32x125x80xi32, #tpu.memory_space<hbm>> -> memref<1x1x1x80xi32, #tpu.memory_space<hbm>>
        %dma_start3A_299 = tpu.memref_squeeze %dma_start3A_298 : memref<1x1x1x80xi32, #tpu.memory_space<hbm>> -> memref<80xi32, #tpu.memory_space<hbm>>
        %dma_start3A_300 = arith.constant 0 : i32
        %dma_start3A_301 = tpu.memref_slice %arg6[%dma_start3A_293, %dma_start3A_300] : memref<6x80xi32, #tpu.memory_space<vmem>> -> memref<1x80xi32, #tpu.memory_space<vmem>>
        %dma_start3A_302 = tpu.memref_squeeze %dma_start3A_301 : memref<1x80xi32, #tpu.memory_space<vmem>> -> memref<80xi32, #tpu.memory_space<vmem>>
        %dma_start3A_303 = arith.constant 0 : i32
        %dma_start3A_304 = tpu.memref_slice %arg3[%dma_start3A_292, %add3A, %add3A_291, %dma_start3A_303] : memref<2x32x125x80xi32, #tpu.memory_space<hbm>> -> memref<1x1x1x80xi32, #tpu.memory_space<hbm>>
        %dma_start3A_305 = tpu.memref_squeeze %dma_start3A_304 : memref<1x1x1x80xi32, #tpu.memory_space<hbm>> -> memref<80xi32, #tpu.memory_space<hbm>>
        tpu.enqueue_dma source(%dma_start3A_305 : memref<80xi32, #tpu.memory_space<hbm>>) target(%dma_start3A_302 : memref<80xi32, #tpu.memory_space<vmem>>) target_semaphore(%arg22 : memref<!tpu.dma_semaphore, #tpu.memory_space<semaphore_mem>>)
      } else {
      }
      %add3A_208 = arith.constant 3 : i32
      %add3A_209 = arith.addi %mul3A_130, %add3A_208 : i32
      %add3A_210 = arith.constant 2 : i32
      %add3A_211 = arith.addi %add3A_209, %add3A_210 : i32
      %le3A_212 = arith.constant 125 : i32
      %le3A_213 = arith.cmpi sle, %add3A_211, %le3A_212 : i32
      %convert_element_type3A_214 = arith.extui %le3A_213 : i1 to i32
      %cond3A_215 = arith.constant 0 : i32
      %cond3A_216 = arith.cmpi ne, %convert_element_type3A_214, %cond3A_215 : i32
      scf.if %cond3A_216 {
        %ge3A = arith.constant 1 : i32
        %ge3A_290 = arith.cmpi sge, %add3A_209, %ge3A : i32
        %convert_element_type3A_291 = arith.extui %ge3A_290 : i1 to i32
        %cond3A_292 = arith.constant 0 : i32
        %cond3A_293 = arith.cmpi ne, %convert_element_type3A_291, %cond3A_292 : i32
        scf.if %cond3A_293 {
          %dma_wait3A_306 = arith.constant 2 : i32
          %dma_wait3A_307 = arith.constant 0 : i32
          %dma_wait3A_308 = tpu.memref_slice %arg6[%dma_wait3A_306, %dma_wait3A_307] : memref<6x80xi32, #tpu.memory_space<vmem>> -> memref<1x80xi32, #tpu.memory_space<vmem>>
          %dma_wait3A_309 = tpu.memref_squeeze %dma_wait3A_308 : memref<1x80xi32, #tpu.memory_space<vmem>> -> memref<80xi32, #tpu.memory_space<vmem>>
          %dma_wait3A_310 = arith.constant 0 : i32
          %dma_wait3A_311 = arith.constant 0 : i32
          %dma_wait3A_312 = tpu.memref_slice %arg10[%dma_wait3A_310, %dma_wait3A_311] : memref<10240x128xf32, #tpu.memory_space<vmem_shared>> -> memref<10240x128xf32, #tpu.memory_space<vmem_shared>>
          tpu.wait_indirect_dma semaphore(%arg16 : memref<!tpu.dma_semaphore, #tpu.memory_space<semaphore_mem>>) src(%arg9 : memref<80x128xf32, #tpu.memory_space<vmem>>) dst(%dma_wait3A_312 : memref<10240x128xf32, #tpu.memory_space<vmem_shared>>)
        } else {
        }
        %add3A_294 = arith.constant 2 : i32
        %add3A_295 = arith.addi %add3A_209, %add3A_294 : i32
        %lt3A_296 = arith.constant 125 : i32
        %lt3A_297 = arith.cmpi slt, %add3A_295, %lt3A_296 : i32
        %jit3A_298 = arith.constant 0 : i32
        %select_n3A_299 = arith.select %lt3A_297, %add3A_295, %jit3A_298 : i32
        %dma_start3A_300 = arith.constant 0 : i32
        %dma_start3A_301 = tpu.memref_slice %arg5[%select_n3A_299, %dma_start3A_300] : memref<125x80xi32, #tpu.memory_space<vmem>> -> memref<1x80xi32, #tpu.memory_space<vmem>>
        %dma_start3A_302 = tpu.memref_squeeze %dma_start3A_301 : memref<1x80xi32, #tpu.memory_space<vmem>> -> memref<80xi32, #tpu.memory_space<vmem>>
        %dma_start3A_303 = arith.constant 0 : i32
        %dma_start3A_304 = arith.constant 0 : i32
        %dma_start3A_305 = tpu.memref_slice %arg2[%dma_start3A_303, %dma_start3A_304] : memref<10000x128xf32, #tpu.memory_space<hbm>> -> memref<10000x128xf32, #tpu.memory_space<hbm>>
        tpu.enqueue_indirect_dma source(%dma_start3A_305 : memref<10000x128xf32, #tpu.memory_space<hbm>>) target(%arg9 : memref<80x128xf32, #tpu.memory_space<vmem>>) offsets(%dma_start3A_302 : memref<80xi32, #tpu.memory_space<vmem>>) semaphore(%arg13 : memref<!tpu.dma_semaphore, #tpu.memory_space<semaphore_mem>>)
      } else {
      }
      %dma_wait3A_217 = arith.constant 0 : i32
      %dma_wait3A_218 = arith.constant 0 : i32
      %dma_wait3A_219 = tpu.memref_slice %arg2[%dma_wait3A_217, %dma_wait3A_218] : memref<10000x128xf32, #tpu.memory_space<hbm>> -> memref<80x128xf32, #tpu.memory_space<hbm>>
      %dma_wait3A_220 = arith.constant 0 : i32
      %dma_wait3A_221 = arith.constant 0 : i32
      %dma_wait3A_222 = tpu.memref_slice %arg2[%dma_wait3A_220, %dma_wait3A_221] : memref<10000x128xf32, #tpu.memory_space<hbm>> -> memref<80x128xf32, #tpu.memory_space<hbm>>
      tpu.wait_dma2 semaphore(%arg11 : memref<!tpu.dma_semaphore, #tpu.memory_space<semaphore_mem>>) src(%dma_wait3A_222 : memref<80x128xf32, #tpu.memory_space<hbm>>) dst(%arg7 : memref<80x128xf32, #tpu.memory_space<vmem>>)
      %lt3A_223 = arith.constant 125 : i32
      %lt3A_224 = arith.cmpi slt, %add3A_209, %lt3A_223 : i32
      %convert_element_type3A_225 = arith.extui %lt3A_224 : i1 to i32
      %cond3A_226 = arith.constant 0 : i32
      %cond3A_227 = arith.cmpi ne, %convert_element_type3A_225, %cond3A_226 : i32
      scf.if %cond3A_227 {
        %dma_wait3A_290 = arith.constant 1 : i32
        %dma_wait3A_291 = arith.constant 0 : i32
        %dma_wait3A_292 = arith.constant 3 : i32
        %dma_wait3A_293 = arith.constant 0 : i32
        %dma_wait3A_294 = tpu.memref_slice %arg6[%dma_wait3A_292, %dma_wait3A_293] : memref<6x80xi32, #tpu.memory_space<vmem>> -> memref<1x80xi32, #tpu.memory_space<vmem>>
        %dma_wait3A_295 = tpu.memref_squeeze %dma_wait3A_294 : memref<1x80xi32, #tpu.memory_space<vmem>> -> memref<80xi32, #tpu.memory_space<vmem>>
        %dma_wait3A_296 = arith.constant 0 : i32
        %dma_wait3A_297 = tpu.memref_slice %arg3[%dma_wait3A_290, %add3A, %dma_wait3A_291, %dma_wait3A_296] : memref<2x32x125x80xi32, #tpu.memory_space<hbm>> -> memref<1x1x1x80xi32, #tpu.memory_space<hbm>>
        %dma_wait3A_298 = tpu.memref_squeeze %dma_wait3A_297 : memref<1x1x1x80xi32, #tpu.memory_space<hbm>> -> memref<80xi32, #tpu.memory_space<hbm>>
        %dma_wait3A_299 = arith.constant 0 : i32
        %dma_wait3A_300 = tpu.memref_slice %arg6[%dma_wait3A_292, %dma_wait3A_299] : memref<6x80xi32, #tpu.memory_space<vmem>> -> memref<1x80xi32, #tpu.memory_space<vmem>>
        %dma_wait3A_301 = tpu.memref_squeeze %dma_wait3A_300 : memref<1x80xi32, #tpu.memory_space<vmem>> -> memref<80xi32, #tpu.memory_space<vmem>>
        %dma_wait3A_302 = arith.constant 0 : i32
        %dma_wait3A_303 = tpu.memref_slice %arg3[%dma_wait3A_290, %add3A, %dma_wait3A_291, %dma_wait3A_302] : memref<2x32x125x80xi32, #tpu.memory_space<hbm>> -> memref<1x1x1x80xi32, #tpu.memory_space<hbm>>
        %dma_wait3A_304 = tpu.memref_squeeze %dma_wait3A_303 : memref<1x1x1x80xi32, #tpu.memory_space<hbm>> -> memref<80xi32, #tpu.memory_space<hbm>>
        tpu.wait_dma2 semaphore(%arg20 : memref<!tpu.dma_semaphore, #tpu.memory_space<semaphore_mem>>) src(%dma_wait3A_304 : memref<80xi32, #tpu.memory_space<hbm>>) dst(%dma_wait3A_301 : memref<80xi32, #tpu.memory_space<vmem>>)
        %dma_start3A_305 = arith.constant 3 : i32
        %dma_start3A_306 = arith.constant 0 : i32
        %dma_start3A_307 = tpu.memref_slice %arg6[%dma_start3A_305, %dma_start3A_306] : memref<6x80xi32, #tpu.memory_space<vmem>> -> memref<1x80xi32, #tpu.memory_space<vmem>>
        %dma_start3A_308 = tpu.memref_squeeze %dma_start3A_307 : memref<1x80xi32, #tpu.memory_space<vmem>> -> memref<80xi32, #tpu.memory_space<vmem>>
        %dma_start3A_309 = arith.constant 0 : i32
        %dma_start3A_310 = arith.constant 0 : i32
        %dma_start3A_311 = tpu.memref_slice %arg10[%dma_start3A_309, %dma_start3A_310] : memref<10240x128xf32, #tpu.memory_space<vmem_shared>> -> memref<10240x128xf32, #tpu.memory_space<vmem_shared>>
        tpu.enqueue_indirect_dma source(%arg7 : memref<80x128xf32, #tpu.memory_space<vmem>>) target(%dma_start3A_311 : memref<10240x128xf32, #tpu.memory_space<vmem_shared>>) offsets(%dma_start3A_308 : memref<80xi32, #tpu.memory_space<vmem>>) semaphore(%arg14 : memref<!tpu.dma_semaphore, #tpu.memory_space<semaphore_mem>>) {add = true}
      } else {
      }
      %add3A_228 = arith.constant 3 : i32
      %add3A_229 = arith.addi %add3A_209, %add3A_228 : i32
      %lt3A_230 = arith.constant 125 : i32
      %lt3A_231 = arith.cmpi slt, %add3A_229, %lt3A_230 : i32
      %convert_element_type3A_232 = arith.extui %lt3A_231 : i1 to i32
      %cond3A_233 = arith.constant 0 : i32
      %cond3A_234 = arith.cmpi ne, %convert_element_type3A_232, %cond3A_233 : i32
      scf.if %cond3A_234 {
        %add3A_290 = arith.constant 3 : i32
        %add3A_291 = arith.addi %add3A_209, %add3A_290 : i32
        %dma_start3A_292 = arith.constant 1 : i32
        %dma_start3A_293 = arith.constant 0 : i32
        %dma_start3A_294 = arith.constant 0 : i32
        %dma_start3A_295 = tpu.memref_slice %arg6[%dma_start3A_293, %dma_start3A_294] : memref<6x80xi32, #tpu.memory_space<vmem>> -> memref<1x80xi32, #tpu.memory_space<vmem>>
        %dma_start3A_296 = tpu.memref_squeeze %dma_start3A_295 : memref<1x80xi32, #tpu.memory_space<vmem>> -> memref<80xi32, #tpu.memory_space<vmem>>
        %dma_start3A_297 = arith.constant 0 : i32
        %dma_start3A_298 = tpu.memref_slice %arg3[%dma_start3A_292, %add3A, %add3A_291, %dma_start3A_297] : memref<2x32x125x80xi32, #tpu.memory_space<hbm>> -> memref<1x1x1x80xi32, #tpu.memory_space<hbm>>
        %dma_start3A_299 = tpu.memref_squeeze %dma_start3A_298 : memref<1x1x1x80xi32, #tpu.memory_space<hbm>> -> memref<80xi32, #tpu.memory_space<hbm>>
        %dma_start3A_300 = arith.constant 0 : i32
        %dma_start3A_301 = tpu.memref_slice %arg6[%dma_start3A_293, %dma_start3A_300] : memref<6x80xi32, #tpu.memory_space<vmem>> -> memref<1x80xi32, #tpu.memory_space<vmem>>
        %dma_start3A_302 = tpu.memref_squeeze %dma_start3A_301 : memref<1x80xi32, #tpu.memory_space<vmem>> -> memref<80xi32, #tpu.memory_space<vmem>>
        %dma_start3A_303 = arith.constant 0 : i32
        %dma_start3A_304 = tpu.memref_slice %arg3[%dma_start3A_292, %add3A, %add3A_291, %dma_start3A_303] : memref<2x32x125x80xi32, #tpu.memory_space<hbm>> -> memref<1x1x1x80xi32, #tpu.memory_space<hbm>>
        %dma_start3A_305 = tpu.memref_squeeze %dma_start3A_304 : memref<1x1x1x80xi32, #tpu.memory_space<hbm>> -> memref<80xi32, #tpu.memory_space<hbm>>
        tpu.enqueue_dma source(%dma_start3A_305 : memref<80xi32, #tpu.memory_space<hbm>>) target(%dma_start3A_302 : memref<80xi32, #tpu.memory_space<vmem>>) target_semaphore(%arg17 : memref<!tpu.dma_semaphore, #tpu.memory_space<semaphore_mem>>)
      } else {
      }
      %add3A_235 = arith.constant 4 : i32
      %add3A_236 = arith.addi %mul3A_130, %add3A_235 : i32
      %add3A_237 = arith.constant 2 : i32
      %add3A_238 = arith.addi %add3A_236, %add3A_237 : i32
      %le3A_239 = arith.constant 125 : i32
      %le3A_240 = arith.cmpi sle, %add3A_238, %le3A_239 : i32
      %convert_element_type3A_241 = arith.extui %le3A_240 : i1 to i32
      %cond3A_242 = arith.constant 0 : i32
      %cond3A_243 = arith.cmpi ne, %convert_element_type3A_241, %cond3A_242 : i32
      scf.if %cond3A_243 {
        %ge3A = arith.constant 1 : i32
        %ge3A_290 = arith.cmpi sge, %add3A_236, %ge3A : i32
        %convert_element_type3A_291 = arith.extui %ge3A_290 : i1 to i32
        %cond3A_292 = arith.constant 0 : i32
        %cond3A_293 = arith.cmpi ne, %convert_element_type3A_291, %cond3A_292 : i32
        scf.if %cond3A_293 {
          %dma_wait3A_306 = arith.constant 0 : i32
          %dma_wait3A_307 = arith.constant 0 : i32
          %dma_wait3A_308 = tpu.memref_slice %arg6[%dma_wait3A_306, %dma_wait3A_307] : memref<6x80xi32, #tpu.memory_space<vmem>> -> memref<1x80xi32, #tpu.memory_space<vmem>>
          %dma_wait3A_309 = tpu.memref_squeeze %dma_wait3A_308 : memref<1x80xi32, #tpu.memory_space<vmem>> -> memref<80xi32, #tpu.memory_space<vmem>>
          %dma_wait3A_310 = arith.constant 0 : i32
          %dma_wait3A_311 = arith.constant 0 : i32
          %dma_wait3A_312 = tpu.memref_slice %arg10[%dma_wait3A_310, %dma_wait3A_311] : memref<10240x128xf32, #tpu.memory_space<vmem_shared>> -> memref<10240x128xf32, #tpu.memory_space<vmem_shared>>
          tpu.wait_indirect_dma semaphore(%arg14 : memref<!tpu.dma_semaphore, #tpu.memory_space<semaphore_mem>>) src(%arg7 : memref<80x128xf32, #tpu.memory_space<vmem>>) dst(%dma_wait3A_312 : memref<10240x128xf32, #tpu.memory_space<vmem_shared>>)
        } else {
        }
        %add3A_294 = arith.constant 2 : i32
        %add3A_295 = arith.addi %add3A_236, %add3A_294 : i32
        %lt3A_296 = arith.constant 125 : i32
        %lt3A_297 = arith.cmpi slt, %add3A_295, %lt3A_296 : i32
        %jit3A_298 = arith.constant 0 : i32
        %select_n3A_299 = arith.select %lt3A_297, %add3A_295, %jit3A_298 : i32
        %dma_start3A_300 = arith.constant 0 : i32
        %dma_start3A_301 = tpu.memref_slice %arg5[%select_n3A_299, %dma_start3A_300] : memref<125x80xi32, #tpu.memory_space<vmem>> -> memref<1x80xi32, #tpu.memory_space<vmem>>
        %dma_start3A_302 = tpu.memref_squeeze %dma_start3A_301 : memref<1x80xi32, #tpu.memory_space<vmem>> -> memref<80xi32, #tpu.memory_space<vmem>>
        %dma_start3A_303 = arith.constant 0 : i32
        %dma_start3A_304 = arith.constant 0 : i32
        %dma_start3A_305 = tpu.memref_slice %arg2[%dma_start3A_303, %dma_start3A_304] : memref<10000x128xf32, #tpu.memory_space<hbm>> -> memref<10000x128xf32, #tpu.memory_space<hbm>>
        tpu.enqueue_indirect_dma source(%dma_start3A_305 : memref<10000x128xf32, #tpu.memory_space<hbm>>) target(%arg7 : memref<80x128xf32, #tpu.memory_space<vmem>>) offsets(%dma_start3A_302 : memref<80xi32, #tpu.memory_space<vmem>>) semaphore(%arg11 : memref<!tpu.dma_semaphore, #tpu.memory_space<semaphore_mem>>)
      } else {
      }
      %dma_wait3A_244 = arith.constant 0 : i32
      %dma_wait3A_245 = arith.constant 0 : i32
      %dma_wait3A_246 = tpu.memref_slice %arg2[%dma_wait3A_244, %dma_wait3A_245] : memref<10000x128xf32, #tpu.memory_space<hbm>> -> memref<80x128xf32, #tpu.memory_space<hbm>>
      %dma_wait3A_247 = arith.constant 0 : i32
      %dma_wait3A_248 = arith.constant 0 : i32
      %dma_wait3A_249 = tpu.memref_slice %arg2[%dma_wait3A_247, %dma_wait3A_248] : memref<10000x128xf32, #tpu.memory_space<hbm>> -> memref<80x128xf32, #tpu.memory_space<hbm>>
      tpu.wait_dma2 semaphore(%arg12 : memref<!tpu.dma_semaphore, #tpu.memory_space<semaphore_mem>>) src(%dma_wait3A_249 : memref<80x128xf32, #tpu.memory_space<hbm>>) dst(%arg8 : memref<80x128xf32, #tpu.memory_space<vmem>>)
      %lt3A_250 = arith.constant 125 : i32
      %lt3A_251 = arith.cmpi slt, %add3A_236, %lt3A_250 : i32
      %convert_element_type3A_252 = arith.extui %lt3A_251 : i1 to i32
      %cond3A_253 = arith.constant 0 : i32
      %cond3A_254 = arith.cmpi ne, %convert_element_type3A_252, %cond3A_253 : i32
      scf.if %cond3A_254 {
        %dma_wait3A_290 = arith.constant 1 : i32
        %dma_wait3A_291 = arith.constant 0 : i32
        %dma_wait3A_292 = arith.constant 4 : i32
        %dma_wait3A_293 = arith.constant 0 : i32
        %dma_wait3A_294 = tpu.memref_slice %arg6[%dma_wait3A_292, %dma_wait3A_293] : memref<6x80xi32, #tpu.memory_space<vmem>> -> memref<1x80xi32, #tpu.memory_space<vmem>>
        %dma_wait3A_295 = tpu.memref_squeeze %dma_wait3A_294 : memref<1x80xi32, #tpu.memory_space<vmem>> -> memref<80xi32, #tpu.memory_space<vmem>>
        %dma_wait3A_296 = arith.constant 0 : i32
        %dma_wait3A_297 = tpu.memref_slice %arg3[%dma_wait3A_290, %add3A, %dma_wait3A_291, %dma_wait3A_296] : memref<2x32x125x80xi32, #tpu.memory_space<hbm>> -> memref<1x1x1x80xi32, #tpu.memory_space<hbm>>
        %dma_wait3A_298 = tpu.memref_squeeze %dma_wait3A_297 : memref<1x1x1x80xi32, #tpu.memory_space<hbm>> -> memref<80xi32, #tpu.memory_space<hbm>>
        %dma_wait3A_299 = arith.constant 0 : i32
        %dma_wait3A_300 = tpu.memref_slice %arg6[%dma_wait3A_292, %dma_wait3A_299] : memref<6x80xi32, #tpu.memory_space<vmem>> -> memref<1x80xi32, #tpu.memory_space<vmem>>
        %dma_wait3A_301 = tpu.memref_squeeze %dma_wait3A_300 : memref<1x80xi32, #tpu.memory_space<vmem>> -> memref<80xi32, #tpu.memory_space<vmem>>
        %dma_wait3A_302 = arith.constant 0 : i32
        %dma_wait3A_303 = tpu.memref_slice %arg3[%dma_wait3A_290, %add3A, %dma_wait3A_291, %dma_wait3A_302] : memref<2x32x125x80xi32, #tpu.memory_space<hbm>> -> memref<1x1x1x80xi32, #tpu.memory_space<hbm>>
        %dma_wait3A_304 = tpu.memref_squeeze %dma_wait3A_303 : memref<1x1x1x80xi32, #tpu.memory_space<hbm>> -> memref<80xi32, #tpu.memory_space<hbm>>
        tpu.wait_dma2 semaphore(%arg21 : memref<!tpu.dma_semaphore, #tpu.memory_space<semaphore_mem>>) src(%dma_wait3A_304 : memref<80xi32, #tpu.memory_space<hbm>>) dst(%dma_wait3A_301 : memref<80xi32, #tpu.memory_space<vmem>>)
        %dma_start3A_305 = arith.constant 4 : i32
        %dma_start3A_306 = arith.constant 0 : i32
        %dma_start3A_307 = tpu.memref_slice %arg6[%dma_start3A_305, %dma_start3A_306] : memref<6x80xi32, #tpu.memory_space<vmem>> -> memref<1x80xi32, #tpu.memory_space<vmem>>
        %dma_start3A_308 = tpu.memref_squeeze %dma_start3A_307 : memref<1x80xi32, #tpu.memory_space<vmem>> -> memref<80xi32, #tpu.memory_space<vmem>>
        %dma_start3A_309 = arith.constant 0 : i32
        %dma_start3A_310 = arith.constant 0 : i32
        %dma_start3A_311 = tpu.memref_slice %arg10[%dma_start3A_309, %dma_start3A_310] : memref<10240x128xf32, #tpu.memory_space<vmem_shared>> -> memref<10240x128xf32, #tpu.memory_space<vmem_shared>>
        tpu.enqueue_indirect_dma source(%arg8 : memref<80x128xf32, #tpu.memory_space<vmem>>) target(%dma_start3A_311 : memref<10240x128xf32, #tpu.memory_space<vmem_shared>>) offsets(%dma_start3A_308 : memref<80xi32, #tpu.memory_space<vmem>>) semaphore(%arg15 : memref<!tpu.dma_semaphore, #tpu.memory_space<semaphore_mem>>) {add = true}
      } else {
      }
      %add3A_255 = arith.constant 3 : i32
      %add3A_256 = arith.addi %add3A_236, %add3A_255 : i32
      %lt3A_257 = arith.constant 125 : i32
      %lt3A_258 = arith.cmpi slt, %add3A_256, %lt3A_257 : i32
      %convert_element_type3A_259 = arith.extui %lt3A_258 : i1 to i32
      %cond3A_260 = arith.constant 0 : i32
      %cond3A_261 = arith.cmpi ne, %convert_element_type3A_259, %cond3A_260 : i32
      scf.if %cond3A_261 {
        %add3A_290 = arith.constant 3 : i32
        %add3A_291 = arith.addi %add3A_236, %add3A_290 : i32
        %dma_start3A_292 = arith.constant 1 : i32
        %dma_start3A_293 = arith.constant 1 : i32
        %dma_start3A_294 = arith.constant 0 : i32
        %dma_start3A_295 = tpu.memref_slice %arg6[%dma_start3A_293, %dma_start3A_294] : memref<6x80xi32, #tpu.memory_space<vmem>> -> memref<1x80xi32, #tpu.memory_space<vmem>>
        %dma_start3A_296 = tpu.memref_squeeze %dma_start3A_295 : memref<1x80xi32, #tpu.memory_space<vmem>> -> memref<80xi32, #tpu.memory_space<vmem>>
        %dma_start3A_297 = arith.constant 0 : i32
        %dma_start3A_298 = tpu.memref_slice %arg3[%dma_start3A_292, %add3A, %add3A_291, %dma_start3A_297] : memref<2x32x125x80xi32, #tpu.memory_space<hbm>> -> memref<1x1x1x80xi32, #tpu.memory_space<hbm>>
        %dma_start3A_299 = tpu.memref_squeeze %dma_start3A_298 : memref<1x1x1x80xi32, #tpu.memory_space<hbm>> -> memref<80xi32, #tpu.memory_space<hbm>>
        %dma_start3A_300 = arith.constant 0 : i32
        %dma_start3A_301 = tpu.memref_slice %arg6[%dma_start3A_293, %dma_start3A_300] : memref<6x80xi32, #tpu.memory_space<vmem>> -> memref<1x80xi32, #tpu.memory_space<vmem>>
        %dma_start3A_302 = tpu.memref_squeeze %dma_start3A_301 : memref<1x80xi32, #tpu.memory_space<vmem>> -> memref<80xi32, #tpu.memory_space<vmem>>
        %dma_start3A_303 = arith.constant 0 : i32
        %dma_start3A_304 = tpu.memref_slice %arg3[%dma_start3A_292, %add3A, %add3A_291, %dma_start3A_303] : memref<2x32x125x80xi32, #tpu.memory_space<hbm>> -> memref<1x1x1x80xi32, #tpu.memory_space<hbm>>
        %dma_start3A_305 = tpu.memref_squeeze %dma_start3A_304 : memref<1x1x1x80xi32, #tpu.memory_space<hbm>> -> memref<80xi32, #tpu.memory_space<hbm>>
        tpu.enqueue_dma source(%dma_start3A_305 : memref<80xi32, #tpu.memory_space<hbm>>) target(%dma_start3A_302 : memref<80xi32, #tpu.memory_space<vmem>>) target_semaphore(%arg18 : memref<!tpu.dma_semaphore, #tpu.memory_space<semaphore_mem>>)
      } else {
      }
      %add3A_262 = arith.constant 5 : i32
      %add3A_263 = arith.addi %mul3A_130, %add3A_262 : i32
      %add3A_264 = arith.constant 2 : i32
      %add3A_265 = arith.addi %add3A_263, %add3A_264 : i32
      %le3A_266 = arith.constant 125 : i32
      %le3A_267 = arith.cmpi sle, %add3A_265, %le3A_266 : i32
      %convert_element_type3A_268 = arith.extui %le3A_267 : i1 to i32
      %cond3A_269 = arith.constant 0 : i32
      %cond3A_270 = arith.cmpi ne, %convert_element_type3A_268, %cond3A_269 : i32
      scf.if %cond3A_270 {
        %ge3A = arith.constant 1 : i32
        %ge3A_290 = arith.cmpi sge, %add3A_263, %ge3A : i32
        %convert_element_type3A_291 = arith.extui %ge3A_290 : i1 to i32
        %cond3A_292 = arith.constant 0 : i32
        %cond3A_293 = arith.cmpi ne, %convert_element_type3A_291, %cond3A_292 : i32
        scf.if %cond3A_293 {
          %dma_wait3A_306 = arith.constant 1 : i32
          %dma_wait3A_307 = arith.constant 0 : i32
          %dma_wait3A_308 = tpu.memref_slice %arg6[%dma_wait3A_306, %dma_wait3A_307] : memref<6x80xi32, #tpu.memory_space<vmem>> -> memref<1x80xi32, #tpu.memory_space<vmem>>
          %dma_wait3A_309 = tpu.memref_squeeze %dma_wait3A_308 : memref<1x80xi32, #tpu.memory_space<vmem>> -> memref<80xi32, #tpu.memory_space<vmem>>
          %dma_wait3A_310 = arith.constant 0 : i32
          %dma_wait3A_311 = arith.constant 0 : i32
          %dma_wait3A_312 = tpu.memref_slice %arg10[%dma_wait3A_310, %dma_wait3A_311] : memref<10240x128xf32, #tpu.memory_space<vmem_shared>> -> memref<10240x128xf32, #tpu.memory_space<vmem_shared>>
          tpu.wait_indirect_dma semaphore(%arg15 : memref<!tpu.dma_semaphore, #tpu.memory_space<semaphore_mem>>) src(%arg8 : memref<80x128xf32, #tpu.memory_space<vmem>>) dst(%dma_wait3A_312 : memref<10240x128xf32, #tpu.memory_space<vmem_shared>>)
        } else {
        }
        %add3A_294 = arith.constant 2 : i32
        %add3A_295 = arith.addi %add3A_263, %add3A_294 : i32
        %lt3A_296 = arith.constant 125 : i32
        %lt3A_297 = arith.cmpi slt, %add3A_295, %lt3A_296 : i32
        %jit3A_298 = arith.constant 0 : i32
        %select_n3A_299 = arith.select %lt3A_297, %add3A_295, %jit3A_298 : i32
        %dma_start3A_300 = arith.constant 0 : i32
        %dma_start3A_301 = tpu.memref_slice %arg5[%select_n3A_299, %dma_start3A_300] : memref<125x80xi32, #tpu.memory_space<vmem>> -> memref<1x80xi32, #tpu.memory_space<vmem>>
        %dma_start3A_302 = tpu.memref_squeeze %dma_start3A_301 : memref<1x80xi32, #tpu.memory_space<vmem>> -> memref<80xi32, #tpu.memory_space<vmem>>
        %dma_start3A_303 = arith.constant 0 : i32
        %dma_start3A_304 = arith.constant 0 : i32
        %dma_start3A_305 = tpu.memref_slice %arg2[%dma_start3A_303, %dma_start3A_304] : memref<10000x128xf32, #tpu.memory_space<hbm>> -> memref<10000x128xf32, #tpu.memory_space<hbm>>
        tpu.enqueue_indirect_dma source(%dma_start3A_305 : memref<10000x128xf32, #tpu.memory_space<hbm>>) target(%arg8 : memref<80x128xf32, #tpu.memory_space<vmem>>) offsets(%dma_start3A_302 : memref<80xi32, #tpu.memory_space<vmem>>) semaphore(%arg12 : memref<!tpu.dma_semaphore, #tpu.memory_space<semaphore_mem>>)
      } else {
      }
      %dma_wait3A_271 = arith.constant 0 : i32
      %dma_wait3A_272 = arith.constant 0 : i32
      %dma_wait3A_273 = tpu.memref_slice %arg2[%dma_wait3A_271, %dma_wait3A_272] : memref<10000x128xf32, #tpu.memory_space<hbm>> -> memref<80x128xf32, #tpu.memory_space<hbm>>
      %dma_wait3A_274 = arith.constant 0 : i32
      %dma_wait3A_275 = arith.constant 0 : i32
      %dma_wait3A_276 = tpu.memref_slice %arg2[%dma_wait3A_274, %dma_wait3A_275] : memref<10000x128xf32, #tpu.memory_space<hbm>> -> memref<80x128xf32, #tpu.memory_space<hbm>>
      tpu.wait_dma2 semaphore(%arg13 : memref<!tpu.dma_semaphore, #tpu.memory_space<semaphore_mem>>) src(%dma_wait3A_276 : memref<80x128xf32, #tpu.memory_space<hbm>>) dst(%arg9 : memref<80x128xf32, #tpu.memory_space<vmem>>)
      %lt3A_277 = arith.constant 125 : i32
      %lt3A_278 = arith.cmpi slt, %add3A_263, %lt3A_277 : i32
      %convert_element_type3A_279 = arith.extui %lt3A_278 : i1 to i32
      %cond3A_280 = arith.constant 0 : i32
      %cond3A_281 = arith.cmpi ne, %convert_element_type3A_279, %cond3A_280 : i32
      scf.if %cond3A_281 {
        %dma_wait3A_290 = arith.constant 1 : i32
        %dma_wait3A_291 = arith.constant 0 : i32
        %dma_wait3A_292 = arith.constant 5 : i32
        %dma_wait3A_293 = arith.constant 0 : i32
        %dma_wait3A_294 = tpu.memref_slice %arg6[%dma_wait3A_292, %dma_wait3A_293] : memref<6x80xi32, #tpu.memory_space<vmem>> -> memref<1x80xi32, #tpu.memory_space<vmem>>
        %dma_wait3A_295 = tpu.memref_squeeze %dma_wait3A_294 : memref<1x80xi32, #tpu.memory_space<vmem>> -> memref<80xi32, #tpu.memory_space<vmem>>
        %dma_wait3A_296 = arith.constant 0 : i32
        %dma_wait3A_297 = tpu.memref_slice %arg3[%dma_wait3A_290, %add3A, %dma_wait3A_291, %dma_wait3A_296] : memref<2x32x125x80xi32, #tpu.memory_space<hbm>> -> memref<1x1x1x80xi32, #tpu.memory_space<hbm>>
        %dma_wait3A_298 = tpu.memref_squeeze %dma_wait3A_297 : memref<1x1x1x80xi32, #tpu.memory_space<hbm>> -> memref<80xi32, #tpu.memory_space<hbm>>
        %dma_wait3A_299 = arith.constant 0 : i32
        %dma_wait3A_300 = tpu.memref_slice %arg6[%dma_wait3A_292, %dma_wait3A_299] : memref<6x80xi32, #tpu.memory_space<vmem>> -> memref<1x80xi32, #tpu.memory_space<vmem>>
        %dma_wait3A_301 = tpu.memref_squeeze %dma_wait3A_300 : memref<1x80xi32, #tpu.memory_space<vmem>> -> memref<80xi32, #tpu.memory_space<vmem>>
        %dma_wait3A_302 = arith.constant 0 : i32
        %dma_wait3A_303 = tpu.memref_slice %arg3[%dma_wait3A_290, %add3A, %dma_wait3A_291, %dma_wait3A_302] : memref<2x32x125x80xi32, #tpu.memory_space<hbm>> -> memref<1x1x1x80xi32, #tpu.memory_space<hbm>>
        %dma_wait3A_304 = tpu.memref_squeeze %dma_wait3A_303 : memref<1x1x1x80xi32, #tpu.memory_space<hbm>> -> memref<80xi32, #tpu.memory_space<hbm>>
        tpu.wait_dma2 semaphore(%arg22 : memref<!tpu.dma_semaphore, #tpu.memory_space<semaphore_mem>>) src(%dma_wait3A_304 : memref<80xi32, #tpu.memory_space<hbm>>) dst(%dma_wait3A_301 : memref<80xi32, #tpu.memory_space<vmem>>)
        %dma_start3A_305 = arith.constant 5 : i32
        %dma_start3A_306 = arith.constant 0 : i32
        %dma_start3A_307 = tpu.memref_slice %arg6[%dma_start3A_305, %dma_start3A_306] : memref<6x80xi32, #tpu.memory_space<vmem>> -> memref<1x80xi32, #tpu.memory_space<vmem>>
        %dma_start3A_308 = tpu.memref_squeeze %dma_start3A_307 : memref<1x80xi32, #tpu.memory_space<vmem>> -> memref<80xi32, #tpu.memory_space<vmem>>
        %dma_start3A_309 = arith.constant 0 : i32
        %dma_start3A_310 = arith.constant 0 : i32
        %dma_start3A_311 = tpu.memref_slice %arg10[%dma_start3A_309, %dma_start3A_310] : memref<10240x128xf32, #tpu.memory_space<vmem_shared>> -> memref<10240x128xf32, #tpu.memory_space<vmem_shared>>
        tpu.enqueue_indirect_dma source(%arg9 : memref<80x128xf32, #tpu.memory_space<vmem>>) target(%dma_start3A_311 : memref<10240x128xf32, #tpu.memory_space<vmem_shared>>) offsets(%dma_start3A_308 : memref<80xi32, #tpu.memory_space<vmem>>) semaphore(%arg16 : memref<!tpu.dma_semaphore, #tpu.memory_space<semaphore_mem>>) {add = true}
      } else {
      }
      %add3A_282 = arith.constant 3 : i32
      %add3A_283 = arith.addi %add3A_263, %add3A_282 : i32
      %lt3A_284 = arith.constant 125 : i32
      %lt3A_285 = arith.cmpi slt, %add3A_283, %lt3A_284 : i32
      %convert_element_type3A_286 = arith.extui %lt3A_285 : i1 to i32
      %cond3A_287 = arith.constant 0 : i32
      %cond3A_288 = arith.cmpi ne, %convert_element_type3A_286, %cond3A_287 : i32
      scf.if %cond3A_288 {
        %add3A_290 = arith.constant 3 : i32
        %add3A_291 = arith.addi %add3A_263, %add3A_290 : i32
        %dma_start3A_292 = arith.constant 1 : i32
        %dma_start3A_293 = arith.constant 2 : i32
        %dma_start3A_294 = arith.constant 0 : i32
        %dma_start3A_295 = tpu.memref_slice %arg6[%dma_start3A_293, %dma_start3A_294] : memref<6x80xi32, #tpu.memory_space<vmem>> -> memref<1x80xi32, #tpu.memory_space<vmem>>
        %dma_start3A_296 = tpu.memref_squeeze %dma_start3A_295 : memref<1x80xi32, #tpu.memory_space<vmem>> -> memref<80xi32, #tpu.memory_space<vmem>>
        %dma_start3A_297 = arith.constant 0 : i32
        %dma_start3A_298 = tpu.memref_slice %arg3[%dma_start3A_292, %add3A, %add3A_291, %dma_start3A_297] : memref<2x32x125x80xi32, #tpu.memory_space<hbm>> -> memref<1x1x1x80xi32, #tpu.memory_space<hbm>>
        %dma_start3A_299 = tpu.memref_squeeze %dma_start3A_298 : memref<1x1x1x80xi32, #tpu.memory_space<hbm>> -> memref<80xi32, #tpu.memory_space<hbm>>
        %dma_start3A_300 = arith.constant 0 : i32
        %dma_start3A_301 = tpu.memref_slice %arg6[%dma_start3A_293, %dma_start3A_300] : memref<6x80xi32, #tpu.memory_space<vmem>> -> memref<1x80xi32, #tpu.memory_space<vmem>>
        %dma_start3A_302 = tpu.memref_squeeze %dma_start3A_301 : memref<1x80xi32, #tpu.memory_space<vmem>> -> memref<80xi32, #tpu.memory_space<vmem>>
        %dma_start3A_303 = arith.constant 0 : i32
        %dma_start3A_304 = tpu.memref_slice %arg3[%dma_start3A_292, %add3A, %add3A_291, %dma_start3A_303] : memref<2x32x125x80xi32, #tpu.memory_space<hbm>> -> memref<1x1x1x80xi32, #tpu.memory_space<hbm>>
        %dma_start3A_305 = tpu.memref_squeeze %dma_start3A_304 : memref<1x1x1x80xi32, #tpu.memory_space<hbm>> -> memref<80xi32, #tpu.memory_space<hbm>>
        tpu.enqueue_dma source(%dma_start3A_305 : memref<80xi32, #tpu.memory_space<hbm>>) target(%dma_start3A_302 : memref<80xi32, #tpu.memory_space<vmem>>) target_semaphore(%arg19 : memref<!tpu.dma_semaphore, #tpu.memory_space<semaphore_mem>>)
      } else {
      }
      %scan3A_289 = arith.constant 0 : i32
      scf.yield %scan3A_289 : i32
    }
    %scan3A_107 = arith.constant 21 : i32
    %dma_wait3A_108 = arith.constant 0 : i32
    %dma_wait3A_109 = arith.constant 0 : i32
    %dma_wait3A_110 = tpu.memref_slice %arg6[%dma_wait3A_108, %dma_wait3A_109] : memref<6x80xi32, #tpu.memory_space<vmem>> -> memref<1x80xi32, #tpu.memory_space<vmem>>
    %dma_wait3A_111 = tpu.memref_squeeze %dma_wait3A_110 : memref<1x80xi32, #tpu.memory_space<vmem>> -> memref<80xi32, #tpu.memory_space<vmem>>
    %dma_wait3A_112 = arith.constant 0 : i32
    %dma_wait3A_113 = arith.constant 0 : i32
    %dma_wait3A_114 = tpu.memref_slice %arg10[%dma_wait3A_112, %dma_wait3A_113] : memref<10240x128xf32, #tpu.memory_space<vmem_shared>> -> memref<10240x128xf32, #tpu.memory_space<vmem_shared>>
    tpu.wait_indirect_dma semaphore(%arg14 : memref<!tpu.dma_semaphore, #tpu.memory_space<semaphore_mem>>) src(%arg7 : memref<80x128xf32, #tpu.memory_space<vmem>>) dst(%dma_wait3A_114 : memref<10240x128xf32, #tpu.memory_space<vmem_shared>>)
    %dma_wait3A_115 = arith.constant 1 : i32
    %dma_wait3A_116 = arith.constant 0 : i32
    %dma_wait3A_117 = tpu.memref_slice %arg6[%dma_wait3A_115, %dma_wait3A_116] : memref<6x80xi32, #tpu.memory_space<vmem>> -> memref<1x80xi32, #tpu.memory_space<vmem>>
    %dma_wait3A_118 = tpu.memref_squeeze %dma_wait3A_117 : memref<1x80xi32, #tpu.memory_space<vmem>> -> memref<80xi32, #tpu.memory_space<vmem>>
    %dma_wait3A_119 = arith.constant 0 : i32
    %dma_wait3A_120 = arith.constant 0 : i32
    %dma_wait3A_121 = tpu.memref_slice %arg10[%dma_wait3A_119, %dma_wait3A_120] : memref<10240x128xf32, #tpu.memory_space<vmem_shared>> -> memref<10240x128xf32, #tpu.memory_space<vmem_shared>>
    tpu.wait_indirect_dma semaphore(%arg15 : memref<!tpu.dma_semaphore, #tpu.memory_space<semaphore_mem>>) src(%arg8 : memref<80x128xf32, #tpu.memory_space<vmem>>) dst(%dma_wait3A_121 : memref<10240x128xf32, #tpu.memory_space<vmem_shared>>)
    %barrier3A_122 = arith.constant 0 : index
    tpu.barrier barrier_id(%barrier3A_122)
    %mul3A_123 = arith.constant 640 : i32
    %mul3A_124 = arith.muli %arg1, %mul3A_123 : i32
    %mul3A_125 = arith.constant 640 : i32
    %mul3A_126 = arith.muli %arg1, %mul3A_125 : i32
    "tpu.region"() ({
      %run_scoped3A = tpu.sem_alloc : memref<!tpu.dma_semaphore, #tpu.memory_space<semaphore_mem>>
      %dma_start3A_127 = arith.constant 0 : i32
      %dma_start3A_128 = tpu.memref_slice %arg4[%arg0, %mul3A_126, %dma_start3A_127] : memref<2x10240x128xf32, #tpu.memory_space<hbm>> -> memref<1x640x128xf32, #tpu.memory_space<hbm>>
      %dma_start3A_129 = tpu.memref_squeeze %dma_start3A_128 : memref<1x640x128xf32, #tpu.memory_space<hbm>> -> memref<640x128xf32, #tpu.memory_space<hbm>>
      %dma_start3A_130 = arith.constant 0 : i32
      %dma_start3A_131 = tpu.memref_slice %arg10[%mul3A_124, %dma_start3A_130] : memref<10240x128xf32, #tpu.memory_space<vmem_shared>> -> memref<640x128xf32, #tpu.memory_space<vmem_shared>>
      tpu.enqueue_dma source(%dma_start3A_131 : memref<640x128xf32, #tpu.memory_space<vmem_shared>>) target(%dma_start3A_129 : memref<640x128xf32, #tpu.memory_space<hbm>>) target_semaphore(%run_scoped3A : memref<!tpu.dma_semaphore, #tpu.memory_space<semaphore_mem>>)
      %dma_wait3A_132 = arith.constant 0 : i32
      %dma_wait3A_133 = tpu.memref_slice %arg4[%arg0, %mul3A_126, %dma_wait3A_132] : memref<2x10240x128xf32, #tpu.memory_space<hbm>> -> memref<1x640x128xf32, #tpu.memory_space<hbm>>
      %dma_wait3A_134 = tpu.memref_squeeze %dma_wait3A_133 : memref<1x640x128xf32, #tpu.memory_space<hbm>> -> memref<640x128xf32, #tpu.memory_space<hbm>>
      %dma_wait3A_135 = arith.constant 0 : i32
      %dma_wait3A_136 = tpu.memref_slice %arg10[%mul3A_124, %dma_wait3A_135] : memref<10240x128xf32, #tpu.memory_space<vmem_shared>> -> memref<640x128xf32, #tpu.memory_space<vmem_shared>>
      tpu.wait_dma2 semaphore(%run_scoped3A : memref<!tpu.dma_semaphore, #tpu.memory_space<semaphore_mem>>) src(%dma_wait3A_136 : memref<640x128xf32, #tpu.memory_space<vmem_shared>>) dst(%dma_wait3A_134 : memref<640x128xf32, #tpu.memory_space<hbm>>)
      tpu.yield
    }) : () -> ()
    return
  }
}

#map = affine_map<(d0, d1) -> (0, 0)>
#map1 = affine_map<(d0, d1) -> (0, 0, 0, 0)>
#map2 = affine_map<(d0, d1) -> (0, 0, 0)>
module attributes {stable_mosaic.version = 14 : i64} {
  func.func @_agg_kernel(%arg0: i32, %arg1: i32, %arg2: memref<10000x128xf32, #tpu.memory_space<hbm>>, %arg3: memref<2x32x125x80xi32, #tpu.memory_space<hbm>>, %arg4: memref<2x10240x128xf32, #tpu.memory_space<hbm>>, %arg5: memref<125x80xi32, #tpu.memory_space<vmem>>, %arg6: memref<6x80xi32, #tpu.memory_space<vmem>>, %arg7: memref<80x128xf32, #tpu.memory_space<vmem>>, %arg8: memref<80x128xf32, #tpu.memory_space<vmem>>, %arg9: memref<80x128xf32, #tpu.memory_space<vmem>>, %arg10: memref<10240x128xf32, #tpu.memory_space<vmem_shared>>, %arg11: memref<!tpu.dma_semaphore, #tpu.memory_space<semaphore_mem>>, %arg12: memref<!tpu.dma_semaphore, #tpu.memory_space<semaphore_mem>>, %arg13: memref<!tpu.dma_semaphore, #tpu.memory_space<semaphore_mem>>, %arg14: memref<!tpu.dma_semaphore, #tpu.memory_space<semaphore_mem>>, %arg15: memref<!tpu.dma_semaphore, #tpu.memory_space<semaphore_mem>>, %arg16: memref<!tpu.dma_semaphore, #tpu.memory_space<semaphore_mem>>, %arg17: memref<!tpu.dma_semaphore, #tpu.memory_space<semaphore_mem>>, %arg18: memref<!tpu.dma_semaphore, #tpu.memory_space<semaphore_mem>>, %arg19: memref<!tpu.dma_semaphore, #tpu.memory_space<semaphore_mem>>, %arg20: memref<!tpu.dma_semaphore, #tpu.memory_space<semaphore_mem>>, %arg21: memref<!tpu.dma_semaphore, #tpu.memory_space<semaphore_mem>>, %arg22: memref<!tpu.dma_semaphore, #tpu.memory_space<semaphore_mem>>) attributes {dimension_semantics = [#tpu.dimension_semantics<core_parallel>, #tpu.dimension_semantics<subcore_parallel>], iteration_bounds = array<i64: 2, 16>, scalar_prefetch = 0 : i64, scratch_operands = 18 : i64, tpu.core_type = #tpu.core_type<sc_vector_subcore>, window_params = [{transform_indices = #map}, {transform_indices = #map1}, {transform_indices = #map2}]} {
    %mul3A = arith.constant 2 : i32
    %mul3A_0 = arith.muli %arg1, %mul3A : i32
    %add3A = arith.addi %mul3A_0, %arg0 : i32
    %broadcast_in_dim3A = arith.constant 0.000000e+00 : f32
    %broadcast_in_dim3A_1 = vector.broadcast %broadcast_in_dim3A : f32 to vector<16xf32>
    %dma_start3A = arith.constant 0 : i32
    %dma_start3A_2 = arith.constant 0 : i32
    %dma_start3A_3 = arith.constant 0 : i32
    %dma_start3A_4 = tpu.memref_slice %arg3[%dma_start3A, %add3A, %dma_start3A_2, %dma_start3A_3] : memref<2x32x125x80xi32, #tpu.memory_space<hbm>> -> memref<1x1x125x80xi32, #tpu.memory_space<hbm>>
    %dma_start3A_5 = tpu.memref_squeeze %dma_start3A_4 : memref<1x1x125x80xi32, #tpu.memory_space<hbm>> -> memref<125x80xi32, #tpu.memory_space<hbm>>
    %dma_start3A_6 = arith.constant 0 : i32
    %dma_start3A_7 = arith.constant 0 : i32
    %dma_start3A_8 = tpu.memref_slice %arg3[%dma_start3A, %add3A, %dma_start3A_6, %dma_start3A_7] : memref<2x32x125x80xi32, #tpu.memory_space<hbm>> -> memref<1x1x125x80xi32, #tpu.memory_space<hbm>>
    %dma_start3A_9 = tpu.memref_squeeze %dma_start3A_8 : memref<1x1x125x80xi32, #tpu.memory_space<hbm>> -> memref<125x80xi32, #tpu.memory_space<hbm>>
    tpu.enqueue_dma source(%dma_start3A_9 : memref<125x80xi32, #tpu.memory_space<hbm>>) target(%arg5 : memref<125x80xi32, #tpu.memory_space<vmem>>) target_semaphore(%arg11 : memref<!tpu.dma_semaphore, #tpu.memory_space<semaphore_mem>>)
    %dma_start3A_10 = arith.constant 1 : i32
    %dma_start3A_11 = arith.constant 0 : i32
    %dma_start3A_12 = arith.constant 0 : i32
    %dma_start3A_13 = arith.constant 0 : i32
    %dma_start3A_14 = tpu.memref_slice %arg6[%dma_start3A_12, %dma_start3A_13] : memref<6x80xi32, #tpu.memory_space<vmem>> -> memref<1x80xi32, #tpu.memory_space<vmem>>
    %dma_start3A_15 = tpu.memref_squeeze %dma_start3A_14 : memref<1x80xi32, #tpu.memory_space<vmem>> -> memref<80xi32, #tpu.memory_space<vmem>>
    %dma_start3A_16 = arith.constant 0 : i32
    %dma_start3A_17 = tpu.memref_slice %arg3[%dma_start3A_10, %add3A, %dma_start3A_11, %dma_start3A_16] : memref<2x32x125x80xi32, #tpu.memory_space<hbm>> -> memref<1x1x1x80xi32, #tpu.memory_space<hbm>>
    %dma_start3A_18 = tpu.memref_squeeze %dma_start3A_17 : memref<1x1x1x80xi32, #tpu.memory_space<hbm>> -> memref<80xi32, #tpu.memory_space<hbm>>
    %dma_start3A_19 = arith.constant 0 : i32
    %dma_start3A_20 = tpu.memref_slice %arg6[%dma_start3A_12, %dma_start3A_19] : memref<6x80xi32, #tpu.memory_space<vmem>> -> memref<1x80xi32, #tpu.memory_space<vmem>>
    %dma_start3A_21 = tpu.memref_squeeze %dma_start3A_20 : memref<1x80xi32, #tpu.memory_space<vmem>> -> memref<80xi32, #tpu.memory_space<vmem>>
    %dma_start3A_22 = arith.constant 0 : i32
    %dma_start3A_23 = tpu.memref_slice %arg3[%dma_start3A_10, %add3A, %dma_start3A_11, %dma_start3A_22] : memref<2x32x125x80xi32, #tpu.memory_space<hbm>> -> memref<1x1x1x80xi32, #tpu.memory_space<hbm>>
    %dma_start3A_24 = tpu.memref_squeeze %dma_start3A_23 : memref<1x1x1x80xi32, #tpu.memory_space<hbm>> -> memref<80xi32, #tpu.memory_space<hbm>>
    tpu.enqueue_dma source(%dma_start3A_24 : memref<80xi32, #tpu.memory_space<hbm>>) target(%dma_start3A_21 : memref<80xi32, #tpu.memory_space<vmem>>) target_semaphore(%arg17 : memref<!tpu.dma_semaphore, #tpu.memory_space<semaphore_mem>>)
    %dma_start3A_25 = arith.constant 1 : i32
    %dma_start3A_26 = arith.constant 1 : i32
    %dma_start3A_27 = arith.constant 1 : i32
    %dma_start3A_28 = arith.constant 0 : i32
    %dma_start3A_29 = tpu.memref_slice %arg6[%dma_start3A_27, %dma_start3A_28] : memref<6x80xi32, #tpu.memory_space<vmem>> -> memref<1x80xi32, #tpu.memory_space<vmem>>
    %dma_start3A_30 = tpu.memref_squeeze %dma_start3A_29 : memref<1x80xi32, #tpu.memory_space<vmem>> -> memref<80xi32, #tpu.memory_space<vmem>>
    %dma_start3A_31 = arith.constant 0 : i32
    %dma_start3A_32 = tpu.memref_slice %arg3[%dma_start3A_25, %add3A, %dma_start3A_26, %dma_start3A_31] : memref<2x32x125x80xi32, #tpu.memory_space<hbm>> -> memref<1x1x1x80xi32, #tpu.memory_space<hbm>>
    %dma_start3A_33 = tpu.memref_squeeze %dma_start3A_32 : memref<1x1x1x80xi32, #tpu.memory_space<hbm>> -> memref<80xi32, #tpu.memory_space<hbm>>
    %dma_start3A_34 = arith.constant 0 : i32
    %dma_start3A_35 = tpu.memref_slice %arg6[%dma_start3A_27, %dma_start3A_34] : memref<6x80xi32, #tpu.memory_space<vmem>> -> memref<1x80xi32, #tpu.memory_space<vmem>>
    %dma_start3A_36 = tpu.memref_squeeze %dma_start3A_35 : memref<1x80xi32, #tpu.memory_space<vmem>> -> memref<80xi32, #tpu.memory_space<vmem>>
    %dma_start3A_37 = arith.constant 0 : i32
    %dma_start3A_38 = tpu.memref_slice %arg3[%dma_start3A_25, %add3A, %dma_start3A_26, %dma_start3A_37] : memref<2x32x125x80xi32, #tpu.memory_space<hbm>> -> memref<1x1x1x80xi32, #tpu.memory_space<hbm>>
    %dma_start3A_39 = tpu.memref_squeeze %dma_start3A_38 : memref<1x1x1x80xi32, #tpu.memory_space<hbm>> -> memref<80xi32, #tpu.memory_space<hbm>>
    tpu.enqueue_dma source(%dma_start3A_39 : memref<80xi32, #tpu.memory_space<hbm>>) target(%dma_start3A_36 : memref<80xi32, #tpu.memory_space<vmem>>) target_semaphore(%arg18 : memref<!tpu.dma_semaphore, #tpu.memory_space<semaphore_mem>>)
    %dma_start3A_40 = arith.constant 1 : i32
    %dma_start3A_41 = arith.constant 2 : i32
    %dma_start3A_42 = arith.constant 2 : i32
    %dma_start3A_43 = arith.constant 0 : i32
    %dma_start3A_44 = tpu.memref_slice %arg6[%dma_start3A_42, %dma_start3A_43] : memref<6x80xi32, #tpu.memory_space<vmem>> -> memref<1x80xi32, #tpu.memory_space<vmem>>
    %dma_start3A_45 = tpu.memref_squeeze %dma_start3A_44 : memref<1x80xi32, #tpu.memory_space<vmem>> -> memref<80xi32, #tpu.memory_space<vmem>>
    %dma_start3A_46 = arith.constant 0 : i32
    %dma_start3A_47 = tpu.memref_slice %arg3[%dma_start3A_40, %add3A, %dma_start3A_41, %dma_start3A_46] : memref<2x32x125x80xi32, #tpu.memory_space<hbm>> -> memref<1x1x1x80xi32, #tpu.memory_space<hbm>>
    %dma_start3A_48 = tpu.memref_squeeze %dma_start3A_47 : memref<1x1x1x80xi32, #tpu.memory_space<hbm>> -> memref<80xi32, #tpu.memory_space<hbm>>
    %dma_start3A_49 = arith.constant 0 : i32
    %dma_start3A_50 = tpu.memref_slice %arg6[%dma_start3A_42, %dma_start3A_49] : memref<6x80xi32, #tpu.memory_space<vmem>> -> memref<1x80xi32, #tpu.memory_space<vmem>>
    %dma_start3A_51 = tpu.memref_squeeze %dma_start3A_50 : memref<1x80xi32, #tpu.memory_space<vmem>> -> memref<80xi32, #tpu.memory_space<vmem>>
    %dma_start3A_52 = arith.constant 0 : i32
    %dma_start3A_53 = tpu.memref_slice %arg3[%dma_start3A_40, %add3A, %dma_start3A_41, %dma_start3A_52] : memref<2x32x125x80xi32, #tpu.memory_space<hbm>> -> memref<1x1x1x80xi32, #tpu.memory_space<hbm>>
    %dma_start3A_54 = tpu.memref_squeeze %dma_start3A_53 : memref<1x1x1x80xi32, #tpu.memory_space<hbm>> -> memref<80xi32, #tpu.memory_space<hbm>>
    tpu.enqueue_dma source(%dma_start3A_54 : memref<80xi32, #tpu.memory_space<hbm>>) target(%dma_start3A_51 : memref<80xi32, #tpu.memory_space<vmem>>) target_semaphore(%arg19 : memref<!tpu.dma_semaphore, #tpu.memory_space<semaphore_mem>>)
    %scan3A = arith.constant 0 : i32
    %scan3A_55 = arith.constant 0 : i32
    %scan3A_56 = arith.constant 640 : i32
    %scan3A_57 = arith.addi %scan3A_55, %scan3A_56 : i32
    %scan3A_58 = arith.constant 1 : i32
    %scan3A_59 = scf.for %scan3A_127 = %scan3A_55 to %scan3A_57 step %scan3A_58 iter_args(%scan3A_128 = %scan3A) -> (i32)  : i32 {
      %jit3A_129 = arith.constant 8 : i32
      %div3A = arith.divsi %scan3A_127, %jit3A_129 : i32
      %sign3A = arith.constant 0 : i32
      %sign3A_130 = arith.cmpi sgt, %scan3A_127, %sign3A : i32
      %sign3A_131 = arith.extui %sign3A_130 : i1 to i32
      %sign3A_132 = arith.constant 0 : i32
      %sign3A_133 = arith.cmpi slt, %scan3A_127, %sign3A_132 : i32
      %sign3A_134 = arith.extui %sign3A_133 : i1 to i32
      %sign3A_135 = arith.subi %sign3A_131, %sign3A_134 : i32
      %sign3A_136 = arith.constant 0 : i32
      %sign3A_137 = arith.cmpi sgt, %jit3A_129, %sign3A_136 : i32
      %sign3A_138 = arith.extui %sign3A_137 : i1 to i32
      %sign3A_139 = arith.constant 0 : i32
      %sign3A_140 = arith.cmpi slt, %jit3A_129, %sign3A_139 : i32
      %sign3A_141 = arith.extui %sign3A_140 : i1 to i32
      %sign3A_142 = arith.subi %sign3A_138, %sign3A_141 : i32
      %ne3A = arith.cmpi ne, %sign3A_135, %sign3A_142 : i32
      %rem3A = arith.remsi %scan3A_127, %jit3A_129 : i32
      %ne3A_143 = arith.constant 0 : i32
      %ne3A_144 = arith.cmpi ne, %rem3A, %ne3A_143 : i32
      %and3A = arith.andi %ne3A, %ne3A_144 : i1
      %sub3A = arith.constant 1 : i32
      %sub3A_145 = arith.subi %div3A, %sub3A : i32
      %select_n3A_146 = arith.select %and3A, %sub3A_145, %div3A : i32
      %jit3A_147 = arith.constant 8 : i32
      %eq3A = arith.constant 0 : i32
      %eq3A_148 = arith.cmpi eq, %jit3A_147, %eq3A : i32
      %jit3A_149 = arith.constant 1 : i32
      %select_n3A_150 = arith.select %eq3A_148, %jit3A_149, %jit3A_147 : i32
      %rem3A_151 = arith.remsi %scan3A_127, %select_n3A_150 : i32
      %ne3A_152 = arith.constant 0 : i32
      %ne3A_153 = arith.cmpi ne, %rem3A_151, %ne3A_152 : i32
      %lt3A = arith.constant 0 : i32
      %lt3A_154 = arith.cmpi slt, %rem3A_151, %lt3A : i32
      %lt3A_155 = arith.constant 0 : i32
      %lt3A_156 = arith.cmpi slt, %select_n3A_150, %lt3A_155 : i32
      %ne3A_157 = arith.xori %lt3A_154, %lt3A_156 : i1
      %and3A_158 = arith.andi %ne3A_157, %ne3A_153 : i1
      %add3A_159 = arith.addi %rem3A_151, %select_n3A_150 : i32
      %select_n3A_160 = arith.select %and3A_158, %add3A_159, %rem3A_151 : i32
      %mul3A_161 = arith.constant 16 : i32
      %mul3A_162 = arith.muli %select_n3A_160, %mul3A_161 : i32
      %swap3A = arith.index_cast %select_n3A_146 : i32 to index
      %swap3A_163 = arith.index_cast %mul3A_162 : i32 to index
      %swap3A_164 = tpu.vector_load %arg7[%swap3A, %swap3A_163] {strides = array<i32>} : memref<80x128xf32, #tpu.memory_space<vmem>>, vector<1x16xf32>,
      %swap3A_165 = vector.shape_cast %swap3A_164 : vector<1x16xf32> to vector<16xf32>
      %swap3A_166 = vector.shape_cast %broadcast_in_dim3A_1 : vector<16xf32> to vector<1x16xf32>
      tpu.vector_store %arg7[%swap3A, %swap3A_163], %swap3A_166 {strides = array<i32>} : memref<80x128xf32, #tpu.memory_space<vmem>>, vector<1x16xf32>,
      %scan3A_167 = arith.constant 0 : i32
      scf.yield %scan3A_167 : i32
    }
    %scan3A_60 = arith.constant 640 : i32
    %scan3A_61 = arith.constant 0 : i32
    %scan3A_62 = arith.constant 0 : i32
    %scan3A_63 = arith.constant 8 : i32
    %scan3A_64 = arith.addi %scan3A_62, %scan3A_63 : i32
    %scan3A_65 = arith.constant 1 : i32
    %scan3A_66 = scf.for %scan3A_127 = %scan3A_62 to %scan3A_64 step %scan3A_65 iter_args(%scan3A_128 = %scan3A_61) -> (i32)  : i32 {
      %mul3A_129 = arith.constant 640 : i32
      %mul3A_130 = arith.muli %arg1, %mul3A_129 : i32
      %mul3A_131 = arith.constant 80 : i32
      %mul3A_132 = arith.muli %scan3A_127, %mul3A_131 : i32
      %add3A_133 = arith.addi %mul3A_130, %mul3A_132 : i32
      %dma_start3A_134 = arith.constant 0 : i32
      %dma_start3A_135 = tpu.memref_slice %arg10[%add3A_133, %dma_start3A_134] : memref<10240x128xf32, #tpu.memory_space<vmem_shared>> -> memref<80x128xf32, #tpu.memory_space<vmem_shared>>
      %dma_start3A_136 = arith.constant 0 : i32
      %dma_start3A_137 = tpu.memref_slice %arg10[%add3A_133, %dma_start3A_136] : memref<10240x128xf32, #tpu.memory_space<vmem_shared>> -> memref<80x128xf32, #tpu.memory_space<vmem_shared>>
      tpu.enqueue_dma source(%arg7 : memref<80x128xf32, #tpu.memory_space<vmem>>) target(%dma_start3A_137 : memref<80x128xf32, #tpu.memory_space<vmem_shared>>) target_semaphore(%arg14 : memref<!tpu.dma_semaphore, #tpu.memory_space<semaphore_mem>>)
      %scan3A_138 = arith.constant 0 : i32
      scf.yield %scan3A_138 : i32
    }
    %scan3A_67 = arith.constant 8 : i32
    %scan3A_68 = arith.constant 0 : i32
    %scan3A_69 = arith.constant 0 : i32
    %scan3A_70 = arith.constant 8 : i32
    %scan3A_71 = arith.addi %scan3A_69, %scan3A_70 : i32
    %scan3A_72 = arith.constant 1 : i32
    %scan3A_73 = scf.for %scan3A_127 = %scan3A_69 to %scan3A_71 step %scan3A_72 iter_args(%scan3A_128 = %scan3A_68) -> (i32)  : i32 {
      %mul3A_129 = arith.constant 640 : i32
      %mul3A_130 = arith.muli %arg1, %mul3A_129 : i32
      %dma_wait3A_131 = arith.constant 0 : i32
      %dma_wait3A_132 = tpu.memref_slice %arg10[%mul3A_130, %dma_wait3A_131] : memref<10240x128xf32, #tpu.memory_space<vmem_shared>> -> memref<80x128xf32, #tpu.memory_space<vmem_shared>>
      %dma_wait3A_133 = arith.constant 0 : i32
      %dma_wait3A_134 = tpu.memref_slice %arg10[%mul3A_130, %dma_wait3A_133] : memref<10240x128xf32, #tpu.memory_space<vmem_shared>> -> memref<80x128xf32, #tpu.memory_space<vmem_shared>>
      tpu.wait_dma2 semaphore(%arg14 : memref<!tpu.dma_semaphore, #tpu.memory_space<semaphore_mem>>) src(%arg7 : memref<80x128xf32, #tpu.memory_space<vmem>>) dst(%dma_wait3A_134 : memref<80x128xf32, #tpu.memory_space<vmem_shared>>)
      %scan3A_135 = arith.constant 0 : i32
      scf.yield %scan3A_135 : i32
    }
    %scan3A_74 = arith.constant 8 : i32
    %dma_wait3A = arith.constant 0 : i32
    %dma_wait3A_75 = arith.constant 0 : i32
    %dma_wait3A_76 = arith.constant 0 : i32
    %dma_wait3A_77 = tpu.memref_slice %arg3[%dma_wait3A, %add3A, %dma_wait3A_75, %dma_wait3A_76] : memref<2x32x125x80xi32, #tpu.memory_space<hbm>> -> memref<1x1x125x80xi32, #tpu.memory_space<hbm>>
    %dma_wait3A_78 = tpu.memref_squeeze %dma_wait3A_77 : memref<1x1x125x80xi32, #tpu.memory_space<hbm>> -> memref<125x80xi32, #tpu.memory_space<hbm>>
    %dma_wait3A_79 = arith.constant 0 : i32
    %dma_wait3A_80 = arith.constant 0 : i32
    %dma_wait3A_81 = tpu.memref_slice %arg3[%dma_wait3A, %add3A, %dma_wait3A_79, %dma_wait3A_80] : memref<2x32x125x80xi32, #tpu.memory_space<hbm>> -> memref<1x1x125x80xi32, #tpu.memory_space<hbm>>
    %dma_wait3A_82 = tpu.memref_squeeze %dma_wait3A_81 : memref<1x1x125x80xi32, #tpu.memory_space<hbm>> -> memref<125x80xi32, #tpu.memory_space<hbm>>
    tpu.wait_dma2 semaphore(%arg11 : memref<!tpu.dma_semaphore, #tpu.memory_space<semaphore_mem>>) src(%dma_wait3A_82 : memref<125x80xi32, #tpu.memory_space<hbm>>) dst(%arg5 : memref<125x80xi32, #tpu.memory_space<vmem>>)
    %barrier3A = arith.constant 0 : index
    tpu.barrier barrier_id(%barrier3A)
    %jit3A = arith.constant true
    %jit3A_83 = arith.constant 0 : i32
    %jit3A_84 = arith.constant 0 : i32
    %select_n3A = arith.select %jit3A, %jit3A_83, %jit3A_84 : i32
    %dma_start3A_85 = arith.constant 0 : i32
    %dma_start3A_86 = tpu.memref_slice %arg5[%select_n3A, %dma_start3A_85] : memref<125x80xi32, #tpu.memory_space<vmem>> -> memref<1x80xi32, #tpu.memory_space<vmem>>
    %dma_start3A_87 = tpu.memref_squeeze %dma_start3A_86 : memref<1x80xi32, #tpu.memory_space<vmem>> -> memref<80xi32, #tpu.memory_space<vmem>>
    %dma_start3A_88 = arith.constant 0 : i32
    %dma_start3A_89 = arith.constant 0 : i32
    %dma_start3A_90 = tpu.memref_slice %arg2[%dma_start3A_88, %dma_start3A_89] : memref<10000x128xf32, #tpu.memory_space<hbm>> -> memref<10000x128xf32, #tpu.memory_space<hbm>>
    tpu.enqueue_indirect_dma source(%dma_start3A_90 : memref<10000x128xf32, #tpu.memory_space<hbm>>) target(%arg7 : memref<80x128xf32, #tpu.memory_space<vmem>>) offsets(%dma_start3A_87 : memref<80xi32, #tpu.memory_space<vmem>>) semaphore(%arg11 : memref<!tpu.dma_semaphore, #tpu.memory_space<semaphore_mem>>)
    %jit3A_91 = arith.constant true
    %jit3A_92 = arith.constant 1 : i32
    %jit3A_93 = arith.constant 0 : i32
    %select_n3A_94 = arith.select %jit3A_91, %jit3A_92, %jit3A_93 : i32
    %dma_start3A_95 = arith.constant 0 : i32
    %dma_start3A_96 = tpu.memref_slice %arg5[%select_n3A_94, %dma_start3A_95] : memref<125x80xi32, #tpu.memory_space<vmem>> -> memref<1x80xi32, #tpu.memory_space<vmem>>
    %dma_start3A_97 = tpu.memref_squeeze %dma_start3A_96 : memref<1x80xi32, #tpu.memory_space<vmem>> -> memref<80xi32, #tpu.memory_space<vmem>>
    %dma_start3A_98 = arith.constant 0 : i32
    %dma_start3A_99 = arith.constant 0 : i32
    %dma_start3A_100 = tpu.memref_slice %arg2[%dma_start3A_98, %dma_start3A_99] : memref<10000x128xf32, #tpu.memory_space<hbm>> -> memref<10000x128xf32, #tpu.memory_space<hbm>>
    tpu.enqueue_indirect_dma source(%dma_start3A_100 : memref<10000x128xf32, #tpu.memory_space<hbm>>) target(%arg8 : memref<80x128xf32, #tpu.memory_space<vmem>>) offsets(%dma_start3A_97 : memref<80xi32, #tpu.memory_space<vmem>>) semaphore(%arg12 : memref<!tpu.dma_semaphore, #tpu.memory_space<semaphore_mem>>)
    %scan3A_101 = arith.constant 0 : i32
    %scan3A_102 = arith.constant 0 : i32
    %scan3A_103 = arith.constant 21 : i32
    %scan3A_104 = arith.addi %scan3A_102, %scan3A_103 : i32
    %scan3A_105 = arith.constant 1 : i32
    %scan3A_106 = scf.for %scan3A_127 = %scan3A_102 to %scan3A_104 step %scan3A_105 iter_args(%scan3A_128 = %scan3A_101) -> (i32)  : i32 {
      %mul3A_129 = arith.constant 6 : i32
      %mul3A_130 = arith.muli %mul3A_129, %scan3A_127 : i32
      %add3A_131 = arith.constant 0 : i32
      %add3A_132 = arith.addi %mul3A_130, %add3A_131 : i32
      %add3A_133 = arith.constant 2 : i32
      %add3A_134 = arith.addi %add3A_132, %add3A_133 : i32
      %le3A = arith.constant 125 : i32
      %le3A_135 = arith.cmpi sle, %add3A_134, %le3A : i32
      %convert_element_type3A = arith.extui %le3A_135 : i1 to i32
      %cond3A = arith.constant 0 : i32
      %cond3A_136 = arith.cmpi ne, %convert_element_type3A, %cond3A : i32
      scf.if %cond3A_136 {
        %ge3A = arith.constant 1 : i32
        %ge3A_290 = arith.cmpi sge, %add3A_132, %ge3A : i32
        %convert_element_type3A_291 = arith.extui %ge3A_290 : i1 to i32
        %cond3A_292 = arith.constant 0 : i32
        %cond3A_293 = arith.cmpi ne, %convert_element_type3A_291, %cond3A_292 : i32
        scf.if %cond3A_293 {
          %dma_wait3A_306 = arith.constant 2 : i32
          %dma_wait3A_307 = arith.constant 0 : i32
          %dma_wait3A_308 = tpu.memref_slice %arg6[%dma_wait3A_306, %dma_wait3A_307] : memref<6x80xi32, #tpu.memory_space<vmem>> -> memref<1x80xi32, #tpu.memory_space<vmem>>
          %dma_wait3A_309 = tpu.memref_squeeze %dma_wait3A_308 : memref<1x80xi32, #tpu.memory_space<vmem>> -> memref<80xi32, #tpu.memory_space<vmem>>
          %dma_wait3A_310 = arith.constant 0 : i32
          %dma_wait3A_311 = arith.constant 0 : i32
          %dma_wait3A_312 = tpu.memref_slice %arg10[%dma_wait3A_310, %dma_wait3A_311] : memref<10240x128xf32, #tpu.memory_space<vmem_shared>> -> memref<10240x128xf32, #tpu.memory_space<vmem_shared>>
          tpu.wait_indirect_dma semaphore(%arg16 : memref<!tpu.dma_semaphore, #tpu.memory_space<semaphore_mem>>) src(%arg9 : memref<80x128xf32, #tpu.memory_space<vmem>>) dst(%dma_wait3A_312 : memref<10240x128xf32, #tpu.memory_space<vmem_shared>>)
        } else {
        }
        %add3A_294 = arith.constant 2 : i32
        %add3A_295 = arith.addi %add3A_132, %add3A_294 : i32
        %lt3A_296 = arith.constant 125 : i32
        %lt3A_297 = arith.cmpi slt, %add3A_295, %lt3A_296 : i32
        %jit3A_298 = arith.constant 0 : i32
        %select_n3A_299 = arith.select %lt3A_297, %add3A_295, %jit3A_298 : i32
        %dma_start3A_300 = arith.constant 0 : i32
        %dma_start3A_301 = tpu.memref_slice %arg5[%select_n3A_299, %dma_start3A_300] : memref<125x80xi32, #tpu.memory_space<vmem>> -> memref<1x80xi32, #tpu.memory_space<vmem>>
        %dma_start3A_302 = tpu.memref_squeeze %dma_start3A_301 : memref<1x80xi32, #tpu.memory_space<vmem>> -> memref<80xi32, #tpu.memory_space<vmem>>
        %dma_start3A_303 = arith.constant 0 : i32
        %dma_start3A_304 = arith.constant 0 : i32
        %dma_start3A_305 = tpu.memref_slice %arg2[%dma_start3A_303, %dma_start3A_304] : memref<10000x128xf32, #tpu.memory_space<hbm>> -> memref<10000x128xf32, #tpu.memory_space<hbm>>
        tpu.enqueue_indirect_dma source(%dma_start3A_305 : memref<10000x128xf32, #tpu.memory_space<hbm>>) target(%arg9 : memref<80x128xf32, #tpu.memory_space<vmem>>) offsets(%dma_start3A_302 : memref<80xi32, #tpu.memory_space<vmem>>) semaphore(%arg13 : memref<!tpu.dma_semaphore, #tpu.memory_space<semaphore_mem>>)
      } else {
      }
      %dma_wait3A_137 = arith.constant 0 : i32
      %dma_wait3A_138 = arith.constant 0 : i32
      %dma_wait3A_139 = tpu.memref_slice %arg2[%dma_wait3A_137, %dma_wait3A_138] : memref<10000x128xf32, #tpu.memory_space<hbm>> -> memref<80x128xf32, #tpu.memory_space<hbm>>
      %dma_wait3A_140 = arith.constant 0 : i32
      %dma_wait3A_141 = arith.constant 0 : i32
      %dma_wait3A_142 = tpu.memref_slice %arg2[%dma_wait3A_140, %dma_wait3A_141] : memref<10000x128xf32, #tpu.memory_space<hbm>> -> memref<80x128xf32, #tpu.memory_space<hbm>>
      tpu.wait_dma2 semaphore(%arg11 : memref<!tpu.dma_semaphore, #tpu.memory_space<semaphore_mem>>) src(%dma_wait3A_142 : memref<80x128xf32, #tpu.memory_space<hbm>>) dst(%arg7 : memref<80x128xf32, #tpu.memory_space<vmem>>)
      %lt3A = arith.constant 125 : i32
      %lt3A_143 = arith.cmpi slt, %add3A_132, %lt3A : i32
      %convert_element_type3A_144 = arith.extui %lt3A_143 : i1 to i32
      %cond3A_145 = arith.constant 0 : i32
      %cond3A_146 = arith.cmpi ne, %convert_element_type3A_144, %cond3A_145 : i32
      scf.if %cond3A_146 {
        %dma_wait3A_290 = arith.constant 1 : i32
        %dma_wait3A_291 = arith.constant 0 : i32
        %dma_wait3A_292 = arith.constant 0 : i32
        %dma_wait3A_293 = arith.constant 0 : i32
        %dma_wait3A_294 = tpu.memref_slice %arg6[%dma_wait3A_292, %dma_wait3A_293] : memref<6x80xi32, #tpu.memory_space<vmem>> -> memref<1x80xi32, #tpu.memory_space<vmem>>
        %dma_wait3A_295 = tpu.memref_squeeze %dma_wait3A_294 : memref<1x80xi32, #tpu.memory_space<vmem>> -> memref<80xi32, #tpu.memory_space<vmem>>
        %dma_wait3A_296 = arith.constant 0 : i32
        %dma_wait3A_297 = tpu.memref_slice %arg3[%dma_wait3A_290, %add3A, %dma_wait3A_291, %dma_wait3A_296] : memref<2x32x125x80xi32, #tpu.memory_space<hbm>> -> memref<1x1x1x80xi32, #tpu.memory_space<hbm>>
        %dma_wait3A_298 = tpu.memref_squeeze %dma_wait3A_297 : memref<1x1x1x80xi32, #tpu.memory_space<hbm>> -> memref<80xi32, #tpu.memory_space<hbm>>
        %dma_wait3A_299 = arith.constant 0 : i32
        %dma_wait3A_300 = tpu.memref_slice %arg6[%dma_wait3A_292, %dma_wait3A_299] : memref<6x80xi32, #tpu.memory_space<vmem>> -> memref<1x80xi32, #tpu.memory_space<vmem>>
        %dma_wait3A_301 = tpu.memref_squeeze %dma_wait3A_300 : memref<1x80xi32, #tpu.memory_space<vmem>> -> memref<80xi32, #tpu.memory_space<vmem>>
        %dma_wait3A_302 = arith.constant 0 : i32
        %dma_wait3A_303 = tpu.memref_slice %arg3[%dma_wait3A_290, %add3A, %dma_wait3A_291, %dma_wait3A_302] : memref<2x32x125x80xi32, #tpu.memory_space<hbm>> -> memref<1x1x1x80xi32, #tpu.memory_space<hbm>>
        %dma_wait3A_304 = tpu.memref_squeeze %dma_wait3A_303 : memref<1x1x1x80xi32, #tpu.memory_space<hbm>> -> memref<80xi32, #tpu.memory_space<hbm>>
        tpu.wait_dma2 semaphore(%arg17 : memref<!tpu.dma_semaphore, #tpu.memory_space<semaphore_mem>>) src(%dma_wait3A_304 : memref<80xi32, #tpu.memory_space<hbm>>) dst(%dma_wait3A_301 : memref<80xi32, #tpu.memory_space<vmem>>)
        %dma_start3A_305 = arith.constant 0 : i32
        %dma_start3A_306 = arith.constant 0 : i32
        %dma_start3A_307 = tpu.memref_slice %arg6[%dma_start3A_305, %dma_start3A_306] : memref<6x80xi32, #tpu.memory_space<vmem>> -> memref<1x80xi32, #tpu.memory_space<vmem>>
        %dma_start3A_308 = tpu.memref_squeeze %dma_start3A_307 : memref<1x80xi32, #tpu.memory_space<vmem>> -> memref<80xi32, #tpu.memory_space<vmem>>
        %dma_start3A_309 = arith.constant 0 : i32
        %dma_start3A_310 = arith.constant 0 : i32
        %dma_start3A_311 = tpu.memref_slice %arg10[%dma_start3A_309, %dma_start3A_310] : memref<10240x128xf32, #tpu.memory_space<vmem_shared>> -> memref<10240x128xf32, #tpu.memory_space<vmem_shared>>
        tpu.enqueue_indirect_dma source(%arg7 : memref<80x128xf32, #tpu.memory_space<vmem>>) target(%dma_start3A_311 : memref<10240x128xf32, #tpu.memory_space<vmem_shared>>) offsets(%dma_start3A_308 : memref<80xi32, #tpu.memory_space<vmem>>) semaphore(%arg14 : memref<!tpu.dma_semaphore, #tpu.memory_space<semaphore_mem>>) {add = true}
      } else {
      }
      %add3A_147 = arith.constant 3 : i32
      %add3A_148 = arith.addi %add3A_132, %add3A_147 : i32
      %lt3A_149 = arith.constant 125 : i32
      %lt3A_150 = arith.cmpi slt, %add3A_148, %lt3A_149 : i32
      %convert_element_type3A_151 = arith.extui %lt3A_150 : i1 to i32
      %cond3A_152 = arith.constant 0 : i32
      %cond3A_153 = arith.cmpi ne, %convert_element_type3A_151, %cond3A_152 : i32
      scf.if %cond3A_153 {
        %add3A_290 = arith.constant 3 : i32
        %add3A_291 = arith.addi %add3A_132, %add3A_290 : i32
        %dma_start3A_292 = arith.constant 1 : i32
        %dma_start3A_293 = arith.constant 3 : i32
        %dma_start3A_294 = arith.constant 0 : i32
        %dma_start3A_295 = tpu.memref_slice %arg6[%dma_start3A_293, %dma_start3A_294] : memref<6x80xi32, #tpu.memory_space<vmem>> -> memref<1x80xi32, #tpu.memory_space<vmem>>
        %dma_start3A_296 = tpu.memref_squeeze %dma_start3A_295 : memref<1x80xi32, #tpu.memory_space<vmem>> -> memref<80xi32, #tpu.memory_space<vmem>>
        %dma_start3A_297 = arith.constant 0 : i32
        %dma_start3A_298 = tpu.memref_slice %arg3[%dma_start3A_292, %add3A, %add3A_291, %dma_start3A_297] : memref<2x32x125x80xi32, #tpu.memory_space<hbm>> -> memref<1x1x1x80xi32, #tpu.memory_space<hbm>>
        %dma_start3A_299 = tpu.memref_squeeze %dma_start3A_298 : memref<1x1x1x80xi32, #tpu.memory_space<hbm>> -> memref<80xi32, #tpu.memory_space<hbm>>
        %dma_start3A_300 = arith.constant 0 : i32
        %dma_start3A_301 = tpu.memref_slice %arg6[%dma_start3A_293, %dma_start3A_300] : memref<6x80xi32, #tpu.memory_space<vmem>> -> memref<1x80xi32, #tpu.memory_space<vmem>>
        %dma_start3A_302 = tpu.memref_squeeze %dma_start3A_301 : memref<1x80xi32, #tpu.memory_space<vmem>> -> memref<80xi32, #tpu.memory_space<vmem>>
        %dma_start3A_303 = arith.constant 0 : i32
        %dma_start3A_304 = tpu.memref_slice %arg3[%dma_start3A_292, %add3A, %add3A_291, %dma_start3A_303] : memref<2x32x125x80xi32, #tpu.memory_space<hbm>> -> memref<1x1x1x80xi32, #tpu.memory_space<hbm>>
        %dma_start3A_305 = tpu.memref_squeeze %dma_start3A_304 : memref<1x1x1x80xi32, #tpu.memory_space<hbm>> -> memref<80xi32, #tpu.memory_space<hbm>>
        tpu.enqueue_dma source(%dma_start3A_305 : memref<80xi32, #tpu.memory_space<hbm>>) target(%dma_start3A_302 : memref<80xi32, #tpu.memory_space<vmem>>) target_semaphore(%arg20 : memref<!tpu.dma_semaphore, #tpu.memory_space<semaphore_mem>>)
      } else {
      }
      %add3A_154 = arith.constant 1 : i32
      %add3A_155 = arith.addi %mul3A_130, %add3A_154 : i32
      %add3A_156 = arith.constant 2 : i32
      %add3A_157 = arith.addi %add3A_155, %add3A_156 : i32
      %le3A_158 = arith.constant 125 : i32
      %le3A_159 = arith.cmpi sle, %add3A_157, %le3A_158 : i32
      %convert_element_type3A_160 = arith.extui %le3A_159 : i1 to i32
      %cond3A_161 = arith.constant 0 : i32
      %cond3A_162 = arith.cmpi ne, %convert_element_type3A_160, %cond3A_161 : i32
      scf.if %cond3A_162 {
        %ge3A = arith.constant 1 : i32
        %ge3A_290 = arith.cmpi sge, %add3A_155, %ge3A : i32
        %convert_element_type3A_291 = arith.extui %ge3A_290 : i1 to i32
        %cond3A_292 = arith.constant 0 : i32
        %cond3A_293 = arith.cmpi ne, %convert_element_type3A_291, %cond3A_292 : i32
        scf.if %cond3A_293 {
          %dma_wait3A_306 = arith.constant 0 : i32
          %dma_wait3A_307 = arith.constant 0 : i32
          %dma_wait3A_308 = tpu.memref_slice %arg6[%dma_wait3A_306, %dma_wait3A_307] : memref<6x80xi32, #tpu.memory_space<vmem>> -> memref<1x80xi32, #tpu.memory_space<vmem>>
          %dma_wait3A_309 = tpu.memref_squeeze %dma_wait3A_308 : memref<1x80xi32, #tpu.memory_space<vmem>> -> memref<80xi32, #tpu.memory_space<vmem>>
          %dma_wait3A_310 = arith.constant 0 : i32
          %dma_wait3A_311 = arith.constant 0 : i32
          %dma_wait3A_312 = tpu.memref_slice %arg10[%dma_wait3A_310, %dma_wait3A_311] : memref<10240x128xf32, #tpu.memory_space<vmem_shared>> -> memref<10240x128xf32, #tpu.memory_space<vmem_shared>>
          tpu.wait_indirect_dma semaphore(%arg14 : memref<!tpu.dma_semaphore, #tpu.memory_space<semaphore_mem>>) src(%arg7 : memref<80x128xf32, #tpu.memory_space<vmem>>) dst(%dma_wait3A_312 : memref<10240x128xf32, #tpu.memory_space<vmem_shared>>)
        } else {
        }
        %add3A_294 = arith.constant 2 : i32
        %add3A_295 = arith.addi %add3A_155, %add3A_294 : i32
        %lt3A_296 = arith.constant 125 : i32
        %lt3A_297 = arith.cmpi slt, %add3A_295, %lt3A_296 : i32
        %jit3A_298 = arith.constant 0 : i32
        %select_n3A_299 = arith.select %lt3A_297, %add3A_295, %jit3A_298 : i32
        %dma_start3A_300 = arith.constant 0 : i32
        %dma_start3A_301 = tpu.memref_slice %arg5[%select_n3A_299, %dma_start3A_300] : memref<125x80xi32, #tpu.memory_space<vmem>> -> memref<1x80xi32, #tpu.memory_space<vmem>>
        %dma_start3A_302 = tpu.memref_squeeze %dma_start3A_301 : memref<1x80xi32, #tpu.memory_space<vmem>> -> memref<80xi32, #tpu.memory_space<vmem>>
        %dma_start3A_303 = arith.constant 0 : i32
        %dma_start3A_304 = arith.constant 0 : i32
        %dma_start3A_305 = tpu.memref_slice %arg2[%dma_start3A_303, %dma_start3A_304] : memref<10000x128xf32, #tpu.memory_space<hbm>> -> memref<10000x128xf32, #tpu.memory_space<hbm>>
        tpu.enqueue_indirect_dma source(%dma_start3A_305 : memref<10000x128xf32, #tpu.memory_space<hbm>>) target(%arg7 : memref<80x128xf32, #tpu.memory_space<vmem>>) offsets(%dma_start3A_302 : memref<80xi32, #tpu.memory_space<vmem>>) semaphore(%arg11 : memref<!tpu.dma_semaphore, #tpu.memory_space<semaphore_mem>>)
      } else {
      }
      %dma_wait3A_163 = arith.constant 0 : i32
      %dma_wait3A_164 = arith.constant 0 : i32
      %dma_wait3A_165 = tpu.memref_slice %arg2[%dma_wait3A_163, %dma_wait3A_164] : memref<10000x128xf32, #tpu.memory_space<hbm>> -> memref<80x128xf32, #tpu.memory_space<hbm>>
      %dma_wait3A_166 = arith.constant 0 : i32
      %dma_wait3A_167 = arith.constant 0 : i32
      %dma_wait3A_168 = tpu.memref_slice %arg2[%dma_wait3A_166, %dma_wait3A_167] : memref<10000x128xf32, #tpu.memory_space<hbm>> -> memref<80x128xf32, #tpu.memory_space<hbm>>
      tpu.wait_dma2 semaphore(%arg12 : memref<!tpu.dma_semaphore, #tpu.memory_space<semaphore_mem>>) src(%dma_wait3A_168 : memref<80x128xf32, #tpu.memory_space<hbm>>) dst(%arg8 : memref<80x128xf32, #tpu.memory_space<vmem>>)
      %lt3A_169 = arith.constant 125 : i32
      %lt3A_170 = arith.cmpi slt, %add3A_155, %lt3A_169 : i32
      %convert_element_type3A_171 = arith.extui %lt3A_170 : i1 to i32
      %cond3A_172 = arith.constant 0 : i32
      %cond3A_173 = arith.cmpi ne, %convert_element_type3A_171, %cond3A_172 : i32
      scf.if %cond3A_173 {
        %dma_wait3A_290 = arith.constant 1 : i32
        %dma_wait3A_291 = arith.constant 0 : i32
        %dma_wait3A_292 = arith.constant 1 : i32
        %dma_wait3A_293 = arith.constant 0 : i32
        %dma_wait3A_294 = tpu.memref_slice %arg6[%dma_wait3A_292, %dma_wait3A_293] : memref<6x80xi32, #tpu.memory_space<vmem>> -> memref<1x80xi32, #tpu.memory_space<vmem>>
        %dma_wait3A_295 = tpu.memref_squeeze %dma_wait3A_294 : memref<1x80xi32, #tpu.memory_space<vmem>> -> memref<80xi32, #tpu.memory_space<vmem>>
        %dma_wait3A_296 = arith.constant 0 : i32
        %dma_wait3A_297 = tpu.memref_slice %arg3[%dma_wait3A_290, %add3A, %dma_wait3A_291, %dma_wait3A_296] : memref<2x32x125x80xi32, #tpu.memory_space<hbm>> -> memref<1x1x1x80xi32, #tpu.memory_space<hbm>>
        %dma_wait3A_298 = tpu.memref_squeeze %dma_wait3A_297 : memref<1x1x1x80xi32, #tpu.memory_space<hbm>> -> memref<80xi32, #tpu.memory_space<hbm>>
        %dma_wait3A_299 = arith.constant 0 : i32
        %dma_wait3A_300 = tpu.memref_slice %arg6[%dma_wait3A_292, %dma_wait3A_299] : memref<6x80xi32, #tpu.memory_space<vmem>> -> memref<1x80xi32, #tpu.memory_space<vmem>>
        %dma_wait3A_301 = tpu.memref_squeeze %dma_wait3A_300 : memref<1x80xi32, #tpu.memory_space<vmem>> -> memref<80xi32, #tpu.memory_space<vmem>>
        %dma_wait3A_302 = arith.constant 0 : i32
        %dma_wait3A_303 = tpu.memref_slice %arg3[%dma_wait3A_290, %add3A, %dma_wait3A_291, %dma_wait3A_302] : memref<2x32x125x80xi32, #tpu.memory_space<hbm>> -> memref<1x1x1x80xi32, #tpu.memory_space<hbm>>
        %dma_wait3A_304 = tpu.memref_squeeze %dma_wait3A_303 : memref<1x1x1x80xi32, #tpu.memory_space<hbm>> -> memref<80xi32, #tpu.memory_space<hbm>>
        tpu.wait_dma2 semaphore(%arg18 : memref<!tpu.dma_semaphore, #tpu.memory_space<semaphore_mem>>) src(%dma_wait3A_304 : memref<80xi32, #tpu.memory_space<hbm>>) dst(%dma_wait3A_301 : memref<80xi32, #tpu.memory_space<vmem>>)
        %dma_start3A_305 = arith.constant 1 : i32
        %dma_start3A_306 = arith.constant 0 : i32
        %dma_start3A_307 = tpu.memref_slice %arg6[%dma_start3A_305, %dma_start3A_306] : memref<6x80xi32, #tpu.memory_space<vmem>> -> memref<1x80xi32, #tpu.memory_space<vmem>>
        %dma_start3A_308 = tpu.memref_squeeze %dma_start3A_307 : memref<1x80xi32, #tpu.memory_space<vmem>> -> memref<80xi32, #tpu.memory_space<vmem>>
        %dma_start3A_309 = arith.constant 0 : i32
        %dma_start3A_310 = arith.constant 0 : i32
        %dma_start3A_311 = tpu.memref_slice %arg10[%dma_start3A_309, %dma_start3A_310] : memref<10240x128xf32, #tpu.memory_space<vmem_shared>> -> memref<10240x128xf32, #tpu.memory_space<vmem_shared>>
        tpu.enqueue_indirect_dma source(%arg8 : memref<80x128xf32, #tpu.memory_space<vmem>>) target(%dma_start3A_311 : memref<10240x128xf32, #tpu.memory_space<vmem_shared>>) offsets(%dma_start3A_308 : memref<80xi32, #tpu.memory_space<vmem>>) semaphore(%arg15 : memref<!tpu.dma_semaphore, #tpu.memory_space<semaphore_mem>>) {add = true}
      } else {
      }
      %add3A_174 = arith.constant 3 : i32
      %add3A_175 = arith.addi %add3A_155, %add3A_174 : i32
      %lt3A_176 = arith.constant 125 : i32
      %lt3A_177 = arith.cmpi slt, %add3A_175, %lt3A_176 : i32
      %convert_element_type3A_178 = arith.extui %lt3A_177 : i1 to i32
      %cond3A_179 = arith.constant 0 : i32
      %cond3A_180 = arith.cmpi ne, %convert_element_type3A_178, %cond3A_179 : i32
      scf.if %cond3A_180 {
        %add3A_290 = arith.constant 3 : i32
        %add3A_291 = arith.addi %add3A_155, %add3A_290 : i32
        %dma_start3A_292 = arith.constant 1 : i32
        %dma_start3A_293 = arith.constant 4 : i32
        %dma_start3A_294 = arith.constant 0 : i32
        %dma_start3A_295 = tpu.memref_slice %arg6[%dma_start3A_293, %dma_start3A_294] : memref<6x80xi32, #tpu.memory_space<vmem>> -> memref<1x80xi32, #tpu.memory_space<vmem>>
        %dma_start3A_296 = tpu.memref_squeeze %dma_start3A_295 : memref<1x80xi32, #tpu.memory_space<vmem>> -> memref<80xi32, #tpu.memory_space<vmem>>
        %dma_start3A_297 = arith.constant 0 : i32
        %dma_start3A_298 = tpu.memref_slice %arg3[%dma_start3A_292, %add3A, %add3A_291, %dma_start3A_297] : memref<2x32x125x80xi32, #tpu.memory_space<hbm>> -> memref<1x1x1x80xi32, #tpu.memory_space<hbm>>
        %dma_start3A_299 = tpu.memref_squeeze %dma_start3A_298 : memref<1x1x1x80xi32, #tpu.memory_space<hbm>> -> memref<80xi32, #tpu.memory_space<hbm>>
        %dma_start3A_300 = arith.constant 0 : i32
        %dma_start3A_301 = tpu.memref_slice %arg6[%dma_start3A_293, %dma_start3A_300] : memref<6x80xi32, #tpu.memory_space<vmem>> -> memref<1x80xi32, #tpu.memory_space<vmem>>
        %dma_start3A_302 = tpu.memref_squeeze %dma_start3A_301 : memref<1x80xi32, #tpu.memory_space<vmem>> -> memref<80xi32, #tpu.memory_space<vmem>>
        %dma_start3A_303 = arith.constant 0 : i32
        %dma_start3A_304 = tpu.memref_slice %arg3[%dma_start3A_292, %add3A, %add3A_291, %dma_start3A_303] : memref<2x32x125x80xi32, #tpu.memory_space<hbm>> -> memref<1x1x1x80xi32, #tpu.memory_space<hbm>>
        %dma_start3A_305 = tpu.memref_squeeze %dma_start3A_304 : memref<1x1x1x80xi32, #tpu.memory_space<hbm>> -> memref<80xi32, #tpu.memory_space<hbm>>
        tpu.enqueue_dma source(%dma_start3A_305 : memref<80xi32, #tpu.memory_space<hbm>>) target(%dma_start3A_302 : memref<80xi32, #tpu.memory_space<vmem>>) target_semaphore(%arg21 : memref<!tpu.dma_semaphore, #tpu.memory_space<semaphore_mem>>)
      } else {
      }
      %add3A_181 = arith.constant 2 : i32
      %add3A_182 = arith.addi %mul3A_130, %add3A_181 : i32
      %add3A_183 = arith.constant 2 : i32
      %add3A_184 = arith.addi %add3A_182, %add3A_183 : i32
      %le3A_185 = arith.constant 125 : i32
      %le3A_186 = arith.cmpi sle, %add3A_184, %le3A_185 : i32
      %convert_element_type3A_187 = arith.extui %le3A_186 : i1 to i32
      %cond3A_188 = arith.constant 0 : i32
      %cond3A_189 = arith.cmpi ne, %convert_element_type3A_187, %cond3A_188 : i32
      scf.if %cond3A_189 {
        %ge3A = arith.constant 1 : i32
        %ge3A_290 = arith.cmpi sge, %add3A_182, %ge3A : i32
        %convert_element_type3A_291 = arith.extui %ge3A_290 : i1 to i32
        %cond3A_292 = arith.constant 0 : i32
        %cond3A_293 = arith.cmpi ne, %convert_element_type3A_291, %cond3A_292 : i32
        scf.if %cond3A_293 {
          %dma_wait3A_306 = arith.constant 1 : i32
          %dma_wait3A_307 = arith.constant 0 : i32
          %dma_wait3A_308 = tpu.memref_slice %arg6[%dma_wait3A_306, %dma_wait3A_307] : memref<6x80xi32, #tpu.memory_space<vmem>> -> memref<1x80xi32, #tpu.memory_space<vmem>>
          %dma_wait3A_309 = tpu.memref_squeeze %dma_wait3A_308 : memref<1x80xi32, #tpu.memory_space<vmem>> -> memref<80xi32, #tpu.memory_space<vmem>>
          %dma_wait3A_310 = arith.constant 0 : i32
          %dma_wait3A_311 = arith.constant 0 : i32
          %dma_wait3A_312 = tpu.memref_slice %arg10[%dma_wait3A_310, %dma_wait3A_311] : memref<10240x128xf32, #tpu.memory_space<vmem_shared>> -> memref<10240x128xf32, #tpu.memory_space<vmem_shared>>
          tpu.wait_indirect_dma semaphore(%arg15 : memref<!tpu.dma_semaphore, #tpu.memory_space<semaphore_mem>>) src(%arg8 : memref<80x128xf32, #tpu.memory_space<vmem>>) dst(%dma_wait3A_312 : memref<10240x128xf32, #tpu.memory_space<vmem_shared>>)
        } else {
        }
        %add3A_294 = arith.constant 2 : i32
        %add3A_295 = arith.addi %add3A_182, %add3A_294 : i32
        %lt3A_296 = arith.constant 125 : i32
        %lt3A_297 = arith.cmpi slt, %add3A_295, %lt3A_296 : i32
        %jit3A_298 = arith.constant 0 : i32
        %select_n3A_299 = arith.select %lt3A_297, %add3A_295, %jit3A_298 : i32
        %dma_start3A_300 = arith.constant 0 : i32
        %dma_start3A_301 = tpu.memref_slice %arg5[%select_n3A_299, %dma_start3A_300] : memref<125x80xi32, #tpu.memory_space<vmem>> -> memref<1x80xi32, #tpu.memory_space<vmem>>
        %dma_start3A_302 = tpu.memref_squeeze %dma_start3A_301 : memref<1x80xi32, #tpu.memory_space<vmem>> -> memref<80xi32, #tpu.memory_space<vmem>>
        %dma_start3A_303 = arith.constant 0 : i32
        %dma_start3A_304 = arith.constant 0 : i32
        %dma_start3A_305 = tpu.memref_slice %arg2[%dma_start3A_303, %dma_start3A_304] : memref<10000x128xf32, #tpu.memory_space<hbm>> -> memref<10000x128xf32, #tpu.memory_space<hbm>>
        tpu.enqueue_indirect_dma source(%dma_start3A_305 : memref<10000x128xf32, #tpu.memory_space<hbm>>) target(%arg8 : memref<80x128xf32, #tpu.memory_space<vmem>>) offsets(%dma_start3A_302 : memref<80xi32, #tpu.memory_space<vmem>>) semaphore(%arg12 : memref<!tpu.dma_semaphore, #tpu.memory_space<semaphore_mem>>)
      } else {
      }
      %dma_wait3A_190 = arith.constant 0 : i32
      %dma_wait3A_191 = arith.constant 0 : i32
      %dma_wait3A_192 = tpu.memref_slice %arg2[%dma_wait3A_190, %dma_wait3A_191] : memref<10000x128xf32, #tpu.memory_space<hbm>> -> memref<80x128xf32, #tpu.memory_space<hbm>>
      %dma_wait3A_193 = arith.constant 0 : i32
      %dma_wait3A_194 = arith.constant 0 : i32
      %dma_wait3A_195 = tpu.memref_slice %arg2[%dma_wait3A_193, %dma_wait3A_194] : memref<10000x128xf32, #tpu.memory_space<hbm>> -> memref<80x128xf32, #tpu.memory_space<hbm>>
      tpu.wait_dma2 semaphore(%arg13 : memref<!tpu.dma_semaphore, #tpu.memory_space<semaphore_mem>>) src(%dma_wait3A_195 : memref<80x128xf32, #tpu.memory_space<hbm>>) dst(%arg9 : memref<80x128xf32, #tpu.memory_space<vmem>>)
      %lt3A_196 = arith.constant 125 : i32
      %lt3A_197 = arith.cmpi slt, %add3A_182, %lt3A_196 : i32
      %convert_element_type3A_198 = arith.extui %lt3A_197 : i1 to i32
      %cond3A_199 = arith.constant 0 : i32
      %cond3A_200 = arith.cmpi ne, %convert_element_type3A_198, %cond3A_199 : i32
      scf.if %cond3A_200 {
        %dma_wait3A_290 = arith.constant 1 : i32
        %dma_wait3A_291 = arith.constant 0 : i32
        %dma_wait3A_292 = arith.constant 2 : i32
        %dma_wait3A_293 = arith.constant 0 : i32
        %dma_wait3A_294 = tpu.memref_slice %arg6[%dma_wait3A_292, %dma_wait3A_293] : memref<6x80xi32, #tpu.memory_space<vmem>> -> memref<1x80xi32, #tpu.memory_space<vmem>>
        %dma_wait3A_295 = tpu.memref_squeeze %dma_wait3A_294 : memref<1x80xi32, #tpu.memory_space<vmem>> -> memref<80xi32, #tpu.memory_space<vmem>>
        %dma_wait3A_296 = arith.constant 0 : i32
        %dma_wait3A_297 = tpu.memref_slice %arg3[%dma_wait3A_290, %add3A, %dma_wait3A_291, %dma_wait3A_296] : memref<2x32x125x80xi32, #tpu.memory_space<hbm>> -> memref<1x1x1x80xi32, #tpu.memory_space<hbm>>
        %dma_wait3A_298 = tpu.memref_squeeze %dma_wait3A_297 : memref<1x1x1x80xi32, #tpu.memory_space<hbm>> -> memref<80xi32, #tpu.memory_space<hbm>>
        %dma_wait3A_299 = arith.constant 0 : i32
        %dma_wait3A_300 = tpu.memref_slice %arg6[%dma_wait3A_292, %dma_wait3A_299] : memref<6x80xi32, #tpu.memory_space<vmem>> -> memref<1x80xi32, #tpu.memory_space<vmem>>
        %dma_wait3A_301 = tpu.memref_squeeze %dma_wait3A_300 : memref<1x80xi32, #tpu.memory_space<vmem>> -> memref<80xi32, #tpu.memory_space<vmem>>
        %dma_wait3A_302 = arith.constant 0 : i32
        %dma_wait3A_303 = tpu.memref_slice %arg3[%dma_wait3A_290, %add3A, %dma_wait3A_291, %dma_wait3A_302] : memref<2x32x125x80xi32, #tpu.memory_space<hbm>> -> memref<1x1x1x80xi32, #tpu.memory_space<hbm>>
        %dma_wait3A_304 = tpu.memref_squeeze %dma_wait3A_303 : memref<1x1x1x80xi32, #tpu.memory_space<hbm>> -> memref<80xi32, #tpu.memory_space<hbm>>
        tpu.wait_dma2 semaphore(%arg19 : memref<!tpu.dma_semaphore, #tpu.memory_space<semaphore_mem>>) src(%dma_wait3A_304 : memref<80xi32, #tpu.memory_space<hbm>>) dst(%dma_wait3A_301 : memref<80xi32, #tpu.memory_space<vmem>>)
        %dma_start3A_305 = arith.constant 2 : i32
        %dma_start3A_306 = arith.constant 0 : i32
        %dma_start3A_307 = tpu.memref_slice %arg6[%dma_start3A_305, %dma_start3A_306] : memref<6x80xi32, #tpu.memory_space<vmem>> -> memref<1x80xi32, #tpu.memory_space<vmem>>
        %dma_start3A_308 = tpu.memref_squeeze %dma_start3A_307 : memref<1x80xi32, #tpu.memory_space<vmem>> -> memref<80xi32, #tpu.memory_space<vmem>>
        %dma_start3A_309 = arith.constant 0 : i32
        %dma_start3A_310 = arith.constant 0 : i32
        %dma_start3A_311 = tpu.memref_slice %arg10[%dma_start3A_309, %dma_start3A_310] : memref<10240x128xf32, #tpu.memory_space<vmem_shared>> -> memref<10240x128xf32, #tpu.memory_space<vmem_shared>>
        tpu.enqueue_indirect_dma source(%arg9 : memref<80x128xf32, #tpu.memory_space<vmem>>) target(%dma_start3A_311 : memref<10240x128xf32, #tpu.memory_space<vmem_shared>>) offsets(%dma_start3A_308 : memref<80xi32, #tpu.memory_space<vmem>>) semaphore(%arg16 : memref<!tpu.dma_semaphore, #tpu.memory_space<semaphore_mem>>) {add = true}
      } else {
      }
      %add3A_201 = arith.constant 3 : i32
      %add3A_202 = arith.addi %add3A_182, %add3A_201 : i32
      %lt3A_203 = arith.constant 125 : i32
      %lt3A_204 = arith.cmpi slt, %add3A_202, %lt3A_203 : i32
      %convert_element_type3A_205 = arith.extui %lt3A_204 : i1 to i32
      %cond3A_206 = arith.constant 0 : i32
      %cond3A_207 = arith.cmpi ne, %convert_element_type3A_205, %cond3A_206 : i32
      scf.if %cond3A_207 {
        %add3A_290 = arith.constant 3 : i32
        %add3A_291 = arith.addi %add3A_182, %add3A_290 : i32
        %dma_start3A_292 = arith.constant 1 : i32
        %dma_start3A_293 = arith.constant 5 : i32
        %dma_start3A_294 = arith.constant 0 : i32
        %dma_start3A_295 = tpu.memref_slice %arg6[%dma_start3A_293, %dma_start3A_294] : memref<6x80xi32, #tpu.memory_space<vmem>> -> memref<1x80xi32, #tpu.memory_space<vmem>>
        %dma_start3A_296 = tpu.memref_squeeze %dma_start3A_295 : memref<1x80xi32, #tpu.memory_space<vmem>> -> memref<80xi32, #tpu.memory_space<vmem>>
        %dma_start3A_297 = arith.constant 0 : i32
        %dma_start3A_298 = tpu.memref_slice %arg3[%dma_start3A_292, %add3A, %add3A_291, %dma_start3A_297] : memref<2x32x125x80xi32, #tpu.memory_space<hbm>> -> memref<1x1x1x80xi32, #tpu.memory_space<hbm>>
        %dma_start3A_299 = tpu.memref_squeeze %dma_start3A_298 : memref<1x1x1x80xi32, #tpu.memory_space<hbm>> -> memref<80xi32, #tpu.memory_space<hbm>>
        %dma_start3A_300 = arith.constant 0 : i32
        %dma_start3A_301 = tpu.memref_slice %arg6[%dma_start3A_293, %dma_start3A_300] : memref<6x80xi32, #tpu.memory_space<vmem>> -> memref<1x80xi32, #tpu.memory_space<vmem>>
        %dma_start3A_302 = tpu.memref_squeeze %dma_start3A_301 : memref<1x80xi32, #tpu.memory_space<vmem>> -> memref<80xi32, #tpu.memory_space<vmem>>
        %dma_start3A_303 = arith.constant 0 : i32
        %dma_start3A_304 = tpu.memref_slice %arg3[%dma_start3A_292, %add3A, %add3A_291, %dma_start3A_303] : memref<2x32x125x80xi32, #tpu.memory_space<hbm>> -> memref<1x1x1x80xi32, #tpu.memory_space<hbm>>
        %dma_start3A_305 = tpu.memref_squeeze %dma_start3A_304 : memref<1x1x1x80xi32, #tpu.memory_space<hbm>> -> memref<80xi32, #tpu.memory_space<hbm>>
        tpu.enqueue_dma source(%dma_start3A_305 : memref<80xi32, #tpu.memory_space<hbm>>) target(%dma_start3A_302 : memref<80xi32, #tpu.memory_space<vmem>>) target_semaphore(%arg22 : memref<!tpu.dma_semaphore, #tpu.memory_space<semaphore_mem>>)
      } else {
      }
      %add3A_208 = arith.constant 3 : i32
      %add3A_209 = arith.addi %mul3A_130, %add3A_208 : i32
      %add3A_210 = arith.constant 2 : i32
      %add3A_211 = arith.addi %add3A_209, %add3A_210 : i32
      %le3A_212 = arith.constant 125 : i32
      %le3A_213 = arith.cmpi sle, %add3A_211, %le3A_212 : i32
      %convert_element_type3A_214 = arith.extui %le3A_213 : i1 to i32
      %cond3A_215 = arith.constant 0 : i32
      %cond3A_216 = arith.cmpi ne, %convert_element_type3A_214, %cond3A_215 : i32
      scf.if %cond3A_216 {
        %ge3A = arith.constant 1 : i32
        %ge3A_290 = arith.cmpi sge, %add3A_209, %ge3A : i32
        %convert_element_type3A_291 = arith.extui %ge3A_290 : i1 to i32
        %cond3A_292 = arith.constant 0 : i32
        %cond3A_293 = arith.cmpi ne, %convert_element_type3A_291, %cond3A_292 : i32
        scf.if %cond3A_293 {
          %dma_wait3A_306 = arith.constant 2 : i32
          %dma_wait3A_307 = arith.constant 0 : i32
          %dma_wait3A_308 = tpu.memref_slice %arg6[%dma_wait3A_306, %dma_wait3A_307] : memref<6x80xi32, #tpu.memory_space<vmem>> -> memref<1x80xi32, #tpu.memory_space<vmem>>
          %dma_wait3A_309 = tpu.memref_squeeze %dma_wait3A_308 : memref<1x80xi32, #tpu.memory_space<vmem>> -> memref<80xi32, #tpu.memory_space<vmem>>
          %dma_wait3A_310 = arith.constant 0 : i32
          %dma_wait3A_311 = arith.constant 0 : i32
          %dma_wait3A_312 = tpu.memref_slice %arg10[%dma_wait3A_310, %dma_wait3A_311] : memref<10240x128xf32, #tpu.memory_space<vmem_shared>> -> memref<10240x128xf32, #tpu.memory_space<vmem_shared>>
          tpu.wait_indirect_dma semaphore(%arg16 : memref<!tpu.dma_semaphore, #tpu.memory_space<semaphore_mem>>) src(%arg9 : memref<80x128xf32, #tpu.memory_space<vmem>>) dst(%dma_wait3A_312 : memref<10240x128xf32, #tpu.memory_space<vmem_shared>>)
        } else {
        }
        %add3A_294 = arith.constant 2 : i32
        %add3A_295 = arith.addi %add3A_209, %add3A_294 : i32
        %lt3A_296 = arith.constant 125 : i32
        %lt3A_297 = arith.cmpi slt, %add3A_295, %lt3A_296 : i32
        %jit3A_298 = arith.constant 0 : i32
        %select_n3A_299 = arith.select %lt3A_297, %add3A_295, %jit3A_298 : i32
        %dma_start3A_300 = arith.constant 0 : i32
        %dma_start3A_301 = tpu.memref_slice %arg5[%select_n3A_299, %dma_start3A_300] : memref<125x80xi32, #tpu.memory_space<vmem>> -> memref<1x80xi32, #tpu.memory_space<vmem>>
        %dma_start3A_302 = tpu.memref_squeeze %dma_start3A_301 : memref<1x80xi32, #tpu.memory_space<vmem>> -> memref<80xi32, #tpu.memory_space<vmem>>
        %dma_start3A_303 = arith.constant 0 : i32
        %dma_start3A_304 = arith.constant 0 : i32
        %dma_start3A_305 = tpu.memref_slice %arg2[%dma_start3A_303, %dma_start3A_304] : memref<10000x128xf32, #tpu.memory_space<hbm>> -> memref<10000x128xf32, #tpu.memory_space<hbm>>
        tpu.enqueue_indirect_dma source(%dma_start3A_305 : memref<10000x128xf32, #tpu.memory_space<hbm>>) target(%arg9 : memref<80x128xf32, #tpu.memory_space<vmem>>) offsets(%dma_start3A_302 : memref<80xi32, #tpu.memory_space<vmem>>) semaphore(%arg13 : memref<!tpu.dma_semaphore, #tpu.memory_space<semaphore_mem>>)
      } else {
      }
      %dma_wait3A_217 = arith.constant 0 : i32
      %dma_wait3A_218 = arith.constant 0 : i32
      %dma_wait3A_219 = tpu.memref_slice %arg2[%dma_wait3A_217, %dma_wait3A_218] : memref<10000x128xf32, #tpu.memory_space<hbm>> -> memref<80x128xf32, #tpu.memory_space<hbm>>
      %dma_wait3A_220 = arith.constant 0 : i32
      %dma_wait3A_221 = arith.constant 0 : i32
      %dma_wait3A_222 = tpu.memref_slice %arg2[%dma_wait3A_220, %dma_wait3A_221] : memref<10000x128xf32, #tpu.memory_space<hbm>> -> memref<80x128xf32, #tpu.memory_space<hbm>>
      tpu.wait_dma2 semaphore(%arg11 : memref<!tpu.dma_semaphore, #tpu.memory_space<semaphore_mem>>) src(%dma_wait3A_222 : memref<80x128xf32, #tpu.memory_space<hbm>>) dst(%arg7 : memref<80x128xf32, #tpu.memory_space<vmem>>)
      %lt3A_223 = arith.constant 125 : i32
      %lt3A_224 = arith.cmpi slt, %add3A_209, %lt3A_223 : i32
      %convert_element_type3A_225 = arith.extui %lt3A_224 : i1 to i32
      %cond3A_226 = arith.constant 0 : i32
      %cond3A_227 = arith.cmpi ne, %convert_element_type3A_225, %cond3A_226 : i32
      scf.if %cond3A_227 {
        %dma_wait3A_290 = arith.constant 1 : i32
        %dma_wait3A_291 = arith.constant 0 : i32
        %dma_wait3A_292 = arith.constant 3 : i32
        %dma_wait3A_293 = arith.constant 0 : i32
        %dma_wait3A_294 = tpu.memref_slice %arg6[%dma_wait3A_292, %dma_wait3A_293] : memref<6x80xi32, #tpu.memory_space<vmem>> -> memref<1x80xi32, #tpu.memory_space<vmem>>
        %dma_wait3A_295 = tpu.memref_squeeze %dma_wait3A_294 : memref<1x80xi32, #tpu.memory_space<vmem>> -> memref<80xi32, #tpu.memory_space<vmem>>
        %dma_wait3A_296 = arith.constant 0 : i32
        %dma_wait3A_297 = tpu.memref_slice %arg3[%dma_wait3A_290, %add3A, %dma_wait3A_291, %dma_wait3A_296] : memref<2x32x125x80xi32, #tpu.memory_space<hbm>> -> memref<1x1x1x80xi32, #tpu.memory_space<hbm>>
        %dma_wait3A_298 = tpu.memref_squeeze %dma_wait3A_297 : memref<1x1x1x80xi32, #tpu.memory_space<hbm>> -> memref<80xi32, #tpu.memory_space<hbm>>
        %dma_wait3A_299 = arith.constant 0 : i32
        %dma_wait3A_300 = tpu.memref_slice %arg6[%dma_wait3A_292, %dma_wait3A_299] : memref<6x80xi32, #tpu.memory_space<vmem>> -> memref<1x80xi32, #tpu.memory_space<vmem>>
        %dma_wait3A_301 = tpu.memref_squeeze %dma_wait3A_300 : memref<1x80xi32, #tpu.memory_space<vmem>> -> memref<80xi32, #tpu.memory_space<vmem>>
        %dma_wait3A_302 = arith.constant 0 : i32
        %dma_wait3A_303 = tpu.memref_slice %arg3[%dma_wait3A_290, %add3A, %dma_wait3A_291, %dma_wait3A_302] : memref<2x32x125x80xi32, #tpu.memory_space<hbm>> -> memref<1x1x1x80xi32, #tpu.memory_space<hbm>>
        %dma_wait3A_304 = tpu.memref_squeeze %dma_wait3A_303 : memref<1x1x1x80xi32, #tpu.memory_space<hbm>> -> memref<80xi32, #tpu.memory_space<hbm>>
        tpu.wait_dma2 semaphore(%arg20 : memref<!tpu.dma_semaphore, #tpu.memory_space<semaphore_mem>>) src(%dma_wait3A_304 : memref<80xi32, #tpu.memory_space<hbm>>) dst(%dma_wait3A_301 : memref<80xi32, #tpu.memory_space<vmem>>)
        %dma_start3A_305 = arith.constant 3 : i32
        %dma_start3A_306 = arith.constant 0 : i32
        %dma_start3A_307 = tpu.memref_slice %arg6[%dma_start3A_305, %dma_start3A_306] : memref<6x80xi32, #tpu.memory_space<vmem>> -> memref<1x80xi32, #tpu.memory_space<vmem>>
        %dma_start3A_308 = tpu.memref_squeeze %dma_start3A_307 : memref<1x80xi32, #tpu.memory_space<vmem>> -> memref<80xi32, #tpu.memory_space<vmem>>
        %dma_start3A_309 = arith.constant 0 : i32
        %dma_start3A_310 = arith.constant 0 : i32
        %dma_start3A_311 = tpu.memref_slice %arg10[%dma_start3A_309, %dma_start3A_310] : memref<10240x128xf32, #tpu.memory_space<vmem_shared>> -> memref<10240x128xf32, #tpu.memory_space<vmem_shared>>
        tpu.enqueue_indirect_dma source(%arg7 : memref<80x128xf32, #tpu.memory_space<vmem>>) target(%dma_start3A_311 : memref<10240x128xf32, #tpu.memory_space<vmem_shared>>) offsets(%dma_start3A_308 : memref<80xi32, #tpu.memory_space<vmem>>) semaphore(%arg14 : memref<!tpu.dma_semaphore, #tpu.memory_space<semaphore_mem>>) {add = true}
      } else {
      }
      %add3A_228 = arith.constant 3 : i32
      %add3A_229 = arith.addi %add3A_209, %add3A_228 : i32
      %lt3A_230 = arith.constant 125 : i32
      %lt3A_231 = arith.cmpi slt, %add3A_229, %lt3A_230 : i32
      %convert_element_type3A_232 = arith.extui %lt3A_231 : i1 to i32
      %cond3A_233 = arith.constant 0 : i32
      %cond3A_234 = arith.cmpi ne, %convert_element_type3A_232, %cond3A_233 : i32
      scf.if %cond3A_234 {
        %add3A_290 = arith.constant 3 : i32
        %add3A_291 = arith.addi %add3A_209, %add3A_290 : i32
        %dma_start3A_292 = arith.constant 1 : i32
        %dma_start3A_293 = arith.constant 0 : i32
        %dma_start3A_294 = arith.constant 0 : i32
        %dma_start3A_295 = tpu.memref_slice %arg6[%dma_start3A_293, %dma_start3A_294] : memref<6x80xi32, #tpu.memory_space<vmem>> -> memref<1x80xi32, #tpu.memory_space<vmem>>
        %dma_start3A_296 = tpu.memref_squeeze %dma_start3A_295 : memref<1x80xi32, #tpu.memory_space<vmem>> -> memref<80xi32, #tpu.memory_space<vmem>>
        %dma_start3A_297 = arith.constant 0 : i32
        %dma_start3A_298 = tpu.memref_slice %arg3[%dma_start3A_292, %add3A, %add3A_291, %dma_start3A_297] : memref<2x32x125x80xi32, #tpu.memory_space<hbm>> -> memref<1x1x1x80xi32, #tpu.memory_space<hbm>>
        %dma_start3A_299 = tpu.memref_squeeze %dma_start3A_298 : memref<1x1x1x80xi32, #tpu.memory_space<hbm>> -> memref<80xi32, #tpu.memory_space<hbm>>
        %dma_start3A_300 = arith.constant 0 : i32
        %dma_start3A_301 = tpu.memref_slice %arg6[%dma_start3A_293, %dma_start3A_300] : memref<6x80xi32, #tpu.memory_space<vmem>> -> memref<1x80xi32, #tpu.memory_space<vmem>>
        %dma_start3A_302 = tpu.memref_squeeze %dma_start3A_301 : memref<1x80xi32, #tpu.memory_space<vmem>> -> memref<80xi32, #tpu.memory_space<vmem>>
        %dma_start3A_303 = arith.constant 0 : i32
        %dma_start3A_304 = tpu.memref_slice %arg3[%dma_start3A_292, %add3A, %add3A_291, %dma_start3A_303] : memref<2x32x125x80xi32, #tpu.memory_space<hbm>> -> memref<1x1x1x80xi32, #tpu.memory_space<hbm>>
        %dma_start3A_305 = tpu.memref_squeeze %dma_start3A_304 : memref<1x1x1x80xi32, #tpu.memory_space<hbm>> -> memref<80xi32, #tpu.memory_space<hbm>>
        tpu.enqueue_dma source(%dma_start3A_305 : memref<80xi32, #tpu.memory_space<hbm>>) target(%dma_start3A_302 : memref<80xi32, #tpu.memory_space<vmem>>) target_semaphore(%arg17 : memref<!tpu.dma_semaphore, #tpu.memory_space<semaphore_mem>>)
      } else {
      }
      %add3A_235 = arith.constant 4 : i32
      %add3A_236 = arith.addi %mul3A_130, %add3A_235 : i32
      %add3A_237 = arith.constant 2 : i32
      %add3A_238 = arith.addi %add3A_236, %add3A_237 : i32
      %le3A_239 = arith.constant 125 : i32
      %le3A_240 = arith.cmpi sle, %add3A_238, %le3A_239 : i32
      %convert_element_type3A_241 = arith.extui %le3A_240 : i1 to i32
      %cond3A_242 = arith.constant 0 : i32
      %cond3A_243 = arith.cmpi ne, %convert_element_type3A_241, %cond3A_242 : i32
      scf.if %cond3A_243 {
        %ge3A = arith.constant 1 : i32
        %ge3A_290 = arith.cmpi sge, %add3A_236, %ge3A : i32
        %convert_element_type3A_291 = arith.extui %ge3A_290 : i1 to i32
        %cond3A_292 = arith.constant 0 : i32
        %cond3A_293 = arith.cmpi ne, %convert_element_type3A_291, %cond3A_292 : i32
        scf.if %cond3A_293 {
          %dma_wait3A_306 = arith.constant 0 : i32
          %dma_wait3A_307 = arith.constant 0 : i32
          %dma_wait3A_308 = tpu.memref_slice %arg6[%dma_wait3A_306, %dma_wait3A_307] : memref<6x80xi32, #tpu.memory_space<vmem>> -> memref<1x80xi32, #tpu.memory_space<vmem>>
          %dma_wait3A_309 = tpu.memref_squeeze %dma_wait3A_308 : memref<1x80xi32, #tpu.memory_space<vmem>> -> memref<80xi32, #tpu.memory_space<vmem>>
          %dma_wait3A_310 = arith.constant 0 : i32
          %dma_wait3A_311 = arith.constant 0 : i32
          %dma_wait3A_312 = tpu.memref_slice %arg10[%dma_wait3A_310, %dma_wait3A_311] : memref<10240x128xf32, #tpu.memory_space<vmem_shared>> -> memref<10240x128xf32, #tpu.memory_space<vmem_shared>>
          tpu.wait_indirect_dma semaphore(%arg14 : memref<!tpu.dma_semaphore, #tpu.memory_space<semaphore_mem>>) src(%arg7 : memref<80x128xf32, #tpu.memory_space<vmem>>) dst(%dma_wait3A_312 : memref<10240x128xf32, #tpu.memory_space<vmem_shared>>)
        } else {
        }
        %add3A_294 = arith.constant 2 : i32
        %add3A_295 = arith.addi %add3A_236, %add3A_294 : i32
        %lt3A_296 = arith.constant 125 : i32
        %lt3A_297 = arith.cmpi slt, %add3A_295, %lt3A_296 : i32
        %jit3A_298 = arith.constant 0 : i32
        %select_n3A_299 = arith.select %lt3A_297, %add3A_295, %jit3A_298 : i32
        %dma_start3A_300 = arith.constant 0 : i32
        %dma_start3A_301 = tpu.memref_slice %arg5[%select_n3A_299, %dma_start3A_300] : memref<125x80xi32, #tpu.memory_space<vmem>> -> memref<1x80xi32, #tpu.memory_space<vmem>>
        %dma_start3A_302 = tpu.memref_squeeze %dma_start3A_301 : memref<1x80xi32, #tpu.memory_space<vmem>> -> memref<80xi32, #tpu.memory_space<vmem>>
        %dma_start3A_303 = arith.constant 0 : i32
        %dma_start3A_304 = arith.constant 0 : i32
        %dma_start3A_305 = tpu.memref_slice %arg2[%dma_start3A_303, %dma_start3A_304] : memref<10000x128xf32, #tpu.memory_space<hbm>> -> memref<10000x128xf32, #tpu.memory_space<hbm>>
        tpu.enqueue_indirect_dma source(%dma_start3A_305 : memref<10000x128xf32, #tpu.memory_space<hbm>>) target(%arg7 : memref<80x128xf32, #tpu.memory_space<vmem>>) offsets(%dma_start3A_302 : memref<80xi32, #tpu.memory_space<vmem>>) semaphore(%arg11 : memref<!tpu.dma_semaphore, #tpu.memory_space<semaphore_mem>>)
      } else {
      }
      %dma_wait3A_244 = arith.constant 0 : i32
      %dma_wait3A_245 = arith.constant 0 : i32
      %dma_wait3A_246 = tpu.memref_slice %arg2[%dma_wait3A_244, %dma_wait3A_245] : memref<10000x128xf32, #tpu.memory_space<hbm>> -> memref<80x128xf32, #tpu.memory_space<hbm>>
      %dma_wait3A_247 = arith.constant 0 : i32
      %dma_wait3A_248 = arith.constant 0 : i32
      %dma_wait3A_249 = tpu.memref_slice %arg2[%dma_wait3A_247, %dma_wait3A_248] : memref<10000x128xf32, #tpu.memory_space<hbm>> -> memref<80x128xf32, #tpu.memory_space<hbm>>
      tpu.wait_dma2 semaphore(%arg12 : memref<!tpu.dma_semaphore, #tpu.memory_space<semaphore_mem>>) src(%dma_wait3A_249 : memref<80x128xf32, #tpu.memory_space<hbm>>) dst(%arg8 : memref<80x128xf32, #tpu.memory_space<vmem>>)
      %lt3A_250 = arith.constant 125 : i32
      %lt3A_251 = arith.cmpi slt, %add3A_236, %lt3A_250 : i32
      %convert_element_type3A_252 = arith.extui %lt3A_251 : i1 to i32
      %cond3A_253 = arith.constant 0 : i32
      %cond3A_254 = arith.cmpi ne, %convert_element_type3A_252, %cond3A_253 : i32
      scf.if %cond3A_254 {
        %dma_wait3A_290 = arith.constant 1 : i32
        %dma_wait3A_291 = arith.constant 0 : i32
        %dma_wait3A_292 = arith.constant 4 : i32
        %dma_wait3A_293 = arith.constant 0 : i32
        %dma_wait3A_294 = tpu.memref_slice %arg6[%dma_wait3A_292, %dma_wait3A_293] : memref<6x80xi32, #tpu.memory_space<vmem>> -> memref<1x80xi32, #tpu.memory_space<vmem>>
        %dma_wait3A_295 = tpu.memref_squeeze %dma_wait3A_294 : memref<1x80xi32, #tpu.memory_space<vmem>> -> memref<80xi32, #tpu.memory_space<vmem>>
        %dma_wait3A_296 = arith.constant 0 : i32
        %dma_wait3A_297 = tpu.memref_slice %arg3[%dma_wait3A_290, %add3A, %dma_wait3A_291, %dma_wait3A_296] : memref<2x32x125x80xi32, #tpu.memory_space<hbm>> -> memref<1x1x1x80xi32, #tpu.memory_space<hbm>>
        %dma_wait3A_298 = tpu.memref_squeeze %dma_wait3A_297 : memref<1x1x1x80xi32, #tpu.memory_space<hbm>> -> memref<80xi32, #tpu.memory_space<hbm>>
        %dma_wait3A_299 = arith.constant 0 : i32
        %dma_wait3A_300 = tpu.memref_slice %arg6[%dma_wait3A_292, %dma_wait3A_299] : memref<6x80xi32, #tpu.memory_space<vmem>> -> memref<1x80xi32, #tpu.memory_space<vmem>>
        %dma_wait3A_301 = tpu.memref_squeeze %dma_wait3A_300 : memref<1x80xi32, #tpu.memory_space<vmem>> -> memref<80xi32, #tpu.memory_space<vmem>>
        %dma_wait3A_302 = arith.constant 0 : i32
        %dma_wait3A_303 = tpu.memref_slice %arg3[%dma_wait3A_290, %add3A, %dma_wait3A_291, %dma_wait3A_302] : memref<2x32x125x80xi32, #tpu.memory_space<hbm>> -> memref<1x1x1x80xi32, #tpu.memory_space<hbm>>
        %dma_wait3A_304 = tpu.memref_squeeze %dma_wait3A_303 : memref<1x1x1x80xi32, #tpu.memory_space<hbm>> -> memref<80xi32, #tpu.memory_space<hbm>>
        tpu.wait_dma2 semaphore(%arg21 : memref<!tpu.dma_semaphore, #tpu.memory_space<semaphore_mem>>) src(%dma_wait3A_304 : memref<80xi32, #tpu.memory_space<hbm>>) dst(%dma_wait3A_301 : memref<80xi32, #tpu.memory_space<vmem>>)
        %dma_start3A_305 = arith.constant 4 : i32
        %dma_start3A_306 = arith.constant 0 : i32
        %dma_start3A_307 = tpu.memref_slice %arg6[%dma_start3A_305, %dma_start3A_306] : memref<6x80xi32, #tpu.memory_space<vmem>> -> memref<1x80xi32, #tpu.memory_space<vmem>>
        %dma_start3A_308 = tpu.memref_squeeze %dma_start3A_307 : memref<1x80xi32, #tpu.memory_space<vmem>> -> memref<80xi32, #tpu.memory_space<vmem>>
        %dma_start3A_309 = arith.constant 0 : i32
        %dma_start3A_310 = arith.constant 0 : i32
        %dma_start3A_311 = tpu.memref_slice %arg10[%dma_start3A_309, %dma_start3A_310] : memref<10240x128xf32, #tpu.memory_space<vmem_shared>> -> memref<10240x128xf32, #tpu.memory_space<vmem_shared>>
        tpu.enqueue_indirect_dma source(%arg8 : memref<80x128xf32, #tpu.memory_space<vmem>>) target(%dma_start3A_311 : memref<10240x128xf32, #tpu.memory_space<vmem_shared>>) offsets(%dma_start3A_308 : memref<80xi32, #tpu.memory_space<vmem>>) semaphore(%arg15 : memref<!tpu.dma_semaphore, #tpu.memory_space<semaphore_mem>>) {add = true}
      } else {
      }
      %add3A_255 = arith.constant 3 : i32
      %add3A_256 = arith.addi %add3A_236, %add3A_255 : i32
      %lt3A_257 = arith.constant 125 : i32
      %lt3A_258 = arith.cmpi slt, %add3A_256, %lt3A_257 : i32
      %convert_element_type3A_259 = arith.extui %lt3A_258 : i1 to i32
      %cond3A_260 = arith.constant 0 : i32
      %cond3A_261 = arith.cmpi ne, %convert_element_type3A_259, %cond3A_260 : i32
      scf.if %cond3A_261 {
        %add3A_290 = arith.constant 3 : i32
        %add3A_291 = arith.addi %add3A_236, %add3A_290 : i32
        %dma_start3A_292 = arith.constant 1 : i32
        %dma_start3A_293 = arith.constant 1 : i32
        %dma_start3A_294 = arith.constant 0 : i32
        %dma_start3A_295 = tpu.memref_slice %arg6[%dma_start3A_293, %dma_start3A_294] : memref<6x80xi32, #tpu.memory_space<vmem>> -> memref<1x80xi32, #tpu.memory_space<vmem>>
        %dma_start3A_296 = tpu.memref_squeeze %dma_start3A_295 : memref<1x80xi32, #tpu.memory_space<vmem>> -> memref<80xi32, #tpu.memory_space<vmem>>
        %dma_start3A_297 = arith.constant 0 : i32
        %dma_start3A_298 = tpu.memref_slice %arg3[%dma_start3A_292, %add3A, %add3A_291, %dma_start3A_297] : memref<2x32x125x80xi32, #tpu.memory_space<hbm>> -> memref<1x1x1x80xi32, #tpu.memory_space<hbm>>
        %dma_start3A_299 = tpu.memref_squeeze %dma_start3A_298 : memref<1x1x1x80xi32, #tpu.memory_space<hbm>> -> memref<80xi32, #tpu.memory_space<hbm>>
        %dma_start3A_300 = arith.constant 0 : i32
        %dma_start3A_301 = tpu.memref_slice %arg6[%dma_start3A_293, %dma_start3A_300] : memref<6x80xi32, #tpu.memory_space<vmem>> -> memref<1x80xi32, #tpu.memory_space<vmem>>
        %dma_start3A_302 = tpu.memref_squeeze %dma_start3A_301 : memref<1x80xi32, #tpu.memory_space<vmem>> -> memref<80xi32, #tpu.memory_space<vmem>>
        %dma_start3A_303 = arith.constant 0 : i32
        %dma_start3A_304 = tpu.memref_slice %arg3[%dma_start3A_292, %add3A, %add3A_291, %dma_start3A_303] : memref<2x32x125x80xi32, #tpu.memory_space<hbm>> -> memref<1x1x1x80xi32, #tpu.memory_space<hbm>>
        %dma_start3A_305 = tpu.memref_squeeze %dma_start3A_304 : memref<1x1x1x80xi32, #tpu.memory_space<hbm>> -> memref<80xi32, #tpu.memory_space<hbm>>
        tpu.enqueue_dma source(%dma_start3A_305 : memref<80xi32, #tpu.memory_space<hbm>>) target(%dma_start3A_302 : memref<80xi32, #tpu.memory_space<vmem>>) target_semaphore(%arg18 : memref<!tpu.dma_semaphore, #tpu.memory_space<semaphore_mem>>)
      } else {
      }
      %add3A_262 = arith.constant 5 : i32
      %add3A_263 = arith.addi %mul3A_130, %add3A_262 : i32
      %add3A_264 = arith.constant 2 : i32
      %add3A_265 = arith.addi %add3A_263, %add3A_264 : i32
      %le3A_266 = arith.constant 125 : i32
      %le3A_267 = arith.cmpi sle, %add3A_265, %le3A_266 : i32
      %convert_element_type3A_268 = arith.extui %le3A_267 : i1 to i32
      %cond3A_269 = arith.constant 0 : i32
      %cond3A_270 = arith.cmpi ne, %convert_element_type3A_268, %cond3A_269 : i32
      scf.if %cond3A_270 {
        %ge3A = arith.constant 1 : i32
        %ge3A_290 = arith.cmpi sge, %add3A_263, %ge3A : i32
        %convert_element_type3A_291 = arith.extui %ge3A_290 : i1 to i32
        %cond3A_292 = arith.constant 0 : i32
        %cond3A_293 = arith.cmpi ne, %convert_element_type3A_291, %cond3A_292 : i32
        scf.if %cond3A_293 {
          %dma_wait3A_306 = arith.constant 1 : i32
          %dma_wait3A_307 = arith.constant 0 : i32
          %dma_wait3A_308 = tpu.memref_slice %arg6[%dma_wait3A_306, %dma_wait3A_307] : memref<6x80xi32, #tpu.memory_space<vmem>> -> memref<1x80xi32, #tpu.memory_space<vmem>>
          %dma_wait3A_309 = tpu.memref_squeeze %dma_wait3A_308 : memref<1x80xi32, #tpu.memory_space<vmem>> -> memref<80xi32, #tpu.memory_space<vmem>>
          %dma_wait3A_310 = arith.constant 0 : i32
          %dma_wait3A_311 = arith.constant 0 : i32
          %dma_wait3A_312 = tpu.memref_slice %arg10[%dma_wait3A_310, %dma_wait3A_311] : memref<10240x128xf32, #tpu.memory_space<vmem_shared>> -> memref<10240x128xf32, #tpu.memory_space<vmem_shared>>
          tpu.wait_indirect_dma semaphore(%arg15 : memref<!tpu.dma_semaphore, #tpu.memory_space<semaphore_mem>>) src(%arg8 : memref<80x128xf32, #tpu.memory_space<vmem>>) dst(%dma_wait3A_312 : memref<10240x128xf32, #tpu.memory_space<vmem_shared>>)
        } else {
        }
        %add3A_294 = arith.constant 2 : i32
        %add3A_295 = arith.addi %add3A_263, %add3A_294 : i32
        %lt3A_296 = arith.constant 125 : i32
        %lt3A_297 = arith.cmpi slt, %add3A_295, %lt3A_296 : i32
        %jit3A_298 = arith.constant 0 : i32
        %select_n3A_299 = arith.select %lt3A_297, %add3A_295, %jit3A_298 : i32
        %dma_start3A_300 = arith.constant 0 : i32
        %dma_start3A_301 = tpu.memref_slice %arg5[%select_n3A_299, %dma_start3A_300] : memref<125x80xi32, #tpu.memory_space<vmem>> -> memref<1x80xi32, #tpu.memory_space<vmem>>
        %dma_start3A_302 = tpu.memref_squeeze %dma_start3A_301 : memref<1x80xi32, #tpu.memory_space<vmem>> -> memref<80xi32, #tpu.memory_space<vmem>>
        %dma_start3A_303 = arith.constant 0 : i32
        %dma_start3A_304 = arith.constant 0 : i32
        %dma_start3A_305 = tpu.memref_slice %arg2[%dma_start3A_303, %dma_start3A_304] : memref<10000x128xf32, #tpu.memory_space<hbm>> -> memref<10000x128xf32, #tpu.memory_space<hbm>>
        tpu.enqueue_indirect_dma source(%dma_start3A_305 : memref<10000x128xf32, #tpu.memory_space<hbm>>) target(%arg8 : memref<80x128xf32, #tpu.memory_space<vmem>>) offsets(%dma_start3A_302 : memref<80xi32, #tpu.memory_space<vmem>>) semaphore(%arg12 : memref<!tpu.dma_semaphore, #tpu.memory_space<semaphore_mem>>)
      } else {
      }
      %dma_wait3A_271 = arith.constant 0 : i32
      %dma_wait3A_272 = arith.constant 0 : i32
      %dma_wait3A_273 = tpu.memref_slice %arg2[%dma_wait3A_271, %dma_wait3A_272] : memref<10000x128xf32, #tpu.memory_space<hbm>> -> memref<80x128xf32, #tpu.memory_space<hbm>>
      %dma_wait3A_274 = arith.constant 0 : i32
      %dma_wait3A_275 = arith.constant 0 : i32
      %dma_wait3A_276 = tpu.memref_slice %arg2[%dma_wait3A_274, %dma_wait3A_275] : memref<10000x128xf32, #tpu.memory_space<hbm>> -> memref<80x128xf32, #tpu.memory_space<hbm>>
      tpu.wait_dma2 semaphore(%arg13 : memref<!tpu.dma_semaphore, #tpu.memory_space<semaphore_mem>>) src(%dma_wait3A_276 : memref<80x128xf32, #tpu.memory_space<hbm>>) dst(%arg9 : memref<80x128xf32, #tpu.memory_space<vmem>>)
      %lt3A_277 = arith.constant 125 : i32
      %lt3A_278 = arith.cmpi slt, %add3A_263, %lt3A_277 : i32
      %convert_element_type3A_279 = arith.extui %lt3A_278 : i1 to i32
      %cond3A_280 = arith.constant 0 : i32
      %cond3A_281 = arith.cmpi ne, %convert_element_type3A_279, %cond3A_280 : i32
      scf.if %cond3A_281 {
        %dma_wait3A_290 = arith.constant 1 : i32
        %dma_wait3A_291 = arith.constant 0 : i32
        %dma_wait3A_292 = arith.constant 5 : i32
        %dma_wait3A_293 = arith.constant 0 : i32
        %dma_wait3A_294 = tpu.memref_slice %arg6[%dma_wait3A_292, %dma_wait3A_293] : memref<6x80xi32, #tpu.memory_space<vmem>> -> memref<1x80xi32, #tpu.memory_space<vmem>>
        %dma_wait3A_295 = tpu.memref_squeeze %dma_wait3A_294 : memref<1x80xi32, #tpu.memory_space<vmem>> -> memref<80xi32, #tpu.memory_space<vmem>>
        %dma_wait3A_296 = arith.constant 0 : i32
        %dma_wait3A_297 = tpu.memref_slice %arg3[%dma_wait3A_290, %add3A, %dma_wait3A_291, %dma_wait3A_296] : memref<2x32x125x80xi32, #tpu.memory_space<hbm>> -> memref<1x1x1x80xi32, #tpu.memory_space<hbm>>
        %dma_wait3A_298 = tpu.memref_squeeze %dma_wait3A_297 : memref<1x1x1x80xi32, #tpu.memory_space<hbm>> -> memref<80xi32, #tpu.memory_space<hbm>>
        %dma_wait3A_299 = arith.constant 0 : i32
        %dma_wait3A_300 = tpu.memref_slice %arg6[%dma_wait3A_292, %dma_wait3A_299] : memref<6x80xi32, #tpu.memory_space<vmem>> -> memref<1x80xi32, #tpu.memory_space<vmem>>
        %dma_wait3A_301 = tpu.memref_squeeze %dma_wait3A_300 : memref<1x80xi32, #tpu.memory_space<vmem>> -> memref<80xi32, #tpu.memory_space<vmem>>
        %dma_wait3A_302 = arith.constant 0 : i32
        %dma_wait3A_303 = tpu.memref_slice %arg3[%dma_wait3A_290, %add3A, %dma_wait3A_291, %dma_wait3A_302] : memref<2x32x125x80xi32, #tpu.memory_space<hbm>> -> memref<1x1x1x80xi32, #tpu.memory_space<hbm>>
        %dma_wait3A_304 = tpu.memref_squeeze %dma_wait3A_303 : memref<1x1x1x80xi32, #tpu.memory_space<hbm>> -> memref<80xi32, #tpu.memory_space<hbm>>
        tpu.wait_dma2 semaphore(%arg22 : memref<!tpu.dma_semaphore, #tpu.memory_space<semaphore_mem>>) src(%dma_wait3A_304 : memref<80xi32, #tpu.memory_space<hbm>>) dst(%dma_wait3A_301 : memref<80xi32, #tpu.memory_space<vmem>>)
        %dma_start3A_305 = arith.constant 5 : i32
        %dma_start3A_306 = arith.constant 0 : i32
        %dma_start3A_307 = tpu.memref_slice %arg6[%dma_start3A_305, %dma_start3A_306] : memref<6x80xi32, #tpu.memory_space<vmem>> -> memref<1x80xi32, #tpu.memory_space<vmem>>
        %dma_start3A_308 = tpu.memref_squeeze %dma_start3A_307 : memref<1x80xi32, #tpu.memory_space<vmem>> -> memref<80xi32, #tpu.memory_space<vmem>>
        %dma_start3A_309 = arith.constant 0 : i32
        %dma_start3A_310 = arith.constant 0 : i32
        %dma_start3A_311 = tpu.memref_slice %arg10[%dma_start3A_309, %dma_start3A_310] : memref<10240x128xf32, #tpu.memory_space<vmem_shared>> -> memref<10240x128xf32, #tpu.memory_space<vmem_shared>>
        tpu.enqueue_indirect_dma source(%arg9 : memref<80x128xf32, #tpu.memory_space<vmem>>) target(%dma_start3A_311 : memref<10240x128xf32, #tpu.memory_space<vmem_shared>>) offsets(%dma_start3A_308 : memref<80xi32, #tpu.memory_space<vmem>>) semaphore(%arg16 : memref<!tpu.dma_semaphore, #tpu.memory_space<semaphore_mem>>) {add = true}
      } else {
      }
      %add3A_282 = arith.constant 3 : i32
      %add3A_283 = arith.addi %add3A_263, %add3A_282 : i32
      %lt3A_284 = arith.constant 125 : i32
      %lt3A_285 = arith.cmpi slt, %add3A_283, %lt3A_284 : i32
      %convert_element_type3A_286 = arith.extui %lt3A_285 : i1 to i32
      %cond3A_287 = arith.constant 0 : i32
      %cond3A_288 = arith.cmpi ne, %convert_element_type3A_286, %cond3A_287 : i32
      scf.if %cond3A_288 {
        %add3A_290 = arith.constant 3 : i32
        %add3A_291 = arith.addi %add3A_263, %add3A_290 : i32
        %dma_start3A_292 = arith.constant 1 : i32
        %dma_start3A_293 = arith.constant 2 : i32
        %dma_start3A_294 = arith.constant 0 : i32
        %dma_start3A_295 = tpu.memref_slice %arg6[%dma_start3A_293, %dma_start3A_294] : memref<6x80xi32, #tpu.memory_space<vmem>> -> memref<1x80xi32, #tpu.memory_space<vmem>>
        %dma_start3A_296 = tpu.memref_squeeze %dma_start3A_295 : memref<1x80xi32, #tpu.memory_space<vmem>> -> memref<80xi32, #tpu.memory_space<vmem>>
        %dma_start3A_297 = arith.constant 0 : i32
        %dma_start3A_298 = tpu.memref_slice %arg3[%dma_start3A_292, %add3A, %add3A_291, %dma_start3A_297] : memref<2x32x125x80xi32, #tpu.memory_space<hbm>> -> memref<1x1x1x80xi32, #tpu.memory_space<hbm>>
        %dma_start3A_299 = tpu.memref_squeeze %dma_start3A_298 : memref<1x1x1x80xi32, #tpu.memory_space<hbm>> -> memref<80xi32, #tpu.memory_space<hbm>>
        %dma_start3A_300 = arith.constant 0 : i32
        %dma_start3A_301 = tpu.memref_slice %arg6[%dma_start3A_293, %dma_start3A_300] : memref<6x80xi32, #tpu.memory_space<vmem>> -> memref<1x80xi32, #tpu.memory_space<vmem>>
        %dma_start3A_302 = tpu.memref_squeeze %dma_start3A_301 : memref<1x80xi32, #tpu.memory_space<vmem>> -> memref<80xi32, #tpu.memory_space<vmem>>
        %dma_start3A_303 = arith.constant 0 : i32
        %dma_start3A_304 = tpu.memref_slice %arg3[%dma_start3A_292, %add3A, %add3A_291, %dma_start3A_303] : memref<2x32x125x80xi32, #tpu.memory_space<hbm>> -> memref<1x1x1x80xi32, #tpu.memory_space<hbm>>
        %dma_start3A_305 = tpu.memref_squeeze %dma_start3A_304 : memref<1x1x1x80xi32, #tpu.memory_space<hbm>> -> memref<80xi32, #tpu.memory_space<hbm>>
        tpu.enqueue_dma source(%dma_start3A_305 : memref<80xi32, #tpu.memory_space<hbm>>) target(%dma_start3A_302 : memref<80xi32, #tpu.memory_space<vmem>>) target_semaphore(%arg19 : memref<!tpu.dma_semaphore, #tpu.memory_space<semaphore_mem>>)
      } else {
      }
      %scan3A_289 = arith.constant 0 : i32
      scf.yield %scan3A_289 : i32
    }
    %scan3A_107 = arith.constant 21 : i32
    %dma_wait3A_108 = arith.constant 0 : i32
    %dma_wait3A_109 = arith.constant 0 : i32
    %dma_wait3A_110 = tpu.memref_slice %arg6[%dma_wait3A_108, %dma_wait3A_109] : memref<6x80xi32, #tpu.memory_space<vmem>> -> memref<1x80xi32, #tpu.memory_space<vmem>>
    %dma_wait3A_111 = tpu.memref_squeeze %dma_wait3A_110 : memref<1x80xi32, #tpu.memory_space<vmem>> -> memref<80xi32, #tpu.memory_space<vmem>>
    %dma_wait3A_112 = arith.constant 0 : i32
    %dma_wait3A_113 = arith.constant 0 : i32
    %dma_wait3A_114 = tpu.memref_slice %arg10[%dma_wait3A_112, %dma_wait3A_113] : memref<10240x128xf32, #tpu.memory_space<vmem_shared>> -> memref<10240x128xf32, #tpu.memory_space<vmem_shared>>
    tpu.wait_indirect_dma semaphore(%arg14 : memref<!tpu.dma_semaphore, #tpu.memory_space<semaphore_mem>>) src(%arg7 : memref<80x128xf32, #tpu.memory_space<vmem>>) dst(%dma_wait3A_114 : memref<10240x128xf32, #tpu.memory_space<vmem_shared>>)
    %dma_wait3A_115 = arith.constant 1 : i32
    %dma_wait3A_116 = arith.constant 0 : i32
    %dma_wait3A_117 = tpu.memref_slice %arg6[%dma_wait3A_115, %dma_wait3A_116] : memref<6x80xi32, #tpu.memory_space<vmem>> -> memref<1x80xi32, #tpu.memory_space<vmem>>
    %dma_wait3A_118 = tpu.memref_squeeze %dma_wait3A_117 : memref<1x80xi32, #tpu.memory_space<vmem>> -> memref<80xi32, #tpu.memory_space<vmem>>
    %dma_wait3A_119 = arith.constant 0 : i32
    %dma_wait3A_120 = arith.constant 0 : i32
    %dma_wait3A_121 = tpu.memref_slice %arg10[%dma_wait3A_119, %dma_wait3A_120] : memref<10240x128xf32, #tpu.memory_space<vmem_shared>> -> memref<10240x128xf32, #tpu.memory_space<vmem_shared>>
    tpu.wait_indirect_dma semaphore(%arg15 : memref<!tpu.dma_semaphore, #tpu.memory_space<semaphore_mem>>) src(%arg8 : memref<80x128xf32, #tpu.memory_space<vmem>>) dst(%dma_wait3A_121 : memref<10240x128xf32, #tpu.memory_space<vmem_shared>>)
    %barrier3A_122 = arith.constant 0 : index
    tpu.barrier barrier_id(%barrier3A_122)
    %mul3A_123 = arith.constant 640 : i32
    %mul3A_124 = arith.muli %arg1, %mul3A_123 : i32
    %mul3A_125 = arith.constant 640 : i32
    %mul3A_126 = arith.muli %arg1, %mul3A_125 : i32
    "tpu.region"() ({
      %run_scoped3A = tpu.sem_alloc : memref<!tpu.dma_semaphore, #tpu.memory_space<semaphore_mem>>
      %dma_start3A_127 = arith.constant 0 : i32
      %dma_start3A_128 = tpu.memref_slice %arg4[%arg0, %mul3A_126, %dma_start3A_127] : memref<2x10240x128xf32, #tpu.memory_space<hbm>> -> memref<1x640x128xf32, #tpu.memory_space<hbm>>
      %dma_start3A_129 = tpu.memref_squeeze %dma_start3A_128 : memref<1x640x128xf32, #tpu.memory_space<hbm>> -> memref<640x128xf32, #tpu.memory_space<hbm>>
      %dma_start3A_130 = arith.constant 0 : i32
      %dma_start3A_131 = tpu.memref_slice %arg10[%mul3A_124, %dma_start3A_130] : memref<10240x128xf32, #tpu.memory_space<vmem_shared>> -> memref<640x128xf32, #tpu.memory_space<vmem_shared>>
      tpu.enqueue_dma source(%dma_start3A_131 : memref<640x128xf32, #tpu.memory_space<vmem_shared>>) target(%dma_start3A_129 : memref<640x128xf32, #tpu.memory_space<hbm>>) target_semaphore(%run_scoped3A : memref<!tpu.dma_semaphore, #tpu.memory_space<semaphore_mem>>)
      %dma_wait3A_132 = arith.constant 0 : i32
      %dma_wait3A_133 = tpu.memref_slice %arg4[%arg0, %mul3A_126, %dma_wait3A_132] : memref<2x10240x128xf32, #tpu.memory_space<hbm>> -> memref<1x640x128xf32, #tpu.memory_space<hbm>>
      %dma_wait3A_134 = tpu.memref_squeeze %dma_wait3A_133 : memref<1x640x128xf32, #tpu.memory_space<hbm>> -> memref<640x128xf32, #tpu.memory_space<hbm>>
      %dma_wait3A_135 = arith.constant 0 : i32
      %dma_wait3A_136 = tpu.memref_slice %arg10[%mul3A_124, %dma_wait3A_135] : memref<10240x128xf32, #tpu.memory_space<vmem_shared>> -> memref<640x128xf32, #tpu.memory_space<vmem_shared>>
      tpu.wait_dma2 semaphore(%run_scoped3A : memref<!tpu.dma_semaphore, #tpu.memory_space<semaphore_mem>>) src(%dma_wait3A_136 : memref<640x128xf32, #tpu.memory_space<vmem_shared>>) dst(%dma_wait3A_134 : memref<640x128xf32, #tpu.memory_space<hbm>>)
      tpu.yield
    }) : () -> ()
    return
  }
}

module attributes {stable_mosaic.version = 14 : i64} {
  func.func @body(%arg0: i32, %arg1: memref<2000x128xf32, #tpu.memory_space<vmem>>, %arg2: memref<128x128xf32, #tpu.memory_space<vmem>>, %arg3: memref<2000x2xf32, #tpu.memory_space<vmem>>, %arg4: memref<2000x128xf32, #tpu.memory_space<vmem>>, %arg5: memref<2000x1xf32, #tpu.memory_space<vmem>>) attributes {dimension_semantics = [#tpu.dimension_semantics<arbitrary>], iteration_bounds = array<i64: 5>, scalar_prefetch = 0 : i64, scratch_operands = 0 : i64, tpu.core_type = #tpu.core_type<tc>, window_params = [{transform_indices = @transform_0, window_bounds = array<i64: 2000, 128>}, {pipeline_mode = #tpu.pipeline_mode<synchronous>, transform_indices = @transform_1, window_bounds = array<i64: 128, 128>}, {transform_indices = @transform_2, window_bounds = array<i64: 2000, 2>}, {transform_indices = @transform_3, window_bounds = array<i64: 2000, 128>}, {transform_indices = @transform_4, window_bounds = array<i64: 2000, 1>}]} {
    %get3A = arith.constant 0 : index
    %get3A_0 = arith.constant 0 : index
    %get3A_1 = vector.load %arg3[%get3A, %get3A_0] : memref<2000x2xf32, #tpu.memory_space<vmem>>, vector<2000x1xf32>
    %get3A_2 = vector.shape_cast %get3A_1 : vector<2000x1xf32> to vector<2000xf32>
    %get3A_3 = arith.constant 0 : index
    %get3A_4 = arith.constant 1 : index
    %get3A_5 = vector.load %arg3[%get3A_3, %get3A_4] : memref<2000x2xf32, #tpu.memory_space<vmem>>, vector<2000x1xf32>
    %get3A_6 = vector.shape_cast %get3A_5 : vector<2000x1xf32> to vector<2000xf32>
    %add3A = arith.addf %get3A_2, %get3A_6 : vector<2000xf32>
    %add3A_7 = arith.constant 1.000000e+00 : f32
    %add3A_8 = vector.broadcast %add3A_7 : f32 to vector<2000xf32>
    %add3A_9 = arith.addf %add3A, %add3A_8 : vector<2000xf32>
    %rsqrt3A = math.rsqrt %add3A_9 : vector<2000xf32>
    %get3A_10 = arith.constant 0 : index
    %get3A_11 = arith.constant 0 : index
    %get3A_12 = vector.load %arg1[%get3A_10, %get3A_11] : memref<2000x128xf32, #tpu.memory_space<vmem>>, vector<2000x128xf32>
    %get3A_13 = arith.constant 0 : index
    %get3A_14 = arith.constant 0 : index
    %get3A_15 = vector.load %arg2[%get3A_13, %get3A_14] : memref<128x128xf32, #tpu.memory_space<vmem>>, vector<128x128xf32>
    %dot_general3A = arith.constant dense<0.000000e+00> : vector<2000x128xf32>
    %dot_general3A_16 = tpu.matmul %get3A_12, %get3A_15, %dot_general3A {dimension_numbers = #tpu.dot_dimension_numbers<[1], [0], [0], [1], [0, 0, 1, 1], [], []>, transpose_lhs_hint = false} : vector<2000x128xf32>, vector<128x128xf32>, vector<2000x128xf32> -> vector<2000x128xf32>
    %broadcast_in_dim3A = vector.shape_cast %rsqrt3A : vector<2000xf32> to vector<2000x1xf32>
    %mul3A = vector.broadcast %broadcast_in_dim3A : vector<2000x1xf32> to vector<2000x128xf32>
    %mul3A_17 = arith.mulf %dot_general3A_16, %mul3A : vector<2000x128xf32>
    %swap3A = arith.constant 0 : index
    %swap3A_18 = arith.constant 0 : index
    %swap3A_19 = vector.load %arg4[%swap3A, %swap3A_18] : memref<2000x128xf32, #tpu.memory_space<vmem>>, vector<2000x128xf32>
    tpu.vector_store %arg4[%swap3A, %swap3A_18], %mul3A_17 {strides = array<i32>} : memref<2000x128xf32, #tpu.memory_space<vmem>>, vector<2000x128xf32>,
    %broadcast_in_dim3A_20 = vector.shape_cast %rsqrt3A : vector<2000xf32> to vector<2000x1xf32>
    %swap3A_21 = arith.constant 0 : index
    %swap3A_22 = arith.constant 0 : index
    %swap3A_23 = vector.load %arg5[%swap3A_21, %swap3A_22] : memref<2000x1xf32, #tpu.memory_space<vmem>>, vector<2000x1xf32>
    tpu.vector_store %arg5[%swap3A_21, %swap3A_22], %broadcast_in_dim3A_20 {strides = array<i32>} : memref<2000x1xf32, #tpu.memory_space<vmem>>, vector<2000x1xf32>,
    return
  }
  func.func @transform_0(%arg0: i32) -> (i32, i32) {
    %c0_i32 = arith.constant 0 : i32
    %c0_i32_0 = arith.constant 0 : i32
    return %arg0, %c0_i32 : i32, i32
  }
  func.func @transform_1(%arg0: i32) -> (i32, i32) {
    %c0_i32 = arith.constant 0 : i32
    %c0_i32_0 = arith.constant 0 : i32
    %c0_i32_1 = arith.constant 0 : i32
    return %c0_i32, %c0_i32_0 : i32, i32
  }
  func.func @transform_2(%arg0: i32) -> (i32, i32) {
    %c0_i32 = arith.constant 0 : i32
    %c0_i32_0 = arith.constant 0 : i32
    return %arg0, %c0_i32 : i32, i32
  }
  func.func @transform_3(%arg0: i32) -> (i32, i32) {
    %c0_i32 = arith.constant 0 : i32
    %c0_i32_0 = arith.constant 0 : i32
    return %arg0, %c0_i32 : i32, i32
  }
  func.func @transform_4(%arg0: i32) -> (i32, i32) {
    %c0_i32 = arith.constant 0 : i32
    %c0_i32_0 = arith.constant 0 : i32
    return %arg0, %c0_i32 : i32, i32
  }
}

module attributes {stable_mosaic.version = 14 : i64} {
  func.func @body(%arg0: i32, %arg1: memref<2x2000x128xf32, #tpu.memory_space<vmem>>, %arg2: memref<2000x128xf32, #tpu.memory_space<vmem>>, %arg3: memref<2000x1xf32, #tpu.memory_space<vmem>>, %arg4: memref<1x128xf32, #tpu.memory_space<vmem>>, %arg5: memref<128x128xf32, #tpu.memory_space<vmem>>, %arg6: memref<2000x128xf32, #tpu.memory_space<vmem>>) attributes {dimension_semantics = [#tpu.dimension_semantics<arbitrary>], iteration_bounds = array<i64: 5>, scalar_prefetch = 0 : i64, scratch_operands = 0 : i64, tpu.core_type = #tpu.core_type<tc>, window_params = [{transform_indices = @transform_0, window_bounds = array<i64: 2, 2000, 128>}, {transform_indices = @transform_1, window_bounds = array<i64: 2000, 128>}, {transform_indices = @transform_2, window_bounds = array<i64: 2000, 1>}, {pipeline_mode = #tpu.pipeline_mode<synchronous>, transform_indices = @transform_3, window_bounds = array<i64: 1, 128>}, {pipeline_mode = #tpu.pipeline_mode<synchronous>, transform_indices = @transform_4, window_bounds = array<i64: 128, 128>}, {transform_indices = @transform_5, window_bounds = array<i64: 2000, 128>}]} {
    %get3A = arith.constant 0 : index
    %get3A_0 = arith.constant 0 : index
    %get3A_1 = vector.load %arg3[%get3A, %get3A_0] : memref<2000x1xf32, #tpu.memory_space<vmem>>, vector<2000x1xf32>
    %get3A_2 = arith.constant 0 : index
    %get3A_3 = arith.constant 0 : index
    %get3A_4 = arith.constant 0 : index
    %get3A_5 = vector.load %arg1[%get3A_2, %get3A_3, %get3A_4] : memref<2x2000x128xf32, #tpu.memory_space<vmem>>, vector<1x2000x128xf32>
    %get3A_6 = vector.shape_cast %get3A_5 : vector<1x2000x128xf32> to vector<2000x128xf32>
    %get3A_7 = arith.constant 1 : index
    %get3A_8 = arith.constant 0 : index
    %get3A_9 = arith.constant 0 : index
    %get3A_10 = vector.load %arg1[%get3A_7, %get3A_8, %get3A_9] : memref<2x2000x128xf32, #tpu.memory_space<vmem>>, vector<1x2000x128xf32>
    %get3A_11 = vector.shape_cast %get3A_10 : vector<1x2000x128xf32> to vector<2000x128xf32>
    %add3A = arith.addf %get3A_6, %get3A_11 : vector<2000x128xf32>
    %get3A_12 = arith.constant 0 : index
    %get3A_13 = arith.constant 0 : index
    %get3A_14 = vector.load %arg2[%get3A_12, %get3A_13] : memref<2000x128xf32, #tpu.memory_space<vmem>>, vector<2000x128xf32>
    %add3A_15 = arith.addf %add3A, %get3A_14 : vector<2000x128xf32>
    %mul3A = vector.broadcast %get3A_1 : vector<2000x1xf32> to vector<2000x128xf32>
    %mul3A_16 = arith.mulf %mul3A, %add3A_15 : vector<2000x128xf32>
    %get3A_17 = arith.constant 0 : index
    %get3A_18 = arith.constant 0 : index
    %get3A_19 = vector.load %arg4[%get3A_17, %get3A_18] : memref<1x128xf32, #tpu.memory_space<vmem>>, vector<1x128xf32>
    %add3A_20 = vector.broadcast %get3A_19 : vector<1x128xf32> to vector<2000x128xf32>
    %add3A_21 = arith.addf %mul3A_16, %add3A_20 : vector<2000x128xf32>
    %max3A = arith.constant 0.000000e+00 : f32
    %max3A_22 = vector.broadcast %max3A : f32 to vector<2000x128xf32>
    %max3A_23 = arith.maximumf %add3A_21, %max3A_22 : vector<2000x128xf32>
    %get3A_24 = arith.constant 0 : index
    %get3A_25 = arith.constant 0 : index
    %get3A_26 = vector.load %arg5[%get3A_24, %get3A_25] : memref<128x128xf32, #tpu.memory_space<vmem>>, vector<128x128xf32>
    %dot_general3A = arith.constant dense<0.000000e+00> : vector<2000x128xf32>
    %dot_general3A_27 = tpu.matmul %max3A_23, %get3A_26, %dot_general3A {dimension_numbers = #tpu.dot_dimension_numbers<[1], [0], [0], [1], [0, 0, 1, 1], [], []>, transpose_lhs_hint = false} : vector<2000x128xf32>, vector<128x128xf32>, vector<2000x128xf32> -> vector<2000x128xf32>
    %mul3A_28 = vector.broadcast %get3A_1 : vector<2000x1xf32> to vector<2000x128xf32>
    %mul3A_29 = arith.mulf %dot_general3A_27, %mul3A_28 : vector<2000x128xf32>
    %swap3A = arith.constant 0 : index
    %swap3A_30 = arith.constant 0 : index
    %swap3A_31 = vector.load %arg6[%swap3A, %swap3A_30] : memref<2000x128xf32, #tpu.memory_space<vmem>>, vector<2000x128xf32>
    tpu.vector_store %arg6[%swap3A, %swap3A_30], %mul3A_29 {strides = array<i32>} : memref<2000x128xf32, #tpu.memory_space<vmem>>, vector<2000x128xf32>,
    return
  }
  func.func @transform_0(%arg0: i32) -> (i32, i32, i32) {
    %c0_i32 = arith.constant 0 : i32
    %c0_i32_0 = arith.constant 0 : i32
    %c0_i32_1 = arith.constant 0 : i32
    return %c0_i32, %arg0, %c0_i32_0 : i32, i32, i32
  }
  func.func @transform_1(%arg0: i32) -> (i32, i32) {
    %c0_i32 = arith.constant 0 : i32
    %c0_i32_0 = arith.constant 0 : i32
    return %arg0, %c0_i32 : i32, i32
  }
  func.func @transform_2(%arg0: i32) -> (i32, i32) {
    %c0_i32 = arith.constant 0 : i32
    %c0_i32_0 = arith.constant 0 : i32
    return %arg0, %c0_i32 : i32, i32
  }
  func.func @transform_3(%arg0: i32) -> (i32, i32) {
    %c0_i32 = arith.constant 0 : i32
    %c0_i32_0 = arith.constant 0 : i32
    %c0_i32_1 = arith.constant 0 : i32
    return %c0_i32, %c0_i32_0 : i32, i32
  }
  func.func @transform_4(%arg0: i32) -> (i32, i32) {
    %c0_i32 = arith.constant 0 : i32
    %c0_i32_0 = arith.constant 0 : i32
    %c0_i32_1 = arith.constant 0 : i32
    return %c0_i32, %c0_i32_0 : i32, i32
  }
  func.func @transform_5(%arg0: i32) -> (i32, i32) {
    %c0_i32 = arith.constant 0 : i32
    %c0_i32_0 = arith.constant 0 : i32
    return %arg0, %c0_i32 : i32, i32
  }
}

module attributes {stable_mosaic.version = 14 : i64} {
  func.func @body(%arg0: i32, %arg1: memref<2x10000x128xf32, #tpu.memory_space<vmem>>, %arg2: memref<10000x128xf32, #tpu.memory_space<vmem>>, %arg3: memref<10000x1xf32, #tpu.memory_space<vmem>>, %arg4: memref<1x128xf32, #tpu.memory_space<vmem>>, %arg5: memref<128x1xf32, #tpu.memory_space<vmem>>, %arg6: memref<1x1xf32, #tpu.memory_space<vmem>>, %arg7: memref<1x10000xf32, #tpu.memory_space<vmem>>) attributes {dimension_semantics = [#tpu.dimension_semantics<arbitrary>], iteration_bounds = array<i64: 1>, scalar_prefetch = 0 : i64, scratch_operands = 0 : i64, tpu.core_type = #tpu.core_type<tc>, window_params = [{transform_indices = @transform_0, window_bounds = array<i64: 2, 10000, 128>}, {pipeline_mode = #tpu.pipeline_mode<synchronous>, transform_indices = @transform_1, window_bounds = array<i64: 10000, 128>}, {pipeline_mode = #tpu.pipeline_mode<synchronous>, transform_indices = @transform_2, window_bounds = array<i64: 10000, 1>}, {pipeline_mode = #tpu.pipeline_mode<synchronous>, transform_indices = @transform_3, window_bounds = array<i64: 1, 128>}, {pipeline_mode = #tpu.pipeline_mode<synchronous>, transform_indices = @transform_4, window_bounds = array<i64: 128, 1>}, {pipeline_mode = #tpu.pipeline_mode<synchronous>, transform_indices = @transform_5, window_bounds = array<i64: 1, 1>}, {pipeline_mode = #tpu.pipeline_mode<synchronous>, transform_indices = @transform_6, window_bounds = array<i64: 1, 10000>}]} {
    %get3A = arith.constant 0 : index
    %get3A_0 = arith.constant 0 : index
    %get3A_1 = vector.load %arg3[%get3A, %get3A_0] : memref<10000x1xf32, #tpu.memory_space<vmem>>, vector<10000x1xf32>
    %get3A_2 = arith.constant 0 : index
    %get3A_3 = arith.constant 0 : index
    %get3A_4 = arith.constant 0 : index
    %get3A_5 = vector.load %arg1[%get3A_2, %get3A_3, %get3A_4] : memref<2x10000x128xf32, #tpu.memory_space<vmem>>, vector<1x10000x128xf32>
    %get3A_6 = vector.shape_cast %get3A_5 : vector<1x10000x128xf32> to vector<10000x128xf32>
    %get3A_7 = arith.constant 1 : index
    %get3A_8 = arith.constant 0 : index
    %get3A_9 = arith.constant 0 : index
    %get3A_10 = vector.load %arg1[%get3A_7, %get3A_8, %get3A_9] : memref<2x10000x128xf32, #tpu.memory_space<vmem>>, vector<1x10000x128xf32>
    %get3A_11 = vector.shape_cast %get3A_10 : vector<1x10000x128xf32> to vector<10000x128xf32>
    %add3A = arith.addf %get3A_6, %get3A_11 : vector<10000x128xf32>
    %get3A_12 = arith.constant 0 : index
    %get3A_13 = arith.constant 0 : index
    %get3A_14 = vector.load %arg2[%get3A_12, %get3A_13] : memref<10000x128xf32, #tpu.memory_space<vmem>>, vector<10000x128xf32>
    %add3A_15 = arith.addf %add3A, %get3A_14 : vector<10000x128xf32>
    %mul3A = vector.broadcast %get3A_1 : vector<10000x1xf32> to vector<10000x128xf32>
    %mul3A_16 = arith.mulf %mul3A, %add3A_15 : vector<10000x128xf32>
    %get3A_17 = arith.constant 0 : index
    %get3A_18 = arith.constant 0 : index
    %get3A_19 = vector.load %arg4[%get3A_17, %get3A_18] : memref<1x128xf32, #tpu.memory_space<vmem>>, vector<1x128xf32>
    %add3A_20 = vector.broadcast %get3A_19 : vector<1x128xf32> to vector<10000x128xf32>
    %add3A_21 = arith.addf %mul3A_16, %add3A_20 : vector<10000x128xf32>
    %max3A = arith.constant 0.000000e+00 : f32
    %max3A_22 = vector.broadcast %max3A : f32 to vector<10000x128xf32>
    %max3A_23 = arith.maximumf %add3A_21, %max3A_22 : vector<10000x128xf32>
    %get3A_24 = arith.constant 0 : index
    %get3A_25 = arith.constant 0 : index
    %get3A_26 = vector.load %arg5[%get3A_24, %get3A_25] : memref<128x1xf32, #tpu.memory_space<vmem>>, vector<128x1xf32>
    %dot_general3A = arith.constant dense<0.000000e+00> : vector<1x10000xf32>
    %dot_general3A_27 = tpu.matmul %get3A_26, %max3A_23, %dot_general3A {dimension_numbers = #tpu.dot_dimension_numbers<[0], [1], [1], [0], [0, 1, 1, 0], [], []>, transpose_lhs_hint = false} : vector<128x1xf32>, vector<10000x128xf32>, vector<1x10000xf32> -> vector<1x10000xf32>
    %get3A_28 = arith.constant 0 : index
    %get3A_29 = arith.constant 0 : index
    %get3A_30 = vector.load %arg6[%get3A_28, %get3A_29] : memref<1x1xf32, #tpu.memory_space<vmem>>, vector<1x1xf32>
    %add3A_31 = vector.broadcast %get3A_30 : vector<1x1xf32> to vector<1x10000xf32>
    %add3A_32 = arith.addf %dot_general3A_27, %add3A_31 : vector<1x10000xf32>
    %swap3A = arith.constant 0 : index
    %swap3A_33 = arith.constant 0 : index
    %swap3A_34 = vector.load %arg7[%swap3A, %swap3A_33] : memref<1x10000xf32, #tpu.memory_space<vmem>>, vector<1x10000xf32>
    tpu.vector_store %arg7[%swap3A, %swap3A_33], %add3A_32 {strides = array<i32>} : memref<1x10000xf32, #tpu.memory_space<vmem>>, vector<1x10000xf32>,
    return
  }
  func.func @transform_0(%arg0: i32) -> (i32, i32, i32) {
    %c0_i32 = arith.constant 0 : i32
    %c0_i32_0 = arith.constant 0 : i32
    %c0_i32_1 = arith.constant 0 : i32
    %c0_i32_2 = arith.constant 0 : i32
    return %c0_i32, %c0_i32_0, %c0_i32_1 : i32, i32, i32
  }
  func.func @transform_1(%arg0: i32) -> (i32, i32) {
    %c0_i32 = arith.constant 0 : i32
    %c0_i32_0 = arith.constant 0 : i32
    %c0_i32_1 = arith.constant 0 : i32
    return %c0_i32, %c0_i32_0 : i32, i32
  }
  func.func @transform_2(%arg0: i32) -> (i32, i32) {
    %c0_i32 = arith.constant 0 : i32
    %c0_i32_0 = arith.constant 0 : i32
    %c0_i32_1 = arith.constant 0 : i32
    return %c0_i32, %c0_i32_0 : i32, i32
  }
  func.func @transform_3(%arg0: i32) -> (i32, i32) {
    %c0_i32 = arith.constant 0 : i32
    %c0_i32_0 = arith.constant 0 : i32
    %c0_i32_1 = arith.constant 0 : i32
    return %c0_i32, %c0_i32_0 : i32, i32
  }
  func.func @transform_4(%arg0: i32) -> (i32, i32) {
    %c0_i32 = arith.constant 0 : i32
    %c0_i32_0 = arith.constant 0 : i32
    %c0_i32_1 = arith.constant 0 : i32
    return %c0_i32, %c0_i32_0 : i32, i32
  }
  func.func @transform_5(%arg0: i32) -> (i32, i32) {
    %c0_i32 = arith.constant 0 : i32
    %c0_i32_0 = arith.constant 0 : i32
    %c0_i32_1 = arith.constant 0 : i32
    return %c0_i32, %c0_i32_0 : i32, i32
  }
  func.func @transform_6(%arg0: i32) -> (i32, i32) {
    %c0_i32 = arith.constant 0 : i32
    %c0_i32_0 = arith.constant 0 : i32
    %c0_i32_1 = arith.constant 0 : i32
    return %c0_i32, %c0_i32_0 : i32, i32
  }
}

</mosaic_0001>

<sc_bundles>
// kernel: kernel.11.cloned.1.call-start
scs
__scs_entry_jumppad:
0x0: {  	(pc) =	sbr.rel $0x88, $3  }
0x1: {  	(tag) =	ssettag $0x0;
	lr =	simm.s32 $0x1  }
0x2: {  	[smem:$0x3F99] =	sst lr;
	_ =	strace $0xD0000000  }
0x3: {  	_ = 	snop  }
0x4: {  	_ = 	snop  }
0x5: {  	_ = 	snop  }
0x6: {  	_ = 	snop  }
0x7: {  	_ = 	snop  }
__scs_overlays_trampoline_lowered:
0x8: {  	[smem:$0x3FA8] =	sst s0  }
0x9: {  	[smem:$0x3FA9] =	sst s1  }
0xa: {  	[smem:$0x3FAA] =	sst s2  }
0xb: {  	[smem:$0x3FAB] =	sst s3  }
0xc: {  	[smem:$0x3FAC] =	sst s4  }
0xd: {  	[smem:$0x3FAD] =	sst s5  }
0xe: {  	[smem:$0x3FAE] =	sst s6  }
0xf: {  	[smem:$0x3FAF] =	sst s7  }
0x10: {  	[smem:$0x3FB0] =	sst s8  }
0x11: {  	[smem:$0x3FB1] =	sst s9;
	s0 =	simm.s32 @!p0 $0x0  }
0x12: {  	s1 =	sld [smem:$0x3F97];
	s0 =	simm.s32 @p0 $0x1  }
0x13: {  	[smem:$0x3FB2] =	sst s0;
	s0 =	simm.s32 @!p1 $0x0  }
0x14: {  	s2 =	sld [smem:$0x3F96];
	s0 =	simm.s32 @p1 $0x1  }
0x15: {  	[smem:$0x3FB3] =	sst s0;
	s0 =	simm.s32 @!p2 $0x0  }
0x16: {  	s3 =	sld [smem:$0x3FDB];
	s0 =	simm.s32 @p2 $0x1  }
0x17: {  	s4 =	simm.s32 $0x1BF5;
	[smem:$0x3FB5] =	sst s0  }
0x18: {  	s0 =	sld [smem:$0x3F98];
	_ =	swait.ge [sflag:s4], $0x0  }
0x19: {  	s7 =	sld [smem:$0x3F99]  }
0x1a: {  	s8 =	sadd.s32 $0xFFFFE003, lr  }
0x1b: {  	s9 =	sadd.s32 $0xFFFFFEF7, lr;
	s5 =	simm.s32 $0xFFFFFFFF;
	p2 =	slt.u32 s8, $0xFFFFF086  }
0x1c: {  	p1 =	slt.u32 s9, $0xF7A;
	s5 =	simm.s32 @!p2 $0x0  }
0x1d: {  	s5 =	simm.s32 @p1 $0x1;
	p0 =	seq.s32 s7, s2  }
0x1e: {  	s7 =	smul.u32 @!p0 $0xF7A, s2;
	p2 =	seq.s32 @!p0 s5, $0x0  }
0x1f: {  	s9 =	smul.u32 $0xF7A, s1;
	s8 =	simm.s32 @!p0 $0x1BF5;
	p2 =	por !p2, p0  }
0x20: {  	[sflag:s8] =	ssyncset.s32 @!p0 $0xFFFFF086;
	s6 =	sadd.s32 @!p0 s3, s7;
	s7 =	simm.s32 @!p0 $0x108  }
0x21: {  	s3 =	sadd.s32 s3, s9;
	s6 =	sadd.s32 @!p0 $0x88, s6;
	s7 =	simm.s32 @p2 $0x1082  }
0x22: {  	[simem:s7], [sflag:s8] =	dma.local @!p0 [hbm:s6], $0xF7A  }
0x23: {  	s9 =	sor.u32 $0xD0000000, s2;
	s6 =	simm.s32 $0x108;
	_ =	swait.ge @!p0 [sflag:s8], $0x0  }
0x24: {  	s3 =	sadd.s32 $0x88, s3;
	s6 =	simm.s32 @!p1 $0x1082;
	[sflag:s4] =	ssyncset.s32 $0xFFFFF086  }
0x25: {  	[simem:s6], [sflag:s4] =	dma.local [hbm:s3], $0xF7A  }
0x26: {  	[smem:$0x3F99] =	sst s1;
	(tag) =	ssettag s2;
	_ =	strace s9  }
0x27: {  	s1 =	sld [smem:$0x3FA9]  }
0x28: {  	s2 =	sld [smem:$0x3FAA]  }
0x29: {  	s4 =	sld [smem:$0x3FAC]  }
0x2a: {  	p0 =	seq.s32 s5, $0x0;
	s5 =	sld [smem:$0x3FAD]  }
0x2b: {  	s6 =	sld [smem:$0x3FAE]  }
0x2c: {  	s7 =	sld [smem:$0x3FAF]  }
0x2d: {  	s3 =	simm.s32 $0x108;
	s8 =	sld [smem:$0x3FB0]  }
0x2e: {  	s3 =	simm.s32 @!p0 $0x1082;
	s9 =	sld [smem:$0x3FB1]  }
0x2f: {  	lr =	sadd.s32 s0, s3;
	s0 =	sld [smem:$0x3FA8]  }
0x30: {  	s3 =	sld [smem:$0x3FAB]  }
0x31: {  	[smem:$0x3FB4] =	sst s10  }
0x32: {  	s10 =	sld [smem:$0x3FB2];
	_ =	sdelay $0x3  }
0x33: {  	p0 =	seq.s32 s10, $0x1;
	s10 =	sld [smem:$0x3FB4];
	_ =	sdelay $0x3  }
0x34: {  	[smem:$0x3FB4] =	sst s10  }
0x35: {  	s10 =	sld [smem:$0x3FB3];
	_ =	sdelay $0x3  }
0x36: {  	p1 =	seq.s32 s10, $0x1;
	s10 =	sld [smem:$0x3FB4];
	_ =	sdelay $0x3  }
0x37: {  	[smem:$0x3FB4] =	sst s10  }
0x38: {  	s10 =	sld [smem:$0x3FB5]  }
0x39: {  	_ = 	snop;
	(pc) =	sbr.ind lr, $3  }
0x3a: {  	_ = 	snop  }
0x3b: {  	_ = 	snop  }
0x3c: {  	p2 =	seq.s32 s10, $0x1;
	s10 =	sld [smem:$0x3FB4]  }
0x3d: {  	_ =	shalt  }
0x3e: {  	_ =	shalt  }
0x3f: {  	_ =	shalt  }
0x40: {  	_ =	shalt  }
0x41: {  	_ =	shalt  }
0x42: {  	_ =	shalt  }
0x43: {  	_ =	shalt  }
0x44: {  	_ =	shalt  }
0x45: {  	_ =	shalt  }
0x46: {  	_ =	shalt  }
0x47: {  	_ =	shalt  }
0x48: {  	_ =	shalt  }
0x49: {  	_ =	shalt  }
0x4a: {  	_ =	shalt  }
0x4b: {  	_ =	shalt  }
0x4c: {  	_ =	shalt  }
0x4d: {  	_ =	shalt  }
0x4e: {  	_ =	shalt  }
0x4f: {  	_ =	shalt  }
0x50: {  	_ =	shalt  }
0x51: {  	_ =	shalt  }
0x52: {  	_ =	shalt  }
0x53: {  	_ =	shalt  }
0x54: {  	_ =	shalt  }
0x55: {  	_ =	shalt  }
0x56: {  	_ =	shalt  }
0x57: {  	_ =	shalt  }
0x58: {  	_ =	shalt  }
0x59: {  	_ =	shalt  }
0x5a: {  	_ =	shalt  }
0x5b: {  	_ =	shalt  }
0x5c: {  	_ =	shalt  }
0x5d: {  	_ =	shalt  }
0x5e: {  	_ =	shalt  }
0x5f: {  	_ =	shalt  }
0x60: {  	_ =	shalt  }
0x61: {  	_ =	shalt  }
0x62: {  	_ =	shalt  }
0x63: {  	_ =	shalt  }
0x64: {  	_ =	shalt  }
0x65: {  	_ =	shalt  }
0x66: {  	_ =	shalt  }
0x67: {  	_ =	shalt  }
0x68: {  	_ =	shalt  }
0x69: {  	_ =	shalt  }
0x6a: {  	_ =	shalt  }
0x6b: {  	_ =	shalt  }
0x6c: {  	_ =	shalt  }
0x6d: {  	_ =	shalt  }
0x6e: {  	_ =	shalt  }
0x6f: {  	_ =	shalt  }
0x70: {  	_ =	shalt  }
0x71: {  	_ =	shalt  }
0x72: {  	_ =	shalt  }
0x73: {  	_ =	shalt  }
0x74: {  	_ =	shalt  }
0x75: {  	_ =	shalt  }
0x76: {  	_ =	shalt  }
0x77: {  	_ =	shalt  }
0x78: {  	_ =	shalt  }
0x79: {  	_ =	shalt  }
0x7a: {  	_ =	shalt  }
0x7b: {  	_ =	shalt  }
0x7c: {  	_ =	shalt  }
0x7d: {  	_ =	shalt  }
0x7e: {  	_ =	shalt  }
0x7f: {  	_ =	shalt  }
0x80: {  	_ =	shalt  }
0x81: {  	_ =	shalt  }
0x82: {  	_ =	shalt  }
0x83: {  	_ =	shalt  }
0x84: {  	_ =	shalt  }
0x85: {  	_ =	shalt  }
0x86: {  	_ =	shalt  }
0x87: {  	_ =	shalt  }
.Lfunc_end0:
.L_simem_size_0:
called_computation.1_lowered:
.L_overlay_start_0:
0x88: {  	s2 =	sld [smem:$0x3FD9]  }
0x89: {  	s3 =	sld [smem:$0x3FFE];
	_ =	sdelay $0x1  }
0x8a: {  	s1 =	srdreg.scid  }
0x8b: {  	s0 =	sand.u32 $0x1, s1  }
0x8c: {  	s16 =	sshll.u32 s0, $0xA;
	s2 =	sadd.s32 s3, s2  }
0x8d: {  	s2 =	sadd.s32 s2, s16  }
0x8e: {  	[smem:$0x3FC0] =	sst s2  }
0x8f: {  	_ = 	snop  }
0x90: {  	(tm) =	ssettm $0x1  }
0x91: {  	s17 =	sld [smem:$0x3FFB];
	_ =	sdelay $0x3  }
0x92: {  	_ =	strace s17  }
0x93: {  	s2 =	sld [smem:$0x3FFC];
	_ =	sdelay $0x3  }
0x94: {  	_ =	strace s2  }
0x95: {  	s2 =	sld [smem:$0x3FFD];
	_ =	sdelay $0x3  }
0x96: {  	_ =	strace s2  }
0x97: {  	_ =	strace $0x8FFFFFFF  }
0x98: {  	s18 =	sld [smem:$0x3FDB];
	_ =	sdelay $0x1  }
0x99: {  	s19 =	simm.s32 $_scs_section_size  }
0x9a: {  	s4 =	simm.s32 $_size__tile_overlayer_lowered;
	s5 =	simm.s32 $_tile_overlayer_lowered  }
0x9b: {  	s22 =	simm.s32 $0x1BFF;
	s21 =	sshll.u32 s5, $0x1;
	s2 =	sadd.s32 s19, s18  }
0x9c: {  	s6 =	simm.s32 $0x0;
	s20 =	sshll.u32 s4, $0x1;
	s4 =	sadd.s32 s21, s2  }
0x9d: {  	[timem:s6], [sflag:s22] =	dma.local [hbm:s4], s20  }
0x9e: {  	_ =	swait.ge [sflag:s22], s20  }
0x9f: {  	s3 =	ssub.s32 $0x0, s20;
	[sflag:s22] =	ssyncset.done $0x0  }
0xa0: {  	[sflag:s22] =	ssyncadd.s32 s3;
	_ =	sdelay $0x1  }
0xa1: {  	s23 =	simm.s32 $0x1B8B  }
0xa2: {  	_ =	swait.ge [sflag:s23], $0x1  }
0xa3: {  	[sflag:s23] =	ssyncset.done $0x0  }
0xa4: {  	s25 =	simm.s32 $0x1B8E;
	s24 =	sld [smem:$0x3FFE];
	[sflag:s23] =	ssyncadd.s32 $0xFFFFFFFF  }
0xa5: {  	s26 =	simm.s32 $execute0_lowered;
	[smem:$0x3FD2] =	sst s25  }
0xa6: {  	s4 =	sshll.u32 s26, $0x1;
	_ =	strace $0x80000049;
	[dreg:$0x1] =	wrdreg $0xFFFFFFFF  }
0xa7: {  	s28 =	simm.s32 $_size_execute0_lowered;
	s2 =	sadd.s32 s2, s4;
	[dreg:$0x0] =	wrdreg $0x0  }
0xa8: {  	s4 =	sshll.u32 s28, $0x1;
	[dreg:$0x2] =	wrdreg s2  }
0xa9: {  	[dreg:$0x3] =	wrdreg s4  }
0xaa: {  	[dreg:$0x4] =	wrdreg $0xC0  }
0xab: {  	_ =	task [dreg:s6], $0x5FFFF  }
0xac: {  	[dreg:$0x1] =	wrdreg $0xFFFFFFFF  }
0xad: {  	[dreg:$0x0] =	wrdreg $0x60  }
0xae: {  	[dreg:$0x2] =	wrdreg s24  }
0xaf: {  	[dreg:$0x3] =	wrdreg $0xBC000  }
0xb0: {  	[dreg:$0x4] =	wrdreg $0x9  }
0xb1: {  	_ =	task.clear_ibuf [dreg:s6], $0x5FFFF;
	_ =	strace $0x90000049  }
0xb2: {  	s29 =	simm.s32 $0x9;
	_ =	strace $0x8000004B  }
0xb3: {  	_ =	swait.ge [sflag:s29], $0x1  }
0xb4: {  	[sflag:s29] =	ssyncadd.s32 $0xFFFFFFFF  }
0xb5: {  	_ =	strace $0x9000004B  }
0xb6: {  	_ =	sfence  }
0xb7: {  	s30 =	sld [smem:$0x0];
	_ =	sdelay $0x2  }
0xb8: {  	s31 =	sshll.u32 s1, $0xD;
	s1 =	sshrl.u32 s1, $0x2  }
0xb9: {  	s3 =	sand.u32 $0x4000, s31;
	s1 =	sadd.s32 s1, s30  }
0xba: {  	s0 =	sor.u32 s3, s0;
	s1 =	sshll.u32 s1, $0x11  }
0xbb: {  	s0 =	sor.u32 s1, s0  }
0xbc: {  	s0 =	sadd.s32 $0x8F2B, s0  }
0xbd: {  	[sflag:s0] =	ssyncadd.remote.s32 $0x1  }
0xbe: {  	_ =	sfence.sel $0xFFFF  }
0xbf: {  	[dreg:$0x0] =	wrdreg $0xFFFFFFFF;
	(pc) =	sbr.abs _section_cstart, $3  }
0xc0: {  	[dreg:$0x1] =	wrdreg $0xFFFFFFFF  }
0xc1: {  	_ =	task.clear_ibuf [dreg:s6], $0x2FFFF;
	_ =	strace $0x9FFFFFFF  }
0xc2: {  	(tm) =	ssettm $0x7FFFFFFF  }
0xc3: {  	_ =	shalt  }
tec
execute0_lowered:
.L_overlay_start_1:
0x0: {  	(tag) =	ssettag $0x1  }
0x1: {  	s0 =	rddreg [dreg:$0x0];
	s1 =	srdreg.scid  }
0x2: {  	s2 =	rddreg [dreg:$0x1];
	s10 =	stileid.u32;
	s3 =	simm.s32 $0x0  }
0x3: {  	s28 =	simm.s32 $0x50;
	s30 =	simm.s32 $0x6C00;
	s31 =	simm.s32 $0x9400  }
0x4: {  	s29 =	simm.s32 $0x2;
	s1 =	sand.u32 $0x1, s1;
	s5 =	smul.u32 $0x14000, s10  }
0x5: {  	[smem:$0x7FF] =	sst s3;
	s8 =	sshll.u32 s10, $0xF;
	s13 =	smul.u32 $0x50000, s10  }
0x6: {  	s4 =	smul.u32 $0x140000, s1;
	s7 =	ssub.s32 $0x2, s1;
	s1 =	sshll.u32 s1, $0xE  }
0x7: {  	_ =	strace $0x8000004A;
	s9 =	sshrl.u32 s7, $0x1;
	s1 =	sor.u32 s1, s8  }
0x8: {  	s6 =	sadd.s32 s5, s4;
	s5 =	sadd.s32 $0x2600, s0;
	s8 =	sshrl.u32 s1, $0x3  }
0x9: {  	s4 =	sadd.s32 $0x22600, s0;
	s7 =	ssub.s32 s7, s9;
	s14 =	sadd.s32 s5, s8  }
0xa: {  	s6 =	sshrl.u32 s6, $0x3;
	s18 =	smax.u32 s7, $0x1;
	[dreg:$0x3] =	wrdreg s14  }
0xb: {  	s0 =	sadd.s32 s6, s0;
	s16 =	sadd.s32 $0x10010, s14;
	[dreg:$0x9] =	wrdreg s18  }
0xc: {  	s6 =	sor.u32 $0x80000, s1;
	s17 =	sadd.s32 $0x10020, s14;
	[dreg:$0x5] =	wrdreg s16  }
0xd: {  	s1 =	sshrl.u32 s13, $0x2;
	[dreg:$0x6] =	wrdreg s17;
	s0 =	sadd.s32 $0x49800, s0  }
0xe: {  	s15 =	sshrl.u32 s6, $0x3;
	s19 =	sadd.s32 s1, s2;
	[dreg:$0x7] =	wrdreg s0  }
0xf: {  	s11 =	simm.s32 $0x3;
	s8 =	sadd.s32 s5, s15;
	[dreg:$0x8] =	wrdreg s19  }
0x10: {  	s10 =	simm.s32 $0x5;
	s20 =	sadd.s32 $0x2800, s19;
	[dreg:$0x4] =	wrdreg s8  }
0x11: {  	s13 =	simm.s32 $0x9;
	s21 =	sadd.s32 $0x5000, s19;
	[dreg:$0xa] =	wrdreg s20  }
0x12: {  	s14 =	simm.s32 $0x6;
	s22 =	sadd.s32 $0x7800, s19;
	[dreg:$0xb] =	wrdreg s21  }
0x13: {  	s18 =	simm.s32 $0xC;
	s23 =	sadd.s32 $0xA000, s19;
	[dreg:$0xc] =	wrdreg s22  }
0x14: {  	s16 =	simm.s32 $0xB;
	s24 =	sadd.s32 $0xC800, s19;
	[dreg:$0xd] =	wrdreg s23  }
.Ltmp0:
0x15: {  	s25 =	sadd.s32 $0xF000, s19;
	[dreg:$0xe] =	wrdreg s24;
	(pc) =	sbr.rel .LBB2_1-.Ltmp0, $4  }
0x16: {  	s1 =	simm.s32 $0x0;
	s26 =	sadd.s32 $0x11800, s19;
	[dreg:$0xf] =	wrdreg s25  }
0x17: {  	s15 =	simm.s32 $0xA;
	[dreg:$0x10] =	wrdreg s26;
	s21 =	simm.s32 $0x4000  }
0x18: {  	s22 =	simm.s32 $0x4080;
	s23 =	simm.s32 $0x4100;
	s24 =	simm.s32 $0x4400  }
0x19: {  	v0 =	vimm.f32 $0.0e+00;
	s25 =	simm.s32 $0x4;
	s26 =	simm.s32 $0x1;
	s8 =	simm.s32 $0x8  }
.LBB2_6:
0x1a: {  	_ =	swait.ge [sflag:s29], $0x2800  }
0x1b: {  	[sflag:s29] =	ssyncset.done $0x0  }
0x1c: {  	[sflag:s29] =	ssyncadd.s32 $0xFFFFD800  }
0x1d: {  	_ =	swait.ge [sflag:s16], $0x80  }
0x1e: {  	[sflag:s16] =	ssyncset.done $0x0  }
0x1f: {  	[sflag:s16] =	ssyncadd.s32 $0xFFFFFF80  }
0x20: {  	[spmem:s2] =	stream.indirect.scatter.add.f32 [tilespmem:s30], [sflag:$0x5], $0x80, s0, s28, $0xb8;
	[tilespmem:$0x1FC00] =	vst v63  }
0x21: {  	_ =	swait.ge [sflag:s11], $0x2800  }
0x22: {  	[sflag:s11] =	ssyncset.done $0x0  }
0x23: {  	[sflag:s11] =	ssyncadd.s32 $0xFFFFD800  }
0x24: {  	_ =	swait.ge [sflag:s25], $0x2800  }
0x25: {  	[sflag:s25] =	ssyncset.done $0x0  }
0x26: {  	[sflag:s25] =	ssyncadd.s32 $0xFFFFD800  }
0x27: {  	_ =	swait.ge [sflag:s10], $0x2800  }
0x28: {  	[sflag:s10] =	ssyncset.done $0x0  }
0x29: {  	[sflag:s10] =	ssyncadd.s32 $0xFFFFD800  }
0x2a: {  	s7 =	stileid.u32;
	[bflag:$0x0] =	sbarrier.arrive $0xFFFF  }
0x2b: {  	s22 =	simm.s32 $0xD;
	s7 =	sshll.u32 s7, $0x6;
	s19 =	rddreg [dreg:$0x8]  }
0x2c: {  	s7 =	sor.u32 $0x1C0D, s7;
	s17 =	rddreg [dreg:$0x7];
	s12 =	sshrl.u32 s19, $0x3  }
0x2d: {  	[hbm:s17], [sflag:s7] =	dma.local [spmem:s12], $0x2800  }
0x2e: {  	_ =	swait.ge [sflag:s22], $0x2800  }
0x2f: {  	s1 =	rddreg [dreg:$0x11]  }
0x30: {  	s23 =	rddreg [dreg:$0x9];
	s1 =	sadd.s32 $0x1, s1  }
0x31: {  	p0 =	sne.s32 s1, s23  }
.Ltmp1:
0x32: {  	_ = 	snop;
	(pc) =	sbr.rel @!p0 .LBB2_7-.Ltmp1, $3  }
0x33: {  	_ =	sdelay $0x1  }
0x34: {  	s21 =	simm.s32 $0x4000;
	[sflag:s22] =	ssyncset.done $0x0  }
0x35: {  	[sflag:s22] =	ssyncadd.s32 $0xFFFFD800;
	s22 =	simm.s32 $0x4080;
	s23 =	simm.s32 $0x4100  }
.LBB2_1:
0x36: {  	s7 =	rddreg [dreg:$0x3]  }
0x37: {  	[tilespmem:s3], [sflag:$0x1] =	stream.linear.gather [hbm4b:s7+s3], $0x3E80, $0x38;
	[tilespmem:$0x1FC00] =	vst v63  }
0x38: {  	s9 =	rddreg [dreg:$0x4]  }
0x39: {  	[tilespmem:s21], [sflag:$0x7] =	stream.linear.gather [hbm4b:s9+s3], $0x80, $0x38;
	[tilespmem:$0x1FC00] =	vst v63  }
0x3a: {  	s12 =	rddreg [dreg:$0x5]  }
0x3b: {  	[tilespmem:s22], [sflag:$0x8] =	stream.linear.gather [hbm4b:s12+s3], $0x80, $0x38;
	[tilespmem:$0x1FC00] =	vst v63  }
0x3c: {  	s17 =	rddreg [dreg:$0x6];
	s20 =	sand.u32 $0xFE00, s3  }
0x3d: {  	[tilespmem:s23], [sflag:$0x9] =	stream.linear.gather [hbm4b:s17+s3], $0x80, $0x38;
	[tilespmem:$0x1FC00] =	vst v63  }
0x3e: {  	[dreg:$0x11] =	wrdreg s1;
	s12 =	sand.u32 $0x70, s3;
	s17 =	sshrl.u32 s20, $0x2  }
0x3f: {  	s7 =	simm.s32 $0x40;
	s12 =	sor.u32 s12, s17;
	s17 =	simm.s32 $0x0  }
.LBB2_2:
0x40: {  	p0 =	sne.s32 s7, $0x9FC0  }
0x41: {  	[tilespmem:s12+$0x4400] =	vst v0;
	s17 =	sadd.s32 $0x10, s17;
	s12 =	smov.u32 s7;
	s7 =	sadd.s32 $0x40, s7  }
.Ltmp2:
0x42: {  	(pc) =	sbr.rel @p0 .LBB2_2-.Ltmp2, $4  }
0x43: {  	_ = 	snop  }
0x44: {  	s12 =	sand.u32 $0xFE00, s12  }
0x45: {  	s20 =	sand.u32 $0x70, s17;
	s12 =	sshrl.u32 s12, $0x2  }
0x46: {  	s12 =	sor.u32 s20, s12  }
0x47: {  	[tilespmem:s12+$0x4400] =	vst v0  }
0x48: {  	[spmem:s19] =	stream.linear.scatter [tilespmem:s24], [sflag:$0x4], $0x2800, $0x38;
	[tilespmem:$0x1FC00] =	vst v63  }
0x49: {  	s7 =	rddreg [dreg:$0xa]  }
0x4a: {  	[spmem:s7] =	stream.linear.scatter [tilespmem:s24], [sflag:$0x4], $0x2800, $0x38;
	[tilespmem:$0x1FC00] =	vst v63  }
0x4b: {  	s1 =	rddreg [dreg:$0xb]  }
0x4c: {  	[spmem:s1] =	stream.linear.scatter [tilespmem:s24], [sflag:$0x4], $0x2800, $0x38;
	[tilespmem:$0x1FC00] =	vst v63  }
0x4d: {  	s9 =	rddreg [dreg:$0xc]  }
0x4e: {  	[spmem:s9] =	stream.linear.scatter [tilespmem:s24], [sflag:$0x4], $0x2800, $0x38;
	[tilespmem:$0x1FC00] =	vst v63  }
0x4f: {  	s12 =	rddreg [dreg:$0xd]  }
0x50: {  	[spmem:s12] =	stream.linear.scatter [tilespmem:s24], [sflag:$0x4], $0x2800, $0x38;
	[tilespmem:$0x1FC00] =	vst v63  }
0x51: {  	s17 =	rddreg [dreg:$0xe]  }
0x52: {  	[spmem:s17] =	stream.linear.scatter [tilespmem:s24], [sflag:$0x4], $0x2800, $0x38;
	[tilespmem:$0x1FC00] =	vst v63  }
0x53: {  	s19 =	rddreg [dreg:$0xf]  }
0x54: {  	[spmem:s19] =	stream.linear.scatter [tilespmem:s24], [sflag:$0x4], $0x2800, $0x38;
	[tilespmem:$0x1FC00] =	vst v63  }
0x55: {  	s20 =	rddreg [dreg:$0x10]  }
0x56: {  	[spmem:s20] =	stream.linear.scatter [tilespmem:s24], [sflag:$0x4], $0x2800, $0x38;
	[tilespmem:$0x1FC00] =	vst v63  }
0x57: {  	_ =	swait.ge [sflag:s25], $0x2800  }
0x58: {  	[sflag:s25] =	ssyncset.done $0x0  }
0x59: {  	[sflag:s25] =	ssyncadd.s32 $0xFFFFD800  }
0x5a: {  	_ =	swait.ge [sflag:s25], $0x2800  }
0x5b: {  	[sflag:s25] =	ssyncset.done $0x0  }
0x5c: {  	[sflag:s25] =	ssyncadd.s32 $0xFFFFD800  }
0x5d: {  	_ =	swait.ge [sflag:s25], $0x2800  }
0x5e: {  	[sflag:s25] =	ssyncset.done $0x0  }
0x5f: {  	[sflag:s25] =	ssyncadd.s32 $0xFFFFD800  }
0x60: {  	_ =	swait.ge [sflag:s25], $0x2800  }
0x61: {  	[sflag:s25] =	ssyncset.done $0x0  }
0x62: {  	[sflag:s25] =	ssyncadd.s32 $0xFFFFD800  }
0x63: {  	_ =	swait.ge [sflag:s25], $0x2800  }
0x64: {  	[sflag:s25] =	ssyncset.done $0x0  }
0x65: {  	[sflag:s25] =	ssyncadd.s32 $0xFFFFD800  }
0x66: {  	_ =	swait.ge [sflag:s25], $0x2800  }
0x67: {  	[sflag:s25] =	ssyncset.done $0x0  }
0x68: {  	[sflag:s25] =	ssyncadd.s32 $0xFFFFD800  }
0x69: {  	_ =	swait.ge [sflag:s25], $0x2800  }
0x6a: {  	[sflag:s25] =	ssyncset.done $0x0  }
0x6b: {  	[sflag:s25] =	ssyncadd.s32 $0xFFFFD800  }
0x6c: {  	_ =	swait.ge [sflag:s25], $0x2800  }
0x6d: {  	[sflag:s25] =	ssyncset.done $0x0  }
0x6e: {  	[sflag:s25] =	ssyncadd.s32 $0xFFFFD800  }
0x6f: {  	_ =	swait.ge [sflag:s26], $0x3E80  }
0x70: {  	[sflag:s26] =	ssyncset.done $0x0  }
0x71: {  	[sflag:s26] =	ssyncadd.s32 $0xFFFFC180  }
0x72: {  	s17 =	simm.s32 $0x0;
	[bflag:$0x0] =	sbarrier.arrive $0xFFFF  }
0x73: {  	[tilespmem:s24], [sflag:$0x1] =	stream.indirect.gather [hbm4b:s4+s28], $0x80, s17, s28, $0xb8;
	[tilespmem:$0x1FC00] =	vst v63  }
0x74: {  	s0 =	simm.s32 $0x4200;
	s7 =	simm.s32 $0x380;
	s1 =	simm.s32 $0x80  }
0x75: {  	[tilespmem:s30], [sflag:$0x2] =	stream.indirect.gather [hbm4b:s4+s28], $0x80, s1, s28, $0xb8;
	[tilespmem:$0x1FC00] =	vst v63  }
.LBB2_4:
0x76: {  	p0 =	seq.s32 s17, $0x0  }
0x77: {  	s12 =	simm.s32 @!p0 $0x6  }
0x78: {  	_ =	swait.ge @!p0 [sflag:s12], $0x2800  }
0x79: {  	[sflag:s12] =	ssyncset.done @!p0 $0x0  }
0x7a: {  	s20 =	sadd.s32 $0xFFFFFD80, s7;
	[sflag:s12] =	ssyncadd.s32 @!p0 $0xFFFFD800  }
0x7b: {  	[tilespmem:s31], [sflag:$0x3] =	stream.indirect.gather [hbm4b:s4+s28], $0x80, s20, s28, $0xb8;
	[tilespmem:$0x1FC00] =	vst v63  }
0x7c: {  	_ =	swait.ge [sflag:s26], $0x2800  }
0x7d: {  	[sflag:s26] =	ssyncset.done $0x0  }
0x7e: {  	s1 =	simm.s32 $0x7;
	[sflag:s26] =	ssyncadd.s32 $0xFFFFD800  }
0x7f: {  	_ =	swait.ge [sflag:s1], $0x80  }
0x80: {  	[sflag:s1] =	ssyncset.done $0x0  }
0x81: {  	[sflag:s1] =	ssyncadd.s32 $0xFFFFFF80  }
0x82: {  	[spmem:s2] =	stream.indirect.scatter.add.f32 [tilespmem:s24], [sflag:$0x4], $0x80, s21, s28, $0xb8;
	[tilespmem:$0x1FC00] =	vst v63  }
0x83: {  	s21 =	sadd.s32 $0x180, s17  }
0x84: {  	s20 =	sand.u32 $0xFC00, s21  }
0x85: {  	s12 =	sand.u32 $0x380, s21;
	s20 =	sadd.s32 s6, s20  }
0x86: {  	s12 =	sor.u32 s12, s20  }
0x87: {  	s12 =	sshrl.u32 s12, $0x3  }
0x88: {  	s9 =	simm.s32 $0x4180;
	s12 =	sadd.s32 s5, s12  }
0x89: {  	[tilespmem:s9], [sflag:$0xA] =	stream.linear.gather [hbm4b:s12+s3], $0x80, $0x38;
	[tilespmem:$0x1FC00] =	vst v63  }
0x8a: {  	_ =	swait.ge [sflag:s25], $0x2800  }
0x8b: {  	[sflag:s25] =	ssyncset.done $0x0  }
0x8c: {  	s1 =	sadd.s32 $0xFFFFFE00, s7;
	[sflag:s25] =	ssyncadd.s32 $0xFFFFD800  }
0x8d: {  	[tilespmem:s24], [sflag:$0x1] =	stream.indirect.gather [hbm4b:s4+s28], $0x80, s1, s28, $0xb8;
	[tilespmem:$0x1FC00] =	vst v63  }
0x8e: {  	_ =	swait.ge [sflag:s29], $0x2800  }
0x8f: {  	s19 =	sadd.s32 $0x200, s17;
	[sflag:s29] =	ssyncset.done $0x0  }
0x90: {  	s21 =	sand.u32 $0xFC00, s19;
	[sflag:s29] =	ssyncadd.s32 $0xFFFFD800  }
0x91: {  	s20 =	sadd.s32 s6, s21;
	s12 =	sand.u32 $0x300, s19;
	_ =	swait.ge [sflag:s8], $0x80  }
0x92: {  	s12 =	sor.u32 s12, s20;
	[sflag:s8] =	ssyncset.done $0x0  }
0x93: {  	s12 =	sshrl.u32 s12, $0x3;
	[sflag:s8] =	ssyncadd.s32 $0xFFFFFF80  }
0x94: {  	[spmem:s2] =	stream.indirect.scatter.add.f32 [tilespmem:s30], [sflag:$0x5], $0x80, s22, s28, $0xb8;
	[tilespmem:$0x1FC00] =	vst v63  }
0x95: {  	s12 =	sadd.s32 s5, s12  }
0x96: {  	[tilespmem:s0], [sflag:$0xB] =	stream.linear.gather [hbm4b:s12+s3], $0x80, $0x38;
	[tilespmem:$0x1FC00] =	vst v63  }
0x97: {  	_ =	swait.ge [sflag:s10], $0x2800  }
0x98: {  	[sflag:s10] =	ssyncset.done $0x0  }
0x99: {  	s22 =	sadd.s32 $0xFFFFFE80, s7;
	[sflag:s10] =	ssyncadd.s32 $0xFFFFD800  }
0x9a: {  	[tilespmem:s30], [sflag:$0x2] =	stream.indirect.gather [hbm4b:s4+s28], $0x80, s22, s28, $0xb8;
	[tilespmem:$0x1FC00] =	vst v63  }
0x9b: {  	p0 =	seq.s32 s17, $0x3C00;
	_ =	swait.ge [sflag:s11], $0x2800  }
0x9c: {  	s12 =	sadd.s32 @!p0 $0x280, s17;
	[sflag:s11] =	ssyncset.done $0x0  }
0x9d: {  	s20 =	sand.u32 @!p0 $0xFC00, s12;
	[sflag:s11] =	ssyncadd.s32 $0xFFFFD800  }
0x9e: {  	s19 =	sand.u32 @!p0 $0x380, s12;
	s20 =	sadd.s32 @!p0 s6, s20;
	_ =	swait.ge [sflag:s13], $0x80  }
0x9f: {  	s19 =	sor.u32 @!p0 s19, s20;
	[sflag:s13] =	ssyncset.done $0x0  }
0xa0: {  	s19 =	sshrl.u32 @!p0 s19, $0x3;
	[sflag:s13] =	ssyncadd.s32 $0xFFFFFF80  }
0xa1: {  	[spmem:s2] =	stream.indirect.scatter.add.f32 [tilespmem:s31], [sflag:$0x6], $0x80, s23, s28, $0xb8;
	[tilespmem:$0x1FC00] =	vst v63  }
0xa2: {  	s21 =	simm.s32 @!p0 $0x4280;
	s20 =	simm.s32 @!p0 $0x0;
	s19 =	sadd.s32 @!p0 s5, s19  }
0xa3: {  	[tilespmem:s21], [sflag:$0xC] =	stream.linear.gather @!p0 [hbm4b:s19+s20], $0x80, $0x38;
	[tilespmem:$0x1FC00] =	vst v63  }
0xa4: {  	_ =	swait.ge [sflag:s14], $0x2800  }
0xa5: {  	[sflag:s14] =	ssyncset.done $0x0  }
0xa6: {  	s12 =	simm.s32 @p0 $0x0;
	[sflag:s14] =	ssyncadd.s32 $0xFFFFD800  }
0xa7: {  	[tilespmem:s31], [sflag:$0x3] =	stream.indirect.gather [hbm4b:s4+s28], $0x80, s12, s28, $0xb8;
	[tilespmem:$0x1FC00] =	vst v63  }
0xa8: {  	_ =	swait.ge [sflag:s26], $0x2800  }
0xa9: {  	[sflag:s26] =	ssyncset.done $0x0  }
.Ltmp3:
0xaa: {  	[sflag:s26] =	ssyncadd.s32 $0xFFFFD800;
	(pc) =	sbr.rel @p0 .LBB2_6-.Ltmp3, $4  }
0xab: {  	_ =	swait.ge [sflag:s15], $0x80  }
0xac: {  	s1 =	simm.s32 $0x4100;
	[sflag:s15] =	ssyncset.done $0x0  }
0xad: {  	s22 =	simm.s32 $0x4000;
	s23 =	simm.s32 $0x4080;
	[sflag:s15] =	ssyncadd.s32 $0xFFFFFF80  }
0xae: {  	[spmem:s2] =	stream.indirect.scatter.add.f32 [tilespmem:s24], [sflag:$0x4], $0x80, s9, s28, $0xb8;
	[tilespmem:$0x1FC00] =	vst v63  }
0xaf: {  	s12 =	sadd.s32 $0x300, s17  }
0xb0: {  	s19 =	sand.u32 $0xFC00, s12  }
0xb1: {  	s20 =	sand.u32 $0x300, s12;
	s19 =	sadd.s32 s6, s19  }
0xb2: {  	s19 =	sor.u32 s20, s19  }
0xb3: {  	s19 =	sshrl.u32 s19, $0x3  }
0xb4: {  	s19 =	sadd.s32 s5, s19  }
0xb5: {  	[tilespmem:s22], [sflag:$0x7] =	stream.linear.gather [hbm4b:s19+s3], $0x80, $0x38;
	[tilespmem:$0x1FC00] =	vst v63  }
0xb6: {  	_ =	swait.ge [sflag:s25], $0x2800  }
0xb7: {  	[sflag:s25] =	ssyncset.done $0x0  }
0xb8: {  	s22 =	sadd.s32 $0xFFFFFF80, s7;
	[sflag:s25] =	ssyncadd.s32 $0xFFFFD800  }
0xb9: {  	[tilespmem:s24], [sflag:$0x1] =	stream.indirect.gather [hbm4b:s4+s28], $0x80, s22, s28, $0xb8;
	[tilespmem:$0x1FC00] =	vst v63  }
0xba: {  	_ =	swait.ge [sflag:s29], $0x2800  }
0xbb: {  	s9 =	sadd.s32 $0x380, s17;
	[sflag:s29] =	ssyncset.done $0x0  }
0xbc: {  	s21 =	sand.u32 $0xFC00, s9;
	[sflag:s29] =	ssyncadd.s32 $0xFFFFD800  }
0xbd: {  	s20 =	sadd.s32 s6, s21;
	s19 =	sand.u32 $0x380, s9;
	_ =	swait.ge [sflag:s16], $0x80  }
0xbe: {  	s19 =	sor.u32 s19, s20;
	[sflag:s16] =	ssyncset.done $0x0  }
0xbf: {  	s19 =	sshrl.u32 s19, $0x3;
	[sflag:s16] =	ssyncadd.s32 $0xFFFFFF80  }
0xc0: {  	[spmem:s2] =	stream.indirect.scatter.add.f32 [tilespmem:s30], [sflag:$0x5], $0x80, s0, s28, $0xb8;
	[tilespmem:$0x1FC00] =	vst v63  }
0xc1: {  	s19 =	sadd.s32 s5, s19  }
0xc2: {  	[tilespmem:s23], [sflag:$0x8] =	stream.linear.gather [hbm4b:s19+s3], $0x80, $0x38;
	[tilespmem:$0x1FC00] =	vst v63  }
0xc3: {  	_ =	swait.ge [sflag:s10], $0x2800  }
0xc4: {  	[sflag:s10] =	ssyncset.done $0x0  }
0xc5: {  	[sflag:s10] =	ssyncadd.s32 $0xFFFFD800  }
0xc6: {  	[tilespmem:s30], [sflag:$0x2] =	stream.indirect.gather [hbm4b:s4+s28], $0x80, s7, s28, $0xb8;
	[tilespmem:$0x1FC00] =	vst v63  }
0xc7: {  	_ =	swait.ge [sflag:s11], $0x2800  }
0xc8: {  	s22 =	sadd.s32 $0x400, s17;
	[sflag:s11] =	ssyncset.done $0x0  }
0xc9: {  	s19 =	sand.u32 $0xFC00, s22;
	[sflag:s11] =	ssyncadd.s32 $0xFFFFD800  }
0xca: {  	s23 =	sand.u32 $0x300, s17;
	s19 =	sadd.s32 s6, s19;
	_ =	swait.ge [sflag:s18], $0x80  }
0xcb: {  	s9 =	simm.s32 $0x4280;
	s17 =	sor.u32 s23, s19;
	[sflag:s18] =	ssyncset.done $0x0  }
.Ltmp4:
0xcc: {  	s17 =	sshrl.u32 s17, $0x3;
	[sflag:s18] =	ssyncadd.s32 $0xFFFFFF80;
	(pc) =	sbr.rel .LBB2_4-.Ltmp4, $4  }
0xcd: {  	[spmem:s2] =	stream.indirect.scatter.add.f32 [tilespmem:s31], [sflag:$0x6], $0x80, s9, s28, $0xb8;
	[tilespmem:$0x1FC00] =	vst v63  }
0xce: {  	s21 =	simm.s32 $0x4000;
	s22 =	simm.s32 $0x4080;
	s17 =	sadd.s32 s5, s17  }
0xcf: {  	[tilespmem:s1], [sflag:$0x9] =	stream.linear.gather [hbm4b:s17+s3], $0x80, $0x38;
	[tilespmem:$0x1FC00] =	vst v63  }
0xd0: {  	s23 =	simm.s32 $0x4100;
	s7 =	sadd.s32 $0x300, s7;
	s17 =	smov.u32 s12  }
.LBB2_7:
0xd1: {  	_ =	sfence.sel $0x180000  }
0xd2: {  	[bflag:$0x0] =	sbarrier.arrive $0xFFFF  }
0xd3: {  	_ =	strace $0x9000004A  }
0xd4: {  	s0 =	stileid.u32;
	[bflag:$0x2] =	sbarrier.arrive $0xFFFF  }
0xd5: {  	p0 =	sne.s32 s0, $0x0;
	s0 =	rddreg [dreg:$0x2]  }
0xd6: {  	s0 =	sadd.s32 @!p0 $0x100000, s0  }
0xd7: {  	[sflag:s0] =	ssyncadd.tile.s32 @!p0 $0x1;
	_ =	shalt  }
.Lfunc_end2:
_tile_overlayer_lowered:
.L_overlay_start_2:
0xd8: {  	(tag) =	ssettag $0x2  }
0xd9: {  	s0 =	rddreg [dreg:$0x0];
	s2 =	stileid.u32  }
0xda: {  	s1 =	rddreg [dreg:$0x1];
	p0 =	sne.s32 s2, $0x0  }
0xdb: {  	s3 =	rddreg [dreg:$0x2];
	[bflag:$0x3] =	sbarrier.arrive $0xFFFF;
	s2 =	simm.s32 @!p0 $0x1C0D  }
0xdc: {  	[timem:s3], [sflag:s2] =	dma.local @!p0 [hbm:s0], s1  }
0xdd: {  	s0 =	simm.s32 @!p0 $0xD  }
0xde: {  	_ =	swait.ge @!p0 [sflag:s0], s1  }
0xdf: {  	s1 =	ssub.s32 @!p0 $0x0, s1;
	[sflag:s0] =	ssyncset.done @!p0 $0x0  }
0xe0: {  	[sflag:s0] =	ssyncadd.s32 @!p0 s1  }
0xe1: {  	[bflag:$0x3] =	sbarrier.arrive $0xFFFF  }
0xe2: {  	_ =	shalt  }

// kernel: kernel.14.cloned.1.call-start
scs
__scs_entry_jumppad:
0x0: {  	(pc) =	sbr.rel $0x88, $3  }
0x1: {  	(tag) =	ssettag $0x0;
	lr =	simm.s32 $0x1  }
0x2: {  	[smem:$0x3F99] =	sst lr;
	_ =	strace $0xD0000000  }
0x3: {  	_ = 	snop  }
0x4: {  	_ = 	snop  }
0x5: {  	_ = 	snop  }
0x6: {  	_ = 	snop  }
0x7: {  	_ = 	snop  }
__scs_overlays_trampoline_lowered:
0x8: {  	[smem:$0x3FA8] =	sst s0  }
0x9: {  	[smem:$0x3FA9] =	sst s1  }
0xa: {  	[smem:$0x3FAA] =	sst s2  }
0xb: {  	[smem:$0x3FAB] =	sst s3  }
0xc: {  	[smem:$0x3FAC] =	sst s4  }
0xd: {  	[smem:$0x3FAD] =	sst s5  }
0xe: {  	[smem:$0x3FAE] =	sst s6  }
0xf: {  	[smem:$0x3FAF] =	sst s7  }
0x10: {  	[smem:$0x3FB0] =	sst s8  }
0x11: {  	[smem:$0x3FB1] =	sst s9;
	s0 =	simm.s32 @!p0 $0x0  }
0x12: {  	s1 =	sld [smem:$0x3F97];
	s0 =	simm.s32 @p0 $0x1  }
0x13: {  	[smem:$0x3FB2] =	sst s0;
	s0 =	simm.s32 @!p1 $0x0  }
0x14: {  	s2 =	sld [smem:$0x3F96];
	s0 =	simm.s32 @p1 $0x1  }
0x15: {  	[smem:$0x3FB3] =	sst s0;
	s0 =	simm.s32 @!p2 $0x0  }
0x16: {  	s3 =	sld [smem:$0x3FDB];
	s0 =	simm.s32 @p2 $0x1  }
0x17: {  	s4 =	simm.s32 $0x1BF5;
	[smem:$0x3FB5] =	sst s0  }
0x18: {  	s0 =	sld [smem:$0x3F98];
	_ =	swait.ge [sflag:s4], $0x0  }
0x19: {  	s7 =	sld [smem:$0x3F99]  }
0x1a: {  	s8 =	sadd.s32 $0xFFFFE003, lr  }
0x1b: {  	s9 =	sadd.s32 $0xFFFFFEF7, lr;
	s5 =	simm.s32 $0xFFFFFFFF;
	p2 =	slt.u32 s8, $0xFFFFF086  }
0x1c: {  	p1 =	slt.u32 s9, $0xF7A;
	s5 =	simm.s32 @!p2 $0x0  }
0x1d: {  	s5 =	simm.s32 @p1 $0x1;
	p0 =	seq.s32 s7, s2  }
0x1e: {  	s7 =	smul.u32 @!p0 $0xF7A, s2;
	p2 =	seq.s32 @!p0 s5, $0x0  }
0x1f: {  	s9 =	smul.u32 $0xF7A, s1;
	s8 =	simm.s32 @!p0 $0x1BF5;
	p2 =	por !p2, p0  }
0x20: {  	[sflag:s8] =	ssyncset.s32 @!p0 $0xFFFFF086;
	s6 =	sadd.s32 @!p0 s3, s7;
	s7 =	simm.s32 @!p0 $0x108  }
0x21: {  	s3 =	sadd.s32 s3, s9;
	s6 =	sadd.s32 @!p0 $0x88, s6;
	s7 =	simm.s32 @p2 $0x1082  }
0x22: {  	[simem:s7], [sflag:s8] =	dma.local @!p0 [hbm:s6], $0xF7A  }
0x23: {  	s9 =	sor.u32 $0xD0000000, s2;
	s6 =	simm.s32 $0x108;
	_ =	swait.ge @!p0 [sflag:s8], $0x0  }
0x24: {  	s3 =	sadd.s32 $0x88, s3;
	s6 =	simm.s32 @!p1 $0x1082;
	[sflag:s4] =	ssyncset.s32 $0xFFFFF086  }
0x25: {  	[simem:s6], [sflag:s4] =	dma.local [hbm:s3], $0xF7A  }
0x26: {  	[smem:$0x3F99] =	sst s1;
	(tag) =	ssettag s2;
	_ =	strace s9  }
0x27: {  	s1 =	sld [smem:$0x3FA9]  }
0x28: {  	s2 =	sld [smem:$0x3FAA]  }
0x29: {  	s4 =	sld [smem:$0x3FAC]  }
0x2a: {  	p0 =	seq.s32 s5, $0x0;
	s5 =	sld [smem:$0x3FAD]  }
0x2b: {  	s6 =	sld [smem:$0x3FAE]  }
0x2c: {  	s7 =	sld [smem:$0x3FAF]  }
0x2d: {  	s3 =	simm.s32 $0x108;
	s8 =	sld [smem:$0x3FB0]  }
0x2e: {  	s3 =	simm.s32 @!p0 $0x1082;
	s9 =	sld [smem:$0x3FB1]  }
0x2f: {  	lr =	sadd.s32 s0, s3;
	s0 =	sld [smem:$0x3FA8]  }
0x30: {  	s3 =	sld [smem:$0x3FAB]  }
0x31: {  	[smem:$0x3FB4] =	sst s10  }
0x32: {  	s10 =	sld [smem:$0x3FB2];
	_ =	sdelay $0x3  }
0x33: {  	p0 =	seq.s32 s10, $0x1;
	s10 =	sld [smem:$0x3FB4];
	_ =	sdelay $0x3  }
0x34: {  	[smem:$0x3FB4] =	sst s10  }
0x35: {  	s10 =	sld [smem:$0x3FB3];
	_ =	sdelay $0x3  }
0x36: {  	p1 =	seq.s32 s10, $0x1;
	s10 =	sld [smem:$0x3FB4];
	_ =	sdelay $0x3  }
0x37: {  	[smem:$0x3FB4] =	sst s10  }
0x38: {  	s10 =	sld [smem:$0x3FB5]  }
0x39: {  	_ = 	snop;
	(pc) =	sbr.ind lr, $3  }
0x3a: {  	_ = 	snop  }
0x3b: {  	_ = 	snop  }
0x3c: {  	p2 =	seq.s32 s10, $0x1;
	s10 =	sld [smem:$0x3FB4]  }
0x3d: {  	_ =	shalt  }
0x3e: {  	_ =	shalt  }
0x3f: {  	_ =	shalt  }
0x40: {  	_ =	shalt  }
0x41: {  	_ =	shalt  }
0x42: {  	_ =	shalt  }
0x43: {  	_ =	shalt  }
0x44: {  	_ =	shalt  }
0x45: {  	_ =	shalt  }
0x46: {  	_ =	shalt  }
0x47: {  	_ =	shalt  }
0x48: {  	_ =	shalt  }
0x49: {  	_ =	shalt  }
0x4a: {  	_ =	shalt  }
0x4b: {  	_ =	shalt  }
0x4c: {  	_ =	shalt  }
0x4d: {  	_ =	shalt  }
0x4e: {  	_ =	shalt  }
0x4f: {  	_ =	shalt  }
0x50: {  	_ =	shalt  }
0x51: {  	_ =	shalt  }
0x52: {  	_ =	shalt  }
0x53: {  	_ =	shalt  }
0x54: {  	_ =	shalt  }
0x55: {  	_ =	shalt  }
0x56: {  	_ =	shalt  }
0x57: {  	_ =	shalt  }
0x58: {  	_ =	shalt  }
0x59: {  	_ =	shalt  }
0x5a: {  	_ =	shalt  }
0x5b: {  	_ =	shalt  }
0x5c: {  	_ =	shalt  }
0x5d: {  	_ =	shalt  }
0x5e: {  	_ =	shalt  }
0x5f: {  	_ =	shalt  }
0x60: {  	_ =	shalt  }
0x61: {  	_ =	shalt  }
0x62: {  	_ =	shalt  }
0x63: {  	_ =	shalt  }
0x64: {  	_ =	shalt  }
0x65: {  	_ =	shalt  }
0x66: {  	_ =	shalt  }
0x67: {  	_ =	shalt  }
0x68: {  	_ =	shalt  }
0x69: {  	_ =	shalt  }
0x6a: {  	_ =	shalt  }
0x6b: {  	_ =	shalt  }
0x6c: {  	_ =	shalt  }
0x6d: {  	_ =	shalt  }
0x6e: {  	_ =	shalt  }
0x6f: {  	_ =	shalt  }
0x70: {  	_ =	shalt  }
0x71: {  	_ =	shalt  }
0x72: {  	_ =	shalt  }
0x73: {  	_ =	shalt  }
0x74: {  	_ =	shalt  }
0x75: {  	_ =	shalt  }
0x76: {  	_ =	shalt  }
0x77: {  	_ =	shalt  }
0x78: {  	_ =	shalt  }
0x79: {  	_ =	shalt  }
0x7a: {  	_ =	shalt  }
0x7b: {  	_ =	shalt  }
0x7c: {  	_ =	shalt  }
0x7d: {  	_ =	shalt  }
0x7e: {  	_ =	shalt  }
0x7f: {  	_ =	shalt  }
0x80: {  	_ =	shalt  }
0x81: {  	_ =	shalt  }
0x82: {  	_ =	shalt  }
0x83: {  	_ =	shalt  }
0x84: {  	_ =	shalt  }
0x85: {  	_ =	shalt  }
0x86: {  	_ =	shalt  }
0x87: {  	_ =	shalt  }
.Lfunc_end0:
.L_simem_size_0:
called_computation.2_lowered:
.L_overlay_start_0:
0x88: {  	s2 =	sld [smem:$0x3FD9]  }
0x89: {  	s3 =	sld [smem:$0x3FFE];
	_ =	sdelay $0x1  }
0x8a: {  	s1 =	srdreg.scid  }
0x8b: {  	s0 =	sand.u32 $0x1, s1  }
0x8c: {  	s16 =	sshll.u32 s0, $0xA;
	s2 =	sadd.s32 s3, s2  }
0x8d: {  	s2 =	sadd.s32 s2, s16  }
0x8e: {  	[smem:$0x3FC0] =	sst s2  }
0x8f: {  	_ = 	snop  }
0x90: {  	(tm) =	ssettm $0x1  }
0x91: {  	s17 =	sld [smem:$0x3FFB];
	_ =	sdelay $0x3  }
0x92: {  	_ =	strace s17  }
0x93: {  	s2 =	sld [smem:$0x3FFC];
	_ =	sdelay $0x3  }
0x94: {  	_ =	strace s2  }
0x95: {  	s2 =	sld [smem:$0x3FFD];
	_ =	sdelay $0x3  }
0x96: {  	_ =	strace s2  }
0x97: {  	_ =	strace $0x8FFFFFFF  }
0x98: {  	s18 =	sld [smem:$0x3FDB];
	_ =	sdelay $0x1  }
0x99: {  	s19 =	simm.s32 $_scs_section_size  }
0x9a: {  	s4 =	simm.s32 $_size__tile_overlayer_lowered;
	s5 =	simm.s32 $_tile_overlayer_lowered  }
0x9b: {  	s22 =	simm.s32 $0x1BFF;
	s21 =	sshll.u32 s5, $0x1;
	s2 =	sadd.s32 s19, s18  }
0x9c: {  	s6 =	simm.s32 $0x0;
	s20 =	sshll.u32 s4, $0x1;
	s4 =	sadd.s32 s21, s2  }
0x9d: {  	[timem:s6], [sflag:s22] =	dma.local [hbm:s4], s20  }
0x9e: {  	_ =	swait.ge [sflag:s22], s20  }
0x9f: {  	s3 =	ssub.s32 $0x0, s20;
	[sflag:s22] =	ssyncset.done $0x0  }
0xa0: {  	[sflag:s22] =	ssyncadd.s32 s3;
	_ =	sdelay $0x1  }
0xa1: {  	s23 =	simm.s32 $0x1B8B  }
0xa2: {  	_ =	swait.ge [sflag:s23], $0x1  }
0xa3: {  	[sflag:s23] =	ssyncset.done $0x0  }
0xa4: {  	s25 =	simm.s32 $0x1B8E;
	s24 =	sld [smem:$0x3FFE];
	[sflag:s23] =	ssyncadd.s32 $0xFFFFFFFF  }
0xa5: {  	s26 =	simm.s32 $execute0_lowered;
	[smem:$0x3FD2] =	sst s25  }
0xa6: {  	s4 =	sshll.u32 s26, $0x1;
	_ =	strace $0x8000004C;
	[dreg:$0x1] =	wrdreg $0xFFFFFFFF  }
0xa7: {  	s28 =	simm.s32 $_size_execute0_lowered;
	s2 =	sadd.s32 s2, s4;
	[dreg:$0x0] =	wrdreg $0x0  }
0xa8: {  	s4 =	sshll.u32 s28, $0x1;
	[dreg:$0x2] =	wrdreg s2  }
0xa9: {  	[dreg:$0x3] =	wrdreg s4  }
0xaa: {  	[dreg:$0x4] =	wrdreg $0xC0  }
0xab: {  	_ =	task [dreg:s6], $0x5FFFF  }
0xac: {  	[dreg:$0x1] =	wrdreg $0xFFFFFFFF  }
0xad: {  	[dreg:$0x0] =	wrdreg $0x60  }
0xae: {  	[dreg:$0x2] =	wrdreg s24  }
0xaf: {  	[dreg:$0x3] =	wrdreg $0xBC000  }
0xb0: {  	[dreg:$0x4] =	wrdreg $0x9  }
0xb1: {  	_ =	task.clear_ibuf [dreg:s6], $0x5FFFF;
	_ =	strace $0x9000004C  }
0xb2: {  	s29 =	simm.s32 $0x9;
	_ =	strace $0x8000004E  }
0xb3: {  	_ =	swait.ge [sflag:s29], $0x1  }
0xb4: {  	[sflag:s29] =	ssyncadd.s32 $0xFFFFFFFF  }
0xb5: {  	_ =	strace $0x9000004E  }
0xb6: {  	_ =	sfence  }
0xb7: {  	s30 =	sld [smem:$0x0];
	_ =	sdelay $0x2  }
0xb8: {  	s31 =	sshll.u32 s1, $0xD;
	s1 =	sshrl.u32 s1, $0x2  }
0xb9: {  	s3 =	sand.u32 $0x4000, s31;
	s1 =	sadd.s32 s1, s30  }
0xba: {  	s0 =	sor.u32 s3, s0;
	s1 =	sshll.u32 s1, $0x11  }
0xbb: {  	s0 =	sor.u32 s1, s0  }
0xbc: {  	s0 =	sadd.s32 $0x8F2B, s0  }
0xbd: {  	[sflag:s0] =	ssyncadd.remote.s32 $0x1  }
0xbe: {  	_ =	sfence.sel $0xFFFF  }
0xbf: {  	[dreg:$0x0] =	wrdreg $0xFFFFFFFF;
	(pc) =	sbr.abs _section_cstart, $3  }
0xc0: {  	[dreg:$0x1] =	wrdreg $0xFFFFFFFF  }
0xc1: {  	_ =	task.clear_ibuf [dreg:s6], $0x2FFFF;
	_ =	strace $0x9FFFFFFF  }
0xc2: {  	(tm) =	ssettm $0x7FFFFFFF  }
0xc3: {  	_ =	shalt  }
tec
execute0_lowered:
.L_overlay_start_1:
0x0: {  	(tag) =	ssettag $0x1  }
0x1: {  	s0 =	rddreg [dreg:$0x0];
	s1 =	srdreg.scid  }
0x2: {  	s2 =	rddreg [dreg:$0x1];
	s10 =	stileid.u32;
	s3 =	simm.s32 $0x0  }
0x3: {  	s28 =	simm.s32 $0x50;
	s30 =	simm.s32 $0x6C00;
	s31 =	simm.s32 $0x9400  }
0x4: {  	s29 =	simm.s32 $0x2;
	s1 =	sand.u32 $0x1, s1;
	s5 =	smul.u32 $0x14000, s10  }
0x5: {  	[smem:$0x7FF] =	sst s3;
	s8 =	sshll.u32 s10, $0xF;
	s13 =	smul.u32 $0x50000, s10  }
0x6: {  	s4 =	smul.u32 $0x140000, s1;
	s7 =	ssub.s32 $0x2, s1;
	s1 =	sshll.u32 s1, $0xE  }
0x7: {  	_ =	strace $0x8000004D;
	s9 =	sshrl.u32 s7, $0x1;
	s1 =	sor.u32 s1, s8  }
0x8: {  	s6 =	sadd.s32 s5, s4;
	s5 =	sadd.s32 $0x2600, s0;
	s8 =	sshrl.u32 s1, $0x3  }
0x9: {  	s4 =	sadd.s32 $0x22600, s0;
	s7 =	ssub.s32 s7, s9;
	s14 =	sadd.s32 s5, s8  }
0xa: {  	s6 =	sshrl.u32 s6, $0x3;
	s18 =	smax.u32 s7, $0x1;
	[dreg:$0x3] =	wrdreg s14  }
0xb: {  	s0 =	sadd.s32 s6, s0;
	s16 =	sadd.s32 $0x10010, s14;
	[dreg:$0x9] =	wrdreg s18  }
0xc: {  	s6 =	sor.u32 $0x80000, s1;
	s17 =	sadd.s32 $0x10020, s14;
	[dreg:$0x5] =	wrdreg s16  }
0xd: {  	s1 =	sshrl.u32 s13, $0x2;
	[dreg:$0x6] =	wrdreg s17;
	s0 =	sadd.s32 $0x49800, s0  }
0xe: {  	s15 =	sshrl.u32 s6, $0x3;
	s19 =	sadd.s32 s1, s2;
	[dreg:$0x7] =	wrdreg s0  }
0xf: {  	s11 =	simm.s32 $0x3;
	s8 =	sadd.s32 s5, s15;
	[dreg:$0x8] =	wrdreg s19  }
0x10: {  	s10 =	simm.s32 $0x5;
	s20 =	sadd.s32 $0x2800, s19;
	[dreg:$0x4] =	wrdreg s8  }
0x11: {  	s13 =	simm.s32 $0x9;
	s21 =	sadd.s32 $0x5000, s19;
	[dreg:$0xa] =	wrdreg s20  }
0x12: {  	s14 =	simm.s32 $0x6;
	s22 =	sadd.s32 $0x7800, s19;
	[dreg:$0xb] =	wrdreg s21  }
0x13: {  	s18 =	simm.s32 $0xC;
	s23 =	sadd.s32 $0xA000, s19;
	[dreg:$0xc] =	wrdreg s22  }
0x14: {  	s16 =	simm.s32 $0xB;
	s24 =	sadd.s32 $0xC800, s19;
	[dreg:$0xd] =	wrdreg s23  }
.Ltmp0:
0x15: {  	s25 =	sadd.s32 $0xF000, s19;
	[dreg:$0xe] =	wrdreg s24;
	(pc) =	sbr.rel .LBB2_1-.Ltmp0, $4  }
0x16: {  	s1 =	simm.s32 $0x0;
	s26 =	sadd.s32 $0x11800, s19;
	[dreg:$0xf] =	wrdreg s25  }
0x17: {  	s15 =	simm.s32 $0xA;
	[dreg:$0x10] =	wrdreg s26;
	s21 =	simm.s32 $0x4000  }
0x18: {  	s22 =	simm.s32 $0x4080;
	s23 =	simm.s32 $0x4100;
	s24 =	simm.s32 $0x4400  }
0x19: {  	v0 =	vimm.f32 $0.0e+00;
	s25 =	simm.s32 $0x4;
	s26 =	simm.s32 $0x1;
	s8 =	simm.s32 $0x8  }
.LBB2_6:
0x1a: {  	_ =	swait.ge [sflag:s29], $0x2800  }
0x1b: {  	[sflag:s29] =	ssyncset.done $0x0  }
0x1c: {  	[sflag:s29] =	ssyncadd.s32 $0xFFFFD800  }
0x1d: {  	_ =	swait.ge [sflag:s16], $0x80  }
0x1e: {  	[sflag:s16] =	ssyncset.done $0x0  }
0x1f: {  	[sflag:s16] =	ssyncadd.s32 $0xFFFFFF80  }
0x20: {  	[spmem:s2] =	stream.indirect.scatter.add.f32 [tilespmem:s30], [sflag:$0x5], $0x80, s0, s28, $0xb8;
	[tilespmem:$0x1FC00] =	vst v63  }
0x21: {  	_ =	swait.ge [sflag:s11], $0x2800  }
0x22: {  	[sflag:s11] =	ssyncset.done $0x0  }
0x23: {  	[sflag:s11] =	ssyncadd.s32 $0xFFFFD800  }
0x24: {  	_ =	swait.ge [sflag:s25], $0x2800  }
0x25: {  	[sflag:s25] =	ssyncset.done $0x0  }
0x26: {  	[sflag:s25] =	ssyncadd.s32 $0xFFFFD800  }
0x27: {  	_ =	swait.ge [sflag:s10], $0x2800  }
0x28: {  	[sflag:s10] =	ssyncset.done $0x0  }
0x29: {  	[sflag:s10] =	ssyncadd.s32 $0xFFFFD800  }
0x2a: {  	s7 =	stileid.u32;
	[bflag:$0x0] =	sbarrier.arrive $0xFFFF  }
0x2b: {  	s22 =	simm.s32 $0xD;
	s7 =	sshll.u32 s7, $0x6;
	s19 =	rddreg [dreg:$0x8]  }
0x2c: {  	s7 =	sor.u32 $0x1C0D, s7;
	s17 =	rddreg [dreg:$0x7];
	s12 =	sshrl.u32 s19, $0x3  }
0x2d: {  	[hbm:s17], [sflag:s7] =	dma.local [spmem:s12], $0x2800  }
0x2e: {  	_ =	swait.ge [sflag:s22], $0x2800  }
0x2f: {  	s1 =	rddreg [dreg:$0x11]  }
0x30: {  	s23 =	rddreg [dreg:$0x9];
	s1 =	sadd.s32 $0x1, s1  }
0x31: {  	p0 =	sne.s32 s1, s23  }
.Ltmp1:
0x32: {  	_ = 	snop;
	(pc) =	sbr.rel @!p0 .LBB2_7-.Ltmp1, $3  }
0x33: {  	_ =	sdelay $0x1  }
0x34: {  	s21 =	simm.s32 $0x4000;
	[sflag:s22] =	ssyncset.done $0x0  }
0x35: {  	[sflag:s22] =	ssyncadd.s32 $0xFFFFD800;
	s22 =	simm.s32 $0x4080;
	s23 =	simm.s32 $0x4100  }
.LBB2_1:
0x36: {  	s7 =	rddreg [dreg:$0x3]  }
0x37: {  	[tilespmem:s3], [sflag:$0x1] =	stream.linear.gather [hbm4b:s7+s3], $0x3E80, $0x38;
	[tilespmem:$0x1FC00] =	vst v63  }
0x38: {  	s9 =	rddreg [dreg:$0x4]  }
0x39: {  	[tilespmem:s21], [sflag:$0x7] =	stream.linear.gather [hbm4b:s9+s3], $0x80, $0x38;
	[tilespmem:$0x1FC00] =	vst v63  }
0x3a: {  	s12 =	rddreg [dreg:$0x5]  }
0x3b: {  	[tilespmem:s22], [sflag:$0x8] =	stream.linear.gather [hbm4b:s12+s3], $0x80, $0x38;
	[tilespmem:$0x1FC00] =	vst v63  }
0x3c: {  	s17 =	rddreg [dreg:$0x6];
	s20 =	sand.u32 $0xFE00, s3  }
0x3d: {  	[tilespmem:s23], [sflag:$0x9] =	stream.linear.gather [hbm4b:s17+s3], $0x80, $0x38;
	[tilespmem:$0x1FC00] =	vst v63  }
0x3e: {  	[dreg:$0x11] =	wrdreg s1;
	s12 =	sand.u32 $0x70, s3;
	s17 =	sshrl.u32 s20, $0x2  }
0x3f: {  	s7 =	simm.s32 $0x40;
	s12 =	sor.u32 s12, s17;
	s17 =	simm.s32 $0x0  }
.LBB2_2:
0x40: {  	p0 =	sne.s32 s7, $0x9FC0  }
0x41: {  	[tilespmem:s12+$0x4400] =	vst v0;
	s17 =	sadd.s32 $0x10, s17;
	s12 =	smov.u32 s7;
	s7 =	sadd.s32 $0x40, s7  }
.Ltmp2:
0x42: {  	(pc) =	sbr.rel @p0 .LBB2_2-.Ltmp2, $4  }
0x43: {  	_ = 	snop  }
0x44: {  	s12 =	sand.u32 $0xFE00, s12  }
0x45: {  	s20 =	sand.u32 $0x70, s17;
	s12 =	sshrl.u32 s12, $0x2  }
0x46: {  	s12 =	sor.u32 s20, s12  }
0x47: {  	[tilespmem:s12+$0x4400] =	vst v0  }
0x48: {  	[spmem:s19] =	stream.linear.scatter [tilespmem:s24], [sflag:$0x4], $0x2800, $0x38;
	[tilespmem:$0x1FC00] =	vst v63  }
0x49: {  	s7 =	rddreg [dreg:$0xa]  }
0x4a: {  	[spmem:s7] =	stream.linear.scatter [tilespmem:s24], [sflag:$0x4], $0x2800, $0x38;
	[tilespmem:$0x1FC00] =	vst v63  }
0x4b: {  	s1 =	rddreg [dreg:$0xb]  }
0x4c: {  	[spmem:s1] =	stream.linear.scatter [tilespmem:s24], [sflag:$0x4], $0x2800, $0x38;
	[tilespmem:$0x1FC00] =	vst v63  }
0x4d: {  	s9 =	rddreg [dreg:$0xc]  }
0x4e: {  	[spmem:s9] =	stream.linear.scatter [tilespmem:s24], [sflag:$0x4], $0x2800, $0x38;
	[tilespmem:$0x1FC00] =	vst v63  }
0x4f: {  	s12 =	rddreg [dreg:$0xd]  }
0x50: {  	[spmem:s12] =	stream.linear.scatter [tilespmem:s24], [sflag:$0x4], $0x2800, $0x38;
	[tilespmem:$0x1FC00] =	vst v63  }
0x51: {  	s17 =	rddreg [dreg:$0xe]  }
0x52: {  	[spmem:s17] =	stream.linear.scatter [tilespmem:s24], [sflag:$0x4], $0x2800, $0x38;
	[tilespmem:$0x1FC00] =	vst v63  }
0x53: {  	s19 =	rddreg [dreg:$0xf]  }
0x54: {  	[spmem:s19] =	stream.linear.scatter [tilespmem:s24], [sflag:$0x4], $0x2800, $0x38;
	[tilespmem:$0x1FC00] =	vst v63  }
0x55: {  	s20 =	rddreg [dreg:$0x10]  }
0x56: {  	[spmem:s20] =	stream.linear.scatter [tilespmem:s24], [sflag:$0x4], $0x2800, $0x38;
	[tilespmem:$0x1FC00] =	vst v63  }
0x57: {  	_ =	swait.ge [sflag:s25], $0x2800  }
0x58: {  	[sflag:s25] =	ssyncset.done $0x0  }
0x59: {  	[sflag:s25] =	ssyncadd.s32 $0xFFFFD800  }
0x5a: {  	_ =	swait.ge [sflag:s25], $0x2800  }
0x5b: {  	[sflag:s25] =	ssyncset.done $0x0  }
0x5c: {  	[sflag:s25] =	ssyncadd.s32 $0xFFFFD800  }
0x5d: {  	_ =	swait.ge [sflag:s25], $0x2800  }
0x5e: {  	[sflag:s25] =	ssyncset.done $0x0  }
0x5f: {  	[sflag:s25] =	ssyncadd.s32 $0xFFFFD800  }
0x60: {  	_ =	swait.ge [sflag:s25], $0x2800  }
0x61: {  	[sflag:s25] =	ssyncset.done $0x0  }
0x62: {  	[sflag:s25] =	ssyncadd.s32 $0xFFFFD800  }
0x63: {  	_ =	swait.ge [sflag:s25], $0x2800  }
0x64: {  	[sflag:s25] =	ssyncset.done $0x0  }
0x65: {  	[sflag:s25] =	ssyncadd.s32 $0xFFFFD800  }
0x66: {  	_ =	swait.ge [sflag:s25], $0x2800  }
0x67: {  	[sflag:s25] =	ssyncset.done $0x0  }
0x68: {  	[sflag:s25] =	ssyncadd.s32 $0xFFFFD800  }
0x69: {  	_ =	swait.ge [sflag:s25], $0x2800  }
0x6a: {  	[sflag:s25] =	ssyncset.done $0x0  }
0x6b: {  	[sflag:s25] =	ssyncadd.s32 $0xFFFFD800  }
0x6c: {  	_ =	swait.ge [sflag:s25], $0x2800  }
0x6d: {  	[sflag:s25] =	ssyncset.done $0x0  }
0x6e: {  	[sflag:s25] =	ssyncadd.s32 $0xFFFFD800  }
0x6f: {  	_ =	swait.ge [sflag:s26], $0x3E80  }
0x70: {  	[sflag:s26] =	ssyncset.done $0x0  }
0x71: {  	[sflag:s26] =	ssyncadd.s32 $0xFFFFC180  }
0x72: {  	s17 =	simm.s32 $0x0;
	[bflag:$0x0] =	sbarrier.arrive $0xFFFF  }
0x73: {  	[tilespmem:s24], [sflag:$0x1] =	stream.indirect.gather [hbm4b:s4+s28], $0x80, s17, s28, $0xb8;
	[tilespmem:$0x1FC00] =	vst v63  }
0x74: {  	s0 =	simm.s32 $0x4200;
	s7 =	simm.s32 $0x380;
	s1 =	simm.s32 $0x80  }
0x75: {  	[tilespmem:s30], [sflag:$0x2] =	stream.indirect.gather [hbm4b:s4+s28], $0x80, s1, s28, $0xb8;
	[tilespmem:$0x1FC00] =	vst v63  }
.LBB2_4:
0x76: {  	p0 =	seq.s32 s17, $0x0  }
0x77: {  	s12 =	simm.s32 @!p0 $0x6  }
0x78: {  	_ =	swait.ge @!p0 [sflag:s12], $0x2800  }
0x79: {  	[sflag:s12] =	ssyncset.done @!p0 $0x0  }
0x7a: {  	s20 =	sadd.s32 $0xFFFFFD80, s7;
	[sflag:s12] =	ssyncadd.s32 @!p0 $0xFFFFD800  }
0x7b: {  	[tilespmem:s31], [sflag:$0x3] =	stream.indirect.gather [hbm4b:s4+s28], $0x80, s20, s28, $0xb8;
	[tilespmem:$0x1FC00] =	vst v63  }
0x7c: {  	_ =	swait.ge [sflag:s26], $0x2800  }
0x7d: {  	[sflag:s26] =	ssyncset.done $0x0  }
0x7e: {  	s1 =	simm.s32 $0x7;
	[sflag:s26] =	ssyncadd.s32 $0xFFFFD800  }
0x7f: {  	_ =	swait.ge [sflag:s1], $0x80  }
0x80: {  	[sflag:s1] =	ssyncset.done $0x0  }
0x81: {  	[sflag:s1] =	ssyncadd.s32 $0xFFFFFF80  }
0x82: {  	[spmem:s2] =	stream.indirect.scatter.add.f32 [tilespmem:s24], [sflag:$0x4], $0x80, s21, s28, $0xb8;
	[tilespmem:$0x1FC00] =	vst v63  }
0x83: {  	s21 =	sadd.s32 $0x180, s17  }
0x84: {  	s20 =	sand.u32 $0xFC00, s21  }
0x85: {  	s12 =	sand.u32 $0x380, s21;
	s20 =	sadd.s32 s6, s20  }
0x86: {  	s12 =	sor.u32 s12, s20  }
0x87: {  	s12 =	sshrl.u32 s12, $0x3  }
0x88: {  	s9 =	simm.s32 $0x4180;
	s12 =	sadd.s32 s5, s12  }
0x89: {  	[tilespmem:s9], [sflag:$0xA] =	stream.linear.gather [hbm4b:s12+s3], $0x80, $0x38;
	[tilespmem:$0x1FC00] =	vst v63  }
0x8a: {  	_ =	swait.ge [sflag:s25], $0x2800  }
0x8b: {  	[sflag:s25] =	ssyncset.done $0x0  }
0x8c: {  	s1 =	sadd.s32 $0xFFFFFE00, s7;
	[sflag:s25] =	ssyncadd.s32 $0xFFFFD800  }
0x8d: {  	[tilespmem:s24], [sflag:$0x1] =	stream.indirect.gather [hbm4b:s4+s28], $0x80, s1, s28, $0xb8;
	[tilespmem:$0x1FC00] =	vst v63  }
0x8e: {  	_ =	swait.ge [sflag:s29], $0x2800  }
0x8f: {  	s19 =	sadd.s32 $0x200, s17;
	[sflag:s29] =	ssyncset.done $0x0  }
0x90: {  	s21 =	sand.u32 $0xFC00, s19;
	[sflag:s29] =	ssyncadd.s32 $0xFFFFD800  }
0x91: {  	s20 =	sadd.s32 s6, s21;
	s12 =	sand.u32 $0x300, s19;
	_ =	swait.ge [sflag:s8], $0x80  }
0x92: {  	s12 =	sor.u32 s12, s20;
	[sflag:s8] =	ssyncset.done $0x0  }
0x93: {  	s12 =	sshrl.u32 s12, $0x3;
	[sflag:s8] =	ssyncadd.s32 $0xFFFFFF80  }
0x94: {  	[spmem:s2] =	stream.indirect.scatter.add.f32 [tilespmem:s30], [sflag:$0x5], $0x80, s22, s28, $0xb8;
	[tilespmem:$0x1FC00] =	vst v63  }
0x95: {  	s12 =	sadd.s32 s5, s12  }
0x96: {  	[tilespmem:s0], [sflag:$0xB] =	stream.linear.gather [hbm4b:s12+s3], $0x80, $0x38;
	[tilespmem:$0x1FC00] =	vst v63  }
0x97: {  	_ =	swait.ge [sflag:s10], $0x2800  }
0x98: {  	[sflag:s10] =	ssyncset.done $0x0  }
0x99: {  	s22 =	sadd.s32 $0xFFFFFE80, s7;
	[sflag:s10] =	ssyncadd.s32 $0xFFFFD800  }
0x9a: {  	[tilespmem:s30], [sflag:$0x2] =	stream.indirect.gather [hbm4b:s4+s28], $0x80, s22, s28, $0xb8;
	[tilespmem:$0x1FC00] =	vst v63  }
0x9b: {  	p0 =	seq.s32 s17, $0x3C00;
	_ =	swait.ge [sflag:s11], $0x2800  }
0x9c: {  	s12 =	sadd.s32 @!p0 $0x280, s17;
	[sflag:s11] =	ssyncset.done $0x0  }
0x9d: {  	s20 =	sand.u32 @!p0 $0xFC00, s12;
	[sflag:s11] =	ssyncadd.s32 $0xFFFFD800  }
0x9e: {  	s19 =	sand.u32 @!p0 $0x380, s12;
	s20 =	sadd.s32 @!p0 s6, s20;
	_ =	swait.ge [sflag:s13], $0x80  }
0x9f: {  	s19 =	sor.u32 @!p0 s19, s20;
	[sflag:s13] =	ssyncset.done $0x0  }
0xa0: {  	s19 =	sshrl.u32 @!p0 s19, $0x3;
	[sflag:s13] =	ssyncadd.s32 $0xFFFFFF80  }
0xa1: {  	[spmem:s2] =	stream.indirect.scatter.add.f32 [tilespmem:s31], [sflag:$0x6], $0x80, s23, s28, $0xb8;
	[tilespmem:$0x1FC00] =	vst v63  }
0xa2: {  	s21 =	simm.s32 @!p0 $0x4280;
	s20 =	simm.s32 @!p0 $0x0;
	s19 =	sadd.s32 @!p0 s5, s19  }
0xa3: {  	[tilespmem:s21], [sflag:$0xC] =	stream.linear.gather @!p0 [hbm4b:s19+s20], $0x80, $0x38;
	[tilespmem:$0x1FC00] =	vst v63  }
0xa4: {  	_ =	swait.ge [sflag:s14], $0x2800  }
0xa5: {  	[sflag:s14] =	ssyncset.done $0x0  }
0xa6: {  	s12 =	simm.s32 @p0 $0x0;
	[sflag:s14] =	ssyncadd.s32 $0xFFFFD800  }
0xa7: {  	[tilespmem:s31], [sflag:$0x3] =	stream.indirect.gather [hbm4b:s4+s28], $0x80, s12, s28, $0xb8;
	[tilespmem:$0x1FC00] =	vst v63  }
0xa8: {  	_ =	swait.ge [sflag:s26], $0x2800  }
0xa9: {  	[sflag:s26] =	ssyncset.done $0x0  }
.Ltmp3:
0xaa: {  	[sflag:s26] =	ssyncadd.s32 $0xFFFFD800;
	(pc) =	sbr.rel @p0 .LBB2_6-.Ltmp3, $4  }
0xab: {  	_ =	swait.ge [sflag:s15], $0x80  }
0xac: {  	s1 =	simm.s32 $0x4100;
	[sflag:s15] =	ssyncset.done $0x0  }
0xad: {  	s22 =	simm.s32 $0x4000;
	s23 =	simm.s32 $0x4080;
	[sflag:s15] =	ssyncadd.s32 $0xFFFFFF80  }
0xae: {  	[spmem:s2] =	stream.indirect.scatter.add.f32 [tilespmem:s24], [sflag:$0x4], $0x80, s9, s28, $0xb8;
	[tilespmem:$0x1FC00] =	vst v63  }
0xaf: {  	s12 =	sadd.s32 $0x300, s17  }
0xb0: {  	s19 =	sand.u32 $0xFC00, s12  }
0xb1: {  	s20 =	sand.u32 $0x300, s12;
	s19 =	sadd.s32 s6, s19  }
0xb2: {  	s19 =	sor.u32 s20, s19  }
0xb3: {  	s19 =	sshrl.u32 s19, $0x3  }
0xb4: {  	s19 =	sadd.s32 s5, s19  }
0xb5: {  	[tilespmem:s22], [sflag:$0x7] =	stream.linear.gather [hbm4b:s19+s3], $0x80, $0x38;
	[tilespmem:$0x1FC00] =	vst v63  }
0xb6: {  	_ =	swait.ge [sflag:s25], $0x2800  }
0xb7: {  	[sflag:s25] =	ssyncset.done $0x0  }
0xb8: {  	s22 =	sadd.s32 $0xFFFFFF80, s7;
	[sflag:s25] =	ssyncadd.s32 $0xFFFFD800  }
0xb9: {  	[tilespmem:s24], [sflag:$0x1] =	stream.indirect.gather [hbm4b:s4+s28], $0x80, s22, s28, $0xb8;
	[tilespmem:$0x1FC00] =	vst v63  }
0xba: {  	_ =	swait.ge [sflag:s29], $0x2800  }
0xbb: {  	s9 =	sadd.s32 $0x380, s17;
	[sflag:s29] =	ssyncset.done $0x0  }
0xbc: {  	s21 =	sand.u32 $0xFC00, s9;
	[sflag:s29] =	ssyncadd.s32 $0xFFFFD800  }
0xbd: {  	s20 =	sadd.s32 s6, s21;
	s19 =	sand.u32 $0x380, s9;
	_ =	swait.ge [sflag:s16], $0x80  }
0xbe: {  	s19 =	sor.u32 s19, s20;
	[sflag:s16] =	ssyncset.done $0x0  }
0xbf: {  	s19 =	sshrl.u32 s19, $0x3;
	[sflag:s16] =	ssyncadd.s32 $0xFFFFFF80  }
0xc0: {  	[spmem:s2] =	stream.indirect.scatter.add.f32 [tilespmem:s30], [sflag:$0x5], $0x80, s0, s28, $0xb8;
	[tilespmem:$0x1FC00] =	vst v63  }
0xc1: {  	s19 =	sadd.s32 s5, s19  }
0xc2: {  	[tilespmem:s23], [sflag:$0x8] =	stream.linear.gather [hbm4b:s19+s3], $0x80, $0x38;
	[tilespmem:$0x1FC00] =	vst v63  }
0xc3: {  	_ =	swait.ge [sflag:s10], $0x2800  }
0xc4: {  	[sflag:s10] =	ssyncset.done $0x0  }
0xc5: {  	[sflag:s10] =	ssyncadd.s32 $0xFFFFD800  }
0xc6: {  	[tilespmem:s30], [sflag:$0x2] =	stream.indirect.gather [hbm4b:s4+s28], $0x80, s7, s28, $0xb8;
	[tilespmem:$0x1FC00] =	vst v63  }
0xc7: {  	_ =	swait.ge [sflag:s11], $0x2800  }
0xc8: {  	s22 =	sadd.s32 $0x400, s17;
	[sflag:s11] =	ssyncset.done $0x0  }
0xc9: {  	s19 =	sand.u32 $0xFC00, s22;
	[sflag:s11] =	ssyncadd.s32 $0xFFFFD800  }
0xca: {  	s23 =	sand.u32 $0x300, s17;
	s19 =	sadd.s32 s6, s19;
	_ =	swait.ge [sflag:s18], $0x80  }
0xcb: {  	s9 =	simm.s32 $0x4280;
	s17 =	sor.u32 s23, s19;
	[sflag:s18] =	ssyncset.done $0x0  }
.Ltmp4:
0xcc: {  	s17 =	sshrl.u32 s17, $0x3;
	[sflag:s18] =	ssyncadd.s32 $0xFFFFFF80;
	(pc) =	sbr.rel .LBB2_4-.Ltmp4, $4  }
0xcd: {  	[spmem:s2] =	stream.indirect.scatter.add.f32 [tilespmem:s31], [sflag:$0x6], $0x80, s9, s28, $0xb8;
	[tilespmem:$0x1FC00] =	vst v63  }
0xce: {  	s21 =	simm.s32 $0x4000;
	s22 =	simm.s32 $0x4080;
	s17 =	sadd.s32 s5, s17  }
0xcf: {  	[tilespmem:s1], [sflag:$0x9] =	stream.linear.gather [hbm4b:s17+s3], $0x80, $0x38;
	[tilespmem:$0x1FC00] =	vst v63  }
0xd0: {  	s23 =	simm.s32 $0x4100;
	s7 =	sadd.s32 $0x300, s7;
	s17 =	smov.u32 s12  }
.LBB2_7:
0xd1: {  	_ =	sfence.sel $0x180000  }
0xd2: {  	[bflag:$0x0] =	sbarrier.arrive $0xFFFF  }
0xd3: {  	_ =	strace $0x9000004D  }
0xd4: {  	s0 =	stileid.u32;
	[bflag:$0x2] =	sbarrier.arrive $0xFFFF  }
0xd5: {  	p0 =	sne.s32 s0, $0x0;
	s0 =	rddreg [dreg:$0x2]  }
0xd6: {  	s0 =	sadd.s32 @!p0 $0x100000, s0  }
0xd7: {  	[sflag:s0] =	ssyncadd.tile.s32 @!p0 $0x1;
	_ =	shalt  }
.Lfunc_end2:
_tile_overlayer_lowered:
.L_overlay_start_2:
0xd8: {  	(tag) =	ssettag $0x2  }
0xd9: {  	s0 =	rddreg [dreg:$0x0];
	s2 =	stileid.u32  }
0xda: {  	s1 =	rddreg [dreg:$0x1];
	p0 =	sne.s32 s2, $0x0  }
0xdb: {  	s3 =	rddreg [dreg:$0x2];
	[bflag:$0x3] =	sbarrier.arrive $0xFFFF;
	s2 =	simm.s32 @!p0 $0x1C0D  }
0xdc: {  	[timem:s3], [sflag:s2] =	dma.local @!p0 [hbm:s0], s1  }
0xdd: {  	s0 =	simm.s32 @!p0 $0xD  }
0xde: {  	_ =	swait.ge @!p0 [sflag:s0], s1  }
0xdf: {  	s1 =	ssub.s32 @!p0 $0x0, s1;
	[sflag:s0] =	ssyncset.done @!p0 $0x0  }
0xe0: {  	[sflag:s0] =	ssyncadd.s32 @!p0 s1  }
0xe1: {  	[bflag:$0x3] =	sbarrier.arrive $0xFFFF  }
0xe2: {  	_ =	shalt  }

// kernel: kernel.8.cloned.1.call-start
scs
__scs_entry_jumppad:
0x0: {  	(pc) =	sbr.rel $0x88, $3  }
0x1: {  	(tag) =	ssettag $0x0;
	lr =	simm.s32 $0x1  }
0x2: {  	[smem:$0x3F99] =	sst lr;
	_ =	strace $0xD0000000  }
0x3: {  	_ = 	snop  }
0x4: {  	_ = 	snop  }
0x5: {  	_ = 	snop  }
0x6: {  	_ = 	snop  }
0x7: {  	_ = 	snop  }
__scs_overlays_trampoline_lowered:
0x8: {  	[smem:$0x3FA8] =	sst s0  }
0x9: {  	[smem:$0x3FA9] =	sst s1  }
0xa: {  	[smem:$0x3FAA] =	sst s2  }
0xb: {  	[smem:$0x3FAB] =	sst s3  }
0xc: {  	[smem:$0x3FAC] =	sst s4  }
0xd: {  	[smem:$0x3FAD] =	sst s5  }
0xe: {  	[smem:$0x3FAE] =	sst s6  }
0xf: {  	[smem:$0x3FAF] =	sst s7  }
0x10: {  	[smem:$0x3FB0] =	sst s8  }
0x11: {  	[smem:$0x3FB1] =	sst s9;
	s0 =	simm.s32 @!p0 $0x0  }
0x12: {  	s1 =	sld [smem:$0x3F97];
	s0 =	simm.s32 @p0 $0x1  }
0x13: {  	[smem:$0x3FB2] =	sst s0;
	s0 =	simm.s32 @!p1 $0x0  }
0x14: {  	s2 =	sld [smem:$0x3F96];
	s0 =	simm.s32 @p1 $0x1  }
0x15: {  	[smem:$0x3FB3] =	sst s0;
	s0 =	simm.s32 @!p2 $0x0  }
0x16: {  	s3 =	sld [smem:$0x3FDB];
	s0 =	simm.s32 @p2 $0x1  }
0x17: {  	s4 =	simm.s32 $0x1BF5;
	[smem:$0x3FB5] =	sst s0  }
0x18: {  	s0 =	sld [smem:$0x3F98];
	_ =	swait.ge [sflag:s4], $0x0  }
0x19: {  	s7 =	sld [smem:$0x3F99]  }
0x1a: {  	s8 =	sadd.s32 $0xFFFFE003, lr  }
0x1b: {  	s9 =	sadd.s32 $0xFFFFFEF7, lr;
	s5 =	simm.s32 $0xFFFFFFFF;
	p2 =	slt.u32 s8, $0xFFFFF086  }
0x1c: {  	p1 =	slt.u32 s9, $0xF7A;
	s5 =	simm.s32 @!p2 $0x0  }
0x1d: {  	s5 =	simm.s32 @p1 $0x1;
	p0 =	seq.s32 s7, s2  }
0x1e: {  	s7 =	smul.u32 @!p0 $0xF7A, s2;
	p2 =	seq.s32 @!p0 s5, $0x0  }
0x1f: {  	s9 =	smul.u32 $0xF7A, s1;
	s8 =	simm.s32 @!p0 $0x1BF5;
	p2 =	por !p2, p0  }
0x20: {  	[sflag:s8] =	ssyncset.s32 @!p0 $0xFFFFF086;
	s6 =	sadd.s32 @!p0 s3, s7;
	s7 =	simm.s32 @!p0 $0x108  }
0x21: {  	s3 =	sadd.s32 s3, s9;
	s6 =	sadd.s32 @!p0 $0x88, s6;
	s7 =	simm.s32 @p2 $0x1082  }
0x22: {  	[simem:s7], [sflag:s8] =	dma.local @!p0 [hbm:s6], $0xF7A  }
0x23: {  	s9 =	sor.u32 $0xD0000000, s2;
	s6 =	simm.s32 $0x108;
	_ =	swait.ge @!p0 [sflag:s8], $0x0  }
0x24: {  	s3 =	sadd.s32 $0x88, s3;
	s6 =	simm.s32 @!p1 $0x1082;
	[sflag:s4] =	ssyncset.s32 $0xFFFFF086  }
0x25: {  	[simem:s6], [sflag:s4] =	dma.local [hbm:s3], $0xF7A  }
0x26: {  	[smem:$0x3F99] =	sst s1;
	(tag) =	ssettag s2;
	_ =	strace s9  }
0x27: {  	s1 =	sld [smem:$0x3FA9]  }
0x28: {  	s2 =	sld [smem:$0x3FAA]  }
0x29: {  	s4 =	sld [smem:$0x3FAC]  }
0x2a: {  	p0 =	seq.s32 s5, $0x0;
	s5 =	sld [smem:$0x3FAD]  }
0x2b: {  	s6 =	sld [smem:$0x3FAE]  }
0x2c: {  	s7 =	sld [smem:$0x3FAF]  }
0x2d: {  	s3 =	simm.s32 $0x108;
	s8 =	sld [smem:$0x3FB0]  }
0x2e: {  	s3 =	simm.s32 @!p0 $0x1082;
	s9 =	sld [smem:$0x3FB1]  }
0x2f: {  	lr =	sadd.s32 s0, s3;
	s0 =	sld [smem:$0x3FA8]  }
0x30: {  	s3 =	sld [smem:$0x3FAB]  }
0x31: {  	[smem:$0x3FB4] =	sst s10  }
0x32: {  	s10 =	sld [smem:$0x3FB2];
	_ =	sdelay $0x3  }
0x33: {  	p0 =	seq.s32 s10, $0x1;
	s10 =	sld [smem:$0x3FB4];
	_ =	sdelay $0x3  }
0x34: {  	[smem:$0x3FB4] =	sst s10  }
0x35: {  	s10 =	sld [smem:$0x3FB3];
	_ =	sdelay $0x3  }
0x36: {  	p1 =	seq.s32 s10, $0x1;
	s10 =	sld [smem:$0x3FB4];
	_ =	sdelay $0x3  }
0x37: {  	[smem:$0x3FB4] =	sst s10  }
0x38: {  	s10 =	sld [smem:$0x3FB5]  }
0x39: {  	_ = 	snop;
	(pc) =	sbr.ind lr, $3  }
0x3a: {  	_ = 	snop  }
0x3b: {  	_ = 	snop  }
0x3c: {  	p2 =	seq.s32 s10, $0x1;
	s10 =	sld [smem:$0x3FB4]  }
0x3d: {  	_ =	shalt  }
0x3e: {  	_ =	shalt  }
0x3f: {  	_ =	shalt  }
0x40: {  	_ =	shalt  }
0x41: {  	_ =	shalt  }
0x42: {  	_ =	shalt  }
0x43: {  	_ =	shalt  }
0x44: {  	_ =	shalt  }
0x45: {  	_ =	shalt  }
0x46: {  	_ =	shalt  }
0x47: {  	_ =	shalt  }
0x48: {  	_ =	shalt  }
0x49: {  	_ =	shalt  }
0x4a: {  	_ =	shalt  }
0x4b: {  	_ =	shalt  }
0x4c: {  	_ =	shalt  }
0x4d: {  	_ =	shalt  }
0x4e: {  	_ =	shalt  }
0x4f: {  	_ =	shalt  }
0x50: {  	_ =	shalt  }
0x51: {  	_ =	shalt  }
0x52: {  	_ =	shalt  }
0x53: {  	_ =	shalt  }
0x54: {  	_ =	shalt  }
0x55: {  	_ =	shalt  }
0x56: {  	_ =	shalt  }
0x57: {  	_ =	shalt  }
0x58: {  	_ =	shalt  }
0x59: {  	_ =	shalt  }
0x5a: {  	_ =	shalt  }
0x5b: {  	_ =	shalt  }
0x5c: {  	_ =	shalt  }
0x5d: {  	_ =	shalt  }
0x5e: {  	_ =	shalt  }
0x5f: {  	_ =	shalt  }
0x60: {  	_ =	shalt  }
0x61: {  	_ =	shalt  }
0x62: {  	_ =	shalt  }
0x63: {  	_ =	shalt  }
0x64: {  	_ =	shalt  }
0x65: {  	_ =	shalt  }
0x66: {  	_ =	shalt  }
0x67: {  	_ =	shalt  }
0x68: {  	_ =	shalt  }
0x69: {  	_ =	shalt  }
0x6a: {  	_ =	shalt  }
0x6b: {  	_ =	shalt  }
0x6c: {  	_ =	shalt  }
0x6d: {  	_ =	shalt  }
0x6e: {  	_ =	shalt  }
0x6f: {  	_ =	shalt  }
0x70: {  	_ =	shalt  }
0x71: {  	_ =	shalt  }
0x72: {  	_ =	shalt  }
0x73: {  	_ =	shalt  }
0x74: {  	_ =	shalt  }
0x75: {  	_ =	shalt  }
0x76: {  	_ =	shalt  }
0x77: {  	_ =	shalt  }
0x78: {  	_ =	shalt  }
0x79: {  	_ =	shalt  }
0x7a: {  	_ =	shalt  }
0x7b: {  	_ =	shalt  }
0x7c: {  	_ =	shalt  }
0x7d: {  	_ =	shalt  }
0x7e: {  	_ =	shalt  }
0x7f: {  	_ =	shalt  }
0x80: {  	_ =	shalt  }
0x81: {  	_ =	shalt  }
0x82: {  	_ =	shalt  }
0x83: {  	_ =	shalt  }
0x84: {  	_ =	shalt  }
0x85: {  	_ =	shalt  }
0x86: {  	_ =	shalt  }
0x87: {  	_ =	shalt  }
.Lfunc_end0:
.L_simem_size_0:
called_computation_lowered:
.L_overlay_start_0:
0x88: {  	s2 =	sld [smem:$0x3FD9]  }
0x89: {  	s3 =	sld [smem:$0x3FFE];
	_ =	sdelay $0x1  }
0x8a: {  	s1 =	srdreg.scid  }
0x8b: {  	s0 =	sand.u32 $0x1, s1  }
0x8c: {  	s16 =	sshll.u32 s0, $0xA;
	s2 =	sadd.s32 s3, s2  }
0x8d: {  	s2 =	sadd.s32 s2, s16  }
0x8e: {  	[smem:$0x3FC0] =	sst s2  }
0x8f: {  	_ = 	snop  }
0x90: {  	(tm) =	ssettm $0x1  }
0x91: {  	s17 =	sld [smem:$0x3FFB];
	_ =	sdelay $0x3  }
0x92: {  	_ =	strace s17  }
0x93: {  	s2 =	sld [smem:$0x3FFC];
	_ =	sdelay $0x3  }
0x94: {  	_ =	strace s2  }
0x95: {  	s2 =	sld [smem:$0x3FFD];
	_ =	sdelay $0x3  }
0x96: {  	_ =	strace s2  }
0x97: {  	_ =	strace $0x8FFFFFFF  }
0x98: {  	s18 =	sld [smem:$0x3FDB];
	_ =	sdelay $0x1  }
0x99: {  	s19 =	simm.s32 $_scs_section_size  }
0x9a: {  	s4 =	simm.s32 $_size__tile_overlayer_lowered;
	s5 =	simm.s32 $_tile_overlayer_lowered  }
0x9b: {  	s22 =	simm.s32 $0x1BFF;
	s21 =	sshll.u32 s5, $0x1;
	s2 =	sadd.s32 s19, s18  }
0x9c: {  	s6 =	simm.s32 $0x0;
	s20 =	sshll.u32 s4, $0x1;
	s4 =	sadd.s32 s21, s2  }
0x9d: {  	[timem:s6], [sflag:s22] =	dma.local [hbm:s4], s20  }
0x9e: {  	_ =	swait.ge [sflag:s22], s20  }
0x9f: {  	s3 =	ssub.s32 $0x0, s20;
	[sflag:s22] =	ssyncset.done $0x0  }
0xa0: {  	[sflag:s22] =	ssyncadd.s32 s3;
	_ =	sdelay $0x1  }
0xa1: {  	s23 =	simm.s32 $0x1B8B  }
0xa2: {  	_ =	swait.ge [sflag:s23], $0x1  }
0xa3: {  	[sflag:s23] =	ssyncset.done $0x0  }
0xa4: {  	s25 =	simm.s32 $0x1B8E;
	s24 =	sld [smem:$0x3FFE];
	[sflag:s23] =	ssyncadd.s32 $0xFFFFFFFF  }
0xa5: {  	s26 =	simm.s32 $execute0_lowered;
	[smem:$0x3FD2] =	sst s25  }
0xa6: {  	s4 =	sshll.u32 s26, $0x1;
	_ =	strace $0x80000046;
	[dreg:$0x1] =	wrdreg $0xFFFFFFFF  }
0xa7: {  	s28 =	simm.s32 $_size_execute0_lowered;
	s2 =	sadd.s32 s2, s4;
	[dreg:$0x0] =	wrdreg $0x0  }
0xa8: {  	s4 =	sshll.u32 s28, $0x1;
	[dreg:$0x2] =	wrdreg s2  }
0xa9: {  	[dreg:$0x3] =	wrdreg s4  }
0xaa: {  	[dreg:$0x4] =	wrdreg $0xC0  }
0xab: {  	_ =	task [dreg:s6], $0x5FFFF  }
0xac: {  	[dreg:$0x1] =	wrdreg $0xFFFFFFFF  }
0xad: {  	[dreg:$0x0] =	wrdreg $0x60  }
0xae: {  	[dreg:$0x2] =	wrdreg s24  }
0xaf: {  	[dreg:$0x3] =	wrdreg $0x43000  }
0xb0: {  	[dreg:$0x4] =	wrdreg $0x9  }
0xb1: {  	_ =	task.clear_ibuf [dreg:s6], $0x5FFFF;
	_ =	strace $0x90000046  }
0xb2: {  	s29 =	simm.s32 $0x9;
	_ =	strace $0x80000048  }
0xb3: {  	_ =	swait.ge [sflag:s29], $0x1  }
0xb4: {  	[sflag:s29] =	ssyncadd.s32 $0xFFFFFFFF  }
0xb5: {  	_ =	strace $0x90000048  }
0xb6: {  	_ =	sfence  }
0xb7: {  	s30 =	sld [smem:$0x0];
	_ =	sdelay $0x2  }
0xb8: {  	s31 =	sshll.u32 s1, $0xD;
	s1 =	sshrl.u32 s1, $0x2  }
0xb9: {  	s3 =	sand.u32 $0x4000, s31;
	s1 =	sadd.s32 s1, s30  }
0xba: {  	s0 =	sor.u32 s3, s0;
	s1 =	sshll.u32 s1, $0x11  }
0xbb: {  	s0 =	sor.u32 s1, s0  }
0xbc: {  	s0 =	sadd.s32 $0x8F2B, s0  }
0xbd: {  	[sflag:s0] =	ssyncadd.remote.s32 $0x1  }
0xbe: {  	_ =	sfence.sel $0xFFFF  }
0xbf: {  	[dreg:$0x0] =	wrdreg $0xFFFFFFFF;
	(pc) =	sbr.abs _section_cstart, $3  }
0xc0: {  	[dreg:$0x1] =	wrdreg $0xFFFFFFFF  }
0xc1: {  	_ =	task.clear_ibuf [dreg:s6], $0x2FFFF;
	_ =	strace $0x9FFFFFFF  }
0xc2: {  	(tm) =	ssettm $0x7FFFFFFF  }
0xc3: {  	_ =	shalt  }
tec
execute0_lowered:
.L_overlay_start_1:
0x0: {  	(tag) =	ssettag $0x1  }
0x1: {  	s4 =	rddreg [dreg:$0x0]  }
0x2: {  	s1 =	srdreg.scid;
	s0 =	stileid.u32  }
0x3: {  	s2 =	rddreg [dreg:$0x1];
	s3 =	simm.s32 $0x0;
	s10 =	simm.s32 $0x1  }
0x4: {  	s11 =	simm.s32 $0x50;
	s12 =	simm.s32 $0x4000;
	s13 =	simm.s32 $0x2  }
0x5: {  	s16 =	simm.s32 $0x20;
	s17 =	simm.s32 $0x10;
	s18 =	simm.s32 $0x0  }
0x6: {  	s5 =	sand.u32 $0x1, s1;
	s6 =	smul.u32 $0x500, s0;
	s1 =	rddreg [dreg:$0x2]  }
0x7: {  	[smem:$0x7FF] =	sst s3;
	s28 =	sshll.u32 s0, $0xC;
	s9 =	smul.u32 $0xA00, s0  }
0x8: {  	s14 =	sshll.u32 s0, $0x6;
	s7 =	sshll.u32 s5, $0x7;
	s8 =	sshll.u32 s5, $0xB  }
0x9: {  	_ =	strace $0x80000047;
	s5 =	ssub.s32 $0x2, s5;
	s14 =	sor.u32 $0x1C03, s14  }
0xa: {  	s6 =	sor.u32 s7, s6;
	s26 =	sadd.s32 s8, s4;
	s29 =	sshrl.u32 s5, $0x1  }
0xb: {  	s31 =	sshrl.u32 s9, $0x2;
	s8 =	simm.s32 $0x4080;
	s9 =	simm.s32 $0x3  }
0xc: {  	s6 =	sshrl.u32 s6, $0x3;
	s7 =	sadd.s32 s28, s26;
	s30 =	ssub.s32 s5, s29  }
0xd: {  	s5 =	sadd.s32 s31, s2;
	s6 =	sadd.s32 s6, s4;
	s4 =	sadd.s32 $0x12600, s7  }
0xe: {  	v0 =	vimm.f32 $0.0e+00;
	v1 =	vimm.f32 $1.000000000e+00;
	s7 =	smax.u32 s30, $0x1;
	s15 =	sshrl.u32 s5, $0x3;
	s6 =	sadd.s32 $0x22600, s6  }
.LBB2_1:
0xf: {  	[tilespmem:s3], [sflag:$0x1] =	stream.linear.gather [hbm4b:s4+s3], $0x3E80, $0x38;
	[tilespmem:$0x4580] =	vst v63  }
0x10: {  	[tilespmem:$0x4080] =	vst v0  }
0x11: {  	[tilespmem:$0x4090] =	vst v0  }
0x12: {  	[tilespmem:$0x40A0] =	vst v0  }
0x13: {  	[tilespmem:$0x40B0] =	vst v0  }
0x14: {  	[tilespmem:$0x40C0] =	vst v0  }
0x15: {  	[tilespmem:$0x40D0] =	vst v0  }
0x16: {  	[tilespmem:$0x40E0] =	vst v0  }
0x17: {  	[tilespmem:$0x40F0] =	vst v0  }
0x18: {  	[tilespmem:$0x4100] =	vst v0  }
0x19: {  	[tilespmem:$0x4110] =	vst v0  }
0x1a: {  	[tilespmem:$0x4120] =	vst v0  }
0x1b: {  	[tilespmem:$0x4130] =	vst v0  }
0x1c: {  	[tilespmem:$0x4140] =	vst v0  }
0x1d: {  	[tilespmem:$0x4150] =	vst v0  }
0x1e: {  	[tilespmem:$0x4160] =	vst v0  }
0x1f: {  	[tilespmem:$0x4170] =	vst v0  }
0x20: {  	[tilespmem:$0x4180] =	vst v0  }
0x21: {  	[tilespmem:$0x4190] =	vst v0  }
0x22: {  	[tilespmem:$0x41A0] =	vst v0  }
0x23: {  	[tilespmem:$0x41B0] =	vst v0  }
0x24: {  	[tilespmem:$0x41C0] =	vst v0  }
0x25: {  	[tilespmem:$0x41D0] =	vst v0  }
0x26: {  	[tilespmem:$0x41E0] =	vst v0  }
0x27: {  	[tilespmem:$0x41F0] =	vst v0  }
0x28: {  	[tilespmem:$0x4200] =	vst v0  }
0x29: {  	[tilespmem:$0x4210] =	vst v0  }
0x2a: {  	[tilespmem:$0x4220] =	vst v0  }
0x2b: {  	[tilespmem:$0x4230] =	vst v0  }
0x2c: {  	[tilespmem:$0x4240] =	vst v0  }
0x2d: {  	[tilespmem:$0x4250] =	vst v0  }
0x2e: {  	[tilespmem:$0x4260] =	vst v0  }
0x2f: {  	[tilespmem:$0x4270] =	vst v0  }
0x30: {  	[tilespmem:$0x4280] =	vst v0  }
0x31: {  	[tilespmem:$0x4290] =	vst v0  }
0x32: {  	[tilespmem:$0x42A0] =	vst v0  }
0x33: {  	[tilespmem:$0x42B0] =	vst v0  }
0x34: {  	[tilespmem:$0x42C0] =	vst v0  }
0x35: {  	[tilespmem:$0x42D0] =	vst v0  }
0x36: {  	[tilespmem:$0x42E0] =	vst v0  }
0x37: {  	[tilespmem:$0x42F0] =	vst v0  }
0x38: {  	[tilespmem:$0x4000] =	vst v1  }
0x39: {  	[tilespmem:$0x4010] =	vst v1  }
0x3a: {  	[tilespmem:$0x4020] =	vst v1  }
0x3b: {  	[tilespmem:$0x4030] =	vst v1  }
0x3c: {  	[tilespmem:$0x4040] =	vst v1  }
0x3d: {  	[spmem:s5] =	stream.linear.scatter [tilespmem:s8], [sflag:$0x3], $0x280, $0x38;
	[tilespmem:$0x4580] =	vst v63  }
0x3e: {  	_ =	swait.ge [sflag:s9], $0x280  }
0x3f: {  	[sflag:s9] =	ssyncset.done $0x0  }
0x40: {  	[sflag:s9] =	ssyncadd.s32 $0xFFFFFD80  }
0x41: {  	_ =	swait.ge [sflag:s10], $0x3E80  }
0x42: {  	[sflag:s10] =	ssyncset.done $0x0  }
0x43: {  	p0 =	por $0x1, $0x1;
	[sflag:s10] =	ssyncadd.s32 $0xFFFFC180  }
0x44: {  	s21 =	simm.s32 @!p0 $0x2;
	[bflag:$0x0] =	sbarrier.arrive $0xFFFF  }
0x45: {  	[spmem:s2] =	stream.indirect.scatter.add.f32 [tilespmem:s12], [sflag:$0x2], $0x1, s3, s11, $0xb8;
	[tilespmem:$0x4580] =	vst v63  }
0x46: {  	_ =	swait.ge @!p0 [sflag:s21], $0x50  }
0x47: {  	s19 =	simm.s32 $0x1;
	s20 =	simm.s32 $0x0;
	[sflag:s21] =	ssyncset.done @!p0 $0x0  }
.LBB2_2:
0x48: {  	[sflag:s21] =	ssyncadd.s32 @!p0 $0xFFFFFFB0  }
0x49: {  	s20 =	sadd.s32 $0x80, s20;
	s21 =	smov.u32 s19;
	s19 =	sadd.s32 $0x1, s19  }
0x4a: {  	p1 =	sne.s32 s19, $0x7D  }
0x4b: {  	[spmem:s2] =	stream.indirect.scatter.add.f32 [tilespmem:s12], [sflag:$0x2], $0x1, s20, s11, $0xb8;
	[tilespmem:$0x4580] =	vst v63  }
.Ltmp0:
0x4c: {  	_ = 	snop;
	(pc) =	sbr.rel @p1 .LBB2_2-.Ltmp0, $4  }
0x4d: {  	p0 =	slt.u32 s21, $0x8  }
0x4e: {  	s21 =	simm.s32 @!p0 $0x2  }
0x4f: {  	_ =	swait.ge @!p0 [sflag:s21], $0x50  }
0x50: {  	[sflag:s21] =	ssyncset.done @!p0 $0x0  }
0x51: {  	[sflag:s21] =	ssyncadd.s32 @!p0 $0xFFFFFFB0  }
0x52: {  	_ =	swait.ge [sflag:s13], $0x50  }
0x53: {  	[sflag:s13] =	ssyncset.done $0x0  }
0x54: {  	[sflag:s13] =	ssyncadd.s32 $0xFFFFFFB0  }
0x55: {  	_ =	swait.ge [sflag:s13], $0x50  }
0x56: {  	[sflag:s13] =	ssyncset.done $0x0  }
0x57: {  	[sflag:s13] =	ssyncadd.s32 $0xFFFFFFB0  }
0x58: {  	_ =	swait.ge [sflag:s13], $0x50  }
0x59: {  	[sflag:s13] =	ssyncset.done $0x0  }
0x5a: {  	[sflag:s13] =	ssyncadd.s32 $0xFFFFFFB0  }
0x5b: {  	_ =	swait.ge [sflag:s13], $0x50  }
0x5c: {  	[sflag:s13] =	ssyncset.done $0x0  }
0x5d: {  	[sflag:s13] =	ssyncadd.s32 $0xFFFFFFB0  }
0x5e: {  	_ =	swait.ge [sflag:s13], $0x50  }
0x5f: {  	[sflag:s13] =	ssyncset.done $0x0  }
0x60: {  	[sflag:s13] =	ssyncadd.s32 $0xFFFFFFB0  }
0x61: {  	_ =	swait.ge [sflag:s13], $0x50  }
0x62: {  	[sflag:s13] =	ssyncset.done $0x0  }
0x63: {  	[sflag:s13] =	ssyncadd.s32 $0xFFFFFFB0  }
0x64: {  	_ =	swait.ge [sflag:s13], $0x50  }
0x65: {  	[sflag:s13] =	ssyncset.done $0x0  }
0x66: {  	[sflag:s13] =	ssyncadd.s32 $0xFFFFFFB0  }
0x67: {  	_ =	swait.ge [sflag:s13], $0x50  }
0x68: {  	s18 =	sadd.s32 $0x1, s18;
	[sflag:s13] =	ssyncset.done $0x0  }
0x69: {  	p0 =	sne.s32 s18, s7;
	[sflag:s13] =	ssyncadd.s32 $0xFFFFFFB0  }
.Ltmp1:
0x6a: {  	[bflag:$0x0] =	sbarrier.arrive $0xFFFF;
	(pc) =	sbr.rel @p0 .LBB2_1-.Ltmp1, $4  }
0x6b: {  	[hbm:s6@s16], [sflag:s14] =	dma.strided [spmem:s15@s17], $0x50, s10, $0x10   }
0x6c: {  	_ =	swait.ge [sflag:s9], $0x50  }
0x6d: {  	[sflag:s9] =	ssyncset.done $0x0  }
0x6e: {  	[sflag:s9] =	ssyncadd.s32 $0xFFFFFFB0  }
0x6f: {  	_ =	sfence.sel $0x180000  }
0x70: {  	[bflag:$0x0] =	sbarrier.arrive $0xFFFF  }
0x71: {  	p0 =	sne.s32 s0, $0x0;
	_ =	strace $0x90000047  }
0x72: {  	s0 =	sadd.s32 @!p0 $0x100000, s1;
	[bflag:$0x2] =	sbarrier.arrive $0xFFFF  }
0x73: {  	[sflag:s0] =	ssyncadd.tile.s32 @!p0 $0x1;
	_ =	shalt  }
.Lfunc_end2:
_tile_overlayer_lowered:
.L_overlay_start_2:
0x74: {  	(tag) =	ssettag $0x2  }
0x75: {  	s0 =	rddreg [dreg:$0x0];
	s2 =	stileid.u32  }
0x76: {  	s1 =	rddreg [dreg:$0x1];
	p0 =	sne.s32 s2, $0x0  }
0x77: {  	s3 =	rddreg [dreg:$0x2];
	[bflag:$0x3] =	sbarrier.arrive $0xFFFF;
	s2 =	simm.s32 @!p0 $0x1C03  }
0x78: {  	[timem:s3], [sflag:s2] =	dma.local @!p0 [hbm:s0], s1  }
0x79: {  	s0 =	simm.s32 @!p0 $0x3  }
0x7a: {  	_ =	swait.ge @!p0 [sflag:s0], s1  }
0x7b: {  	s1 =	ssub.s32 @!p0 $0x0, s1;
	[sflag:s0] =	ssyncset.done @!p0 $0x0  }
0x7c: {  	[sflag:s0] =	ssyncadd.s32 @!p0 s1  }
0x7d: {  	[bflag:$0x3] =	sbarrier.arrive $0xFFFF  }
0x7e: {  	_ =	shalt  }

</sc_bundles>
